<compile_context>
chip_gen: v7x
topology: tpu7x:2x2x1
jax: 0.10.2.dev20260603
libtpu: 0.0.44.dev20260713+nightly
codegen_flags: <defaults>
</compile_context>

<pallas_src>
import functools

import jax
import jax.numpy as jnp
from jax import lax
from jax.experimental import pallas as pl
from jax.experimental.pallas import tpu as pltpu
from jax.experimental.pallas import tpu_sc as plsc

NC = 2
NS = 16
NW = NC * NS
CHUNK = 128
N_PAD = 10240
DUMMY = 10100
MM_BLOCK = 512
DEG_W = 32
K_G = 4
K_GD = 8


def _vs_mesh():
    return plsc.VectorSubcoreMesh(
        core_axis_name="c", subcore_axis_name="s", num_cores=NC, num_subcores=NS
    )




@functools.lru_cache(maxsize=None)
def _deg_kernel(k_chunks: int):
    rows = N_PAD // NS
    assert k_chunks % K_GD == 0
    n_grp = k_chunks // K_GD

    def body(dst_hbm, ones_hbm, zero_hbm, out_hbm, acc_sh, dst_v, ones_v, sem):
        c = lax.axis_index("c")
        s = lax.axis_index("s")
        w = s * NC + c
        h1 = pltpu.async_copy(zero_hbm.at[pl.ds(s * rows, rows)],
                              acc_sh.at[pl.ds(s * rows, rows)], sem)
        h2 = pltpu.async_copy(ones_hbm, ones_v, sem)
        h3 = pltpu.async_copy(dst_hbm.at[w], dst_v, sem)
        h1.wait()
        h2.wait()
        h3.wait()
        plsc.subcore_barrier()

        def fire(grp):
            for bb in range(K_GD):
                pltpu.async_copy(ones_v, acc_sh.at[dst_v.at[grp * K_GD + bb]],
                                 sem, add=True)

        fire(0)

        @pl.loop(0, n_grp)
        def _grp(p):
            @pl.when(p < n_grp - 1)
            def _():
                fire(p + 1)

            for bb in range(K_GD):
                pltpu.make_async_copy(
                    zero_hbm.at[pl.ds(0, CHUNK)], ones_v, sem).wait()

        plsc.subcore_barrier()
        pltpu.sync_copy(acc_sh.at[pl.ds(s * rows, rows)],
                        out_hbm.at[c, pl.ds(s * rows, rows)])

    return pl.kernel(
        body,
        out_type=jax.ShapeDtypeStruct((NC, N_PAD, DEG_W), jnp.float32),
        compiler_params=pltpu.CompilerParams(use_tc_tiling_on_sc=False),
        mesh=_vs_mesh(),
        scratch_types=[
            pltpu.VMEM_SHARED((N_PAD, DEG_W), jnp.float32),
            pltpu.VMEM((k_chunks, CHUNK), jnp.int32),
            pltpu.VMEM((CHUNK, DEG_W), jnp.float32),
            pltpu.SemaphoreType.DMA,
        ],
    )


@functools.lru_cache(maxsize=None)
def _hop_kernel(k_chunks: int, width: int):
    rows = N_PAD // NS
    assert k_chunks % (2 * K_G) == 0
    n_pairs = k_chunks // (2 * K_G)

    def body(g_hbm, src_hbm, dst_hbm, zero_hbm, out_hbm,
             acc_sh, table_sh, src_v, dst_v, rows_v, sem_g, sem_s):
        c = lax.axis_index("c")
        s = lax.axis_index("s")
        w = s * NC + c
        h1 = pltpu.async_copy(zero_hbm.at[pl.ds(s * rows, rows)],
                              acc_sh.at[pl.ds(s * rows, rows)], sem_g)
        h2 = pltpu.async_copy(g_hbm.at[pl.ds(s * rows, rows)],
                              table_sh.at[pl.ds(s * rows, rows)], sem_g)
        h3 = pltpu.async_copy(src_hbm.at[w], src_v, sem_g)
        h4 = pltpu.async_copy(dst_hbm.at[w], dst_v, sem_g)
        h1.wait()
        h2.wait()
        h3.wait()
        h4.wait()
        plsc.subcore_barrier()

        def fire_g(grp, half):
            for bb in range(K_G):
                pltpu.async_copy(table_sh.at[src_v.at[grp * K_G + bb]],
                                 rows_v.at[half, bb], sem_g)

        def fire_s(grp, half):
            for bb in range(K_G):
                pltpu.async_copy(rows_v.at[half, bb],
                                 acc_sh.at[dst_v.at[grp * K_G + bb]],
                                 sem_s, add=True)

        def drain(sem):
            for bb in range(K_G):
                pltpu.make_async_copy(
                    g_hbm.at[pl.ds(0, CHUNK)], rows_v.at[0, 0], sem).wait()

        fire_g(0, 0)

        @pl.loop(0, n_pairs)
        def _pair(p):
            drain(sem_g)
            fire_g(2 * p + 1, 1)
            fire_s(2 * p, 0)
            drain(sem_s)

            @pl.when(p < n_pairs - 1)
            def _():
                fire_g(2 * p + 2, 0)

            drain(sem_g)
            fire_s(2 * p + 1, 1)
            drain(sem_s)

        plsc.subcore_barrier()
        pltpu.sync_copy(acc_sh.at[pl.ds(s * rows, rows)],
                        out_hbm.at[c, pl.ds(s * rows, rows)])

    return pl.kernel(
        body,
        out_type=jax.ShapeDtypeStruct((NC, N_PAD, width), jnp.float32),
        compiler_params=pltpu.CompilerParams(use_tc_tiling_on_sc=False),
        mesh=_vs_mesh(),
        scratch_types=[
            pltpu.VMEM_SHARED((N_PAD, width), jnp.float32),
            pltpu.VMEM_SHARED((N_PAD, width), jnp.float32),
            pltpu.VMEM((k_chunks, CHUNK), jnp.int32),
            pltpu.VMEM((k_chunks, CHUNK), jnp.int32),
            pltpu.VMEM((2, K_G, CHUNK, width), jnp.float32),
            pltpu.SemaphoreType.DMA,
            pltpu.SemaphoreType.DMA,
        ],
    )




def _mm_norm(xp, w, degp, n_nodes):
    f = xp.shape[1]
    cdim = w.shape[1]

    def body(x_ref, w_ref, p_ref, g0_ref, nb_ref, n2_ref):
        i = pl.program_id(0)
        y = jnp.dot(x_ref[...], w_ref[...], preferred_element_type=jnp.float32,
                    precision=lax.Precision.HIGHEST)
        dsum = p_ref[0, :, :1] + p_ref[1, :, :1]
        row = i * MM_BLOCK + lax.broadcasted_iota(jnp.int32, (MM_BLOCK, 1), 0)
        nrm = jnp.where(row < n_nodes, lax.rsqrt(jnp.maximum(dsum, 1.0)), 0.0)
        g0_ref[...] = nrm * y
        nb_ref[...] = jnp.broadcast_to(nrm, (MM_BLOCK, cdim))
        n2_ref[...] = jnp.broadcast_to(nrm * nrm, (MM_BLOCK, cdim))

    out = jax.ShapeDtypeStruct((N_PAD, cdim), jnp.float32)
    return pl.pallas_call(
        body,
        grid=(N_PAD // MM_BLOCK,),
        in_specs=[
            pl.BlockSpec((MM_BLOCK, f), lambda i: (i, 0)),
            pl.BlockSpec((f, cdim), lambda i: (0, 0)),
            pl.BlockSpec((NC, MM_BLOCK, DEG_W), lambda i: (0, i, 0)),
        ],
        out_specs=[pl.BlockSpec((MM_BLOCK, cdim), lambda i: (i, 0))] * 3,
        out_shape=[out, out, out],
    )(xp, w, degp)


def _pad_edges(edge_index, e_pad):
    e = edge_index.shape[1]

    def body(e_ref, o_ref):
        o_ref[:, :e] = e_ref[...]
        o_ref[:, e:] = jnp.full((2, e_pad - e), DUMMY, jnp.int32)

    return pl.pallas_call(
        body,
        out_shape=jax.ShapeDtypeStruct((2, e_pad), jnp.int32),
    )(edge_index)


def _scale(svec, a, c_arr, bias):
    cdim = a.shape[1]

    def body(s_ref, a_ref, c_ref, b_ref, o_ref):
        o_ref[...] = s_ref[...] * (a_ref[...] + c_ref[...]) + b_ref[...]

    return pl.pallas_call(
        body,
        out_shape=jax.ShapeDtypeStruct((N_PAD, cdim), jnp.float32),
    )(svec, a, c_arr, bias)




def kernel(features, edge_index, W, b):
    n, _ = features.shape
    cdim = W.shape[1]
    e = edge_index.shape[1]
    kc_align = 8
    k_chunks = -(-e // (NW * CHUNK))
    k_chunks = -(-k_chunks // kc_align) * kc_align
    e_pad = NW * CHUNK * k_chunks

    ep = _pad_edges(edge_index, e_pad)
    src3 = ep[0].reshape(NW, k_chunks, CHUNK)
    dst3 = ep[1].reshape(NW, k_chunks, CHUNK)

    xp = jnp.pad(features, ((0, N_PAD - n), (0, 0)))
    zeros_w = jnp.zeros((N_PAD, cdim), jnp.float32)
    zeros_d = jnp.zeros((N_PAD, DEG_W), jnp.float32)
    ones_d = jnp.ones((CHUNK, DEG_W), jnp.float32)

    degp = _deg_kernel(k_chunks)(dst3, ones_d, zeros_d)
    g0, norm_b, norm2_b = _mm_norm(xp, W, degp, n)
    hop = _hop_kernel(k_chunks, cdim)
    p1 = hop(g0, src3, dst3, zeros_w)
    g1 = _scale(norm2_b, p1[0], p1[1], jnp.zeros((1, cdim), jnp.float32))
    p2 = hop(g1, src3, dst3, zeros_w)
    out = _scale(norm_b, p2[0], p2[1], jnp.reshape(b, (1, cdim)))
    return out[:n]

# --- scband reference (transcript-rebuilt; emitter-appended) ---
"""Pipeline reference for scband-sgc-73718818669209 (READ-ONLY COPY).

The authoritative reference and input builder live on the scoring server;
editing this copy changes nothing except your own understanding.
"""

import jax, jax.numpy as jnp
import numpy as np

N_NODES = 10000
N_EDGES = 320000
IN_FEATS = 128
N_CLASSES = 32
NUM_K = 2


def setup_inputs(seed: int = 0) -> dict:
    key = jax.random.key(seed)
    k1, k2, k3 = jax.random.split(key, 3)
    features = jax.random.normal(k1, (N_NODES, IN_FEATS), dtype=jnp.float32)
    edge_index = jax.random.randint(k2, (2, N_EDGES), 0, N_NODES, dtype=jnp.int32)
    # SGConv linear layer parameters (in_feats -> n_classes)
    W = jax.random.normal(k3, (IN_FEATS, N_CLASSES), dtype=jnp.float32) * 0.05
    b = jnp.zeros((N_CLASSES,), dtype=jnp.float32)
    return {"features": features, "edge_index": edge_index, "W": W, "b": b}


def reference(features, edge_index, W, b):
    # Faithful translation of DGL SGConv with k=NUM_K, norm='both', cached semantics ignored
    # (single forward pass). h = (D^{-1/2} A D^{-1/2})^k X, then linear.
    src = edge_index[0]
    dst = edge_index[1]
    # in-degrees, clamped to min 1 (as in DGL SGConv)
    deg = jnp.zeros((N_NODES,), dtype=features.dtype).at[dst].add(1.0)
    deg = jnp.clip(deg, 1.0, None)
    norm = jnp.power(deg, -0.5)
    h = features
    for _ in range(NUM_K):
        h = h * norm[:, None]
        msg = jnp.take(h, src, axis=0)
        h = jax.ops.segment_sum(msg, dst, num_segments=N_NODES)
        h = h * norm[:, None]
    return h @ W + b

if __name__ == "__main__":
    import jax
    _d = setup_inputs()
    print(jax.jit(kernel)(*tuple(_d.values())))

</pallas_src>

<mosaic_0001>
#map = affine_map<(d0, d1) -> (0, 0, 0)>
#map1 = affine_map<(d0, d1) -> (0, 0)>
module attributes {stable_mosaic.version = 14 : i64} {
  func.func @body(%arg0: i32, %arg1: i32, %arg2: memref<32x80x128xi32, #tpu.memory_space<hbm>>, %arg3: memref<128x32xf32, #tpu.memory_space<hbm>>, %arg4: memref<10240x32xf32, #tpu.memory_space<hbm>>, %arg5: memref<2x10240x32xf32, #tpu.memory_space<hbm>>, %arg6: memref<10240x32xf32, #tpu.memory_space<vmem_shared>>, %arg7: memref<80x128xi32, #tpu.memory_space<vmem>>, %arg8: memref<128x32xf32, #tpu.memory_space<vmem>>, %arg9: memref<!tpu.dma_semaphore, #tpu.memory_space<semaphore_mem>>) attributes {dimension_semantics = [#tpu.dimension_semantics<core_parallel>, #tpu.dimension_semantics<subcore_parallel>], iteration_bounds = array<i64: 2, 16>, scalar_prefetch = 0 : i64, scratch_operands = 4 : i64, tpu.core_type = #tpu.core_type<sc_vector_subcore>, window_params = [{transform_indices = #map}, {transform_indices = #map1}, {transform_indices = #map1}, {transform_indices = #map}]} {
    %mul3A = arith.constant 2 : i32
    %mul3A_0 = arith.muli %arg1, %mul3A : i32
    %add3A = arith.addi %mul3A_0, %arg0 : i32
    %mul3A_1 = arith.constant 640 : i32
    %mul3A_2 = arith.muli %arg1, %mul3A_1 : i32
    %mul3A_3 = arith.constant 640 : i32
    %mul3A_4 = arith.muli %arg1, %mul3A_3 : i32
    %dma_start3A = arith.constant 0 : i32
    %dma_start3A_5 = tpu.memref_slice %arg6[%mul3A_4, %dma_start3A] : memref<10240x32xf32, #tpu.memory_space<vmem_shared>> -> memref<640x32xf32, #tpu.memory_space<vmem_shared>>
    %dma_start3A_6 = arith.constant 0 : i32
    %dma_start3A_7 = tpu.memref_slice %arg4[%mul3A_2, %dma_start3A_6] : memref<10240x32xf32, #tpu.memory_space<hbm>> -> memref<640x32xf32, #tpu.memory_space<hbm>>
    tpu.enqueue_dma source(%dma_start3A_7 : memref<640x32xf32, #tpu.memory_space<hbm>>) target(%dma_start3A_5 : memref<640x32xf32, #tpu.memory_space<vmem_shared>>) target_semaphore(%arg9 : memref<!tpu.dma_semaphore, #tpu.memory_space<semaphore_mem>>)
    tpu.enqueue_dma source(%arg3 : memref<128x32xf32, #tpu.memory_space<hbm>>) target(%arg8 : memref<128x32xf32, #tpu.memory_space<vmem>>) target_semaphore(%arg9 : memref<!tpu.dma_semaphore, #tpu.memory_space<semaphore_mem>>)
    %dma_start3A_8 = arith.constant 0 : i32
    %dma_start3A_9 = arith.constant 0 : i32
    %dma_start3A_10 = tpu.memref_slice %arg2[%add3A, %dma_start3A_8, %dma_start3A_9] : memref<32x80x128xi32, #tpu.memory_space<hbm>> -> memref<1x80x128xi32, #tpu.memory_space<hbm>>
    %dma_start3A_11 = tpu.memref_squeeze %dma_start3A_10 : memref<1x80x128xi32, #tpu.memory_space<hbm>> -> memref<80x128xi32, #tpu.memory_space<hbm>>
    %dma_start3A_12 = arith.constant 0 : i32
    %dma_start3A_13 = arith.constant 0 : i32
    %dma_start3A_14 = tpu.memref_slice %arg2[%add3A, %dma_start3A_12, %dma_start3A_13] : memref<32x80x128xi32, #tpu.memory_space<hbm>> -> memref<1x80x128xi32, #tpu.memory_space<hbm>>
    %dma_start3A_15 = tpu.memref_squeeze %dma_start3A_14 : memref<1x80x128xi32, #tpu.memory_space<hbm>> -> memref<80x128xi32, #tpu.memory_space<hbm>>
    tpu.enqueue_dma source(%dma_start3A_15 : memref<80x128xi32, #tpu.memory_space<hbm>>) target(%arg7 : memref<80x128xi32, #tpu.memory_space<vmem>>) target_semaphore(%arg9 : memref<!tpu.dma_semaphore, #tpu.memory_space<semaphore_mem>>)
    %dma_wait3A = arith.constant 0 : i32
    %dma_wait3A_16 = tpu.memref_slice %arg6[%mul3A_4, %dma_wait3A] : memref<10240x32xf32, #tpu.memory_space<vmem_shared>> -> memref<640x32xf32, #tpu.memory_space<vmem_shared>>
    %dma_wait3A_17 = arith.constant 0 : i32
    %dma_wait3A_18 = tpu.memref_slice %arg4[%mul3A_2, %dma_wait3A_17] : memref<10240x32xf32, #tpu.memory_space<hbm>> -> memref<640x32xf32, #tpu.memory_space<hbm>>
    tpu.wait_dma2 semaphore(%arg9 : memref<!tpu.dma_semaphore, #tpu.memory_space<semaphore_mem>>) src(%dma_wait3A_18 : memref<640x32xf32, #tpu.memory_space<hbm>>) dst(%dma_wait3A_16 : memref<640x32xf32, #tpu.memory_space<vmem_shared>>)
    tpu.wait_dma2 semaphore(%arg9 : memref<!tpu.dma_semaphore, #tpu.memory_space<semaphore_mem>>) src(%arg3 : memref<128x32xf32, #tpu.memory_space<hbm>>) dst(%arg8 : memref<128x32xf32, #tpu.memory_space<vmem>>)
    %dma_wait3A_19 = arith.constant 0 : i32
    %dma_wait3A_20 = arith.constant 0 : i32
    %dma_wait3A_21 = tpu.memref_slice %arg2[%add3A, %dma_wait3A_19, %dma_wait3A_20] : memref<32x80x128xi32, #tpu.memory_space<hbm>> -> memref<1x80x128xi32, #tpu.memory_space<hbm>>
    %dma_wait3A_22 = tpu.memref_squeeze %dma_wait3A_21 : memref<1x80x128xi32, #tpu.memory_space<hbm>> -> memref<80x128xi32, #tpu.memory_space<hbm>>
    %dma_wait3A_23 = arith.constant 0 : i32
    %dma_wait3A_24 = arith.constant 0 : i32
    %dma_wait3A_25 = tpu.memref_slice %arg2[%add3A, %dma_wait3A_23, %dma_wait3A_24] : memref<32x80x128xi32, #tpu.memory_space<hbm>> -> memref<1x80x128xi32, #tpu.memory_space<hbm>>
    %dma_wait3A_26 = tpu.memref_squeeze %dma_wait3A_25 : memref<1x80x128xi32, #tpu.memory_space<hbm>> -> memref<80x128xi32, #tpu.memory_space<hbm>>
    tpu.wait_dma2 semaphore(%arg9 : memref<!tpu.dma_semaphore, #tpu.memory_space<semaphore_mem>>) src(%dma_wait3A_26 : memref<80x128xi32, #tpu.memory_space<hbm>>) dst(%arg7 : memref<80x128xi32, #tpu.memory_space<vmem>>)
    %barrier3A = arith.constant 0 : index
    tpu.barrier barrier_id(%barrier3A)
    %dma_start3A_27 = arith.constant 0 : i32
    %dma_start3A_28 = arith.constant 0 : i32
    %dma_start3A_29 = tpu.memref_slice %arg7[%dma_start3A_27, %dma_start3A_28] : memref<80x128xi32, #tpu.memory_space<vmem>> -> memref<1x128xi32, #tpu.memory_space<vmem>>
    %dma_start3A_30 = tpu.memref_squeeze %dma_start3A_29 : memref<1x128xi32, #tpu.memory_space<vmem>> -> memref<128xi32, #tpu.memory_space<vmem>>
    %dma_start3A_31 = arith.constant 0 : i32
    %dma_start3A_32 = arith.constant 0 : i32
    %dma_start3A_33 = tpu.memref_slice %arg6[%dma_start3A_31, %dma_start3A_32] : memref<10240x32xf32, #tpu.memory_space<vmem_shared>> -> memref<10240x32xf32, #tpu.memory_space<vmem_shared>>
    tpu.enqueue_indirect_dma source(%arg8 : memref<128x32xf32, #tpu.memory_space<vmem>>) target(%dma_start3A_33 : memref<10240x32xf32, #tpu.memory_space<vmem_shared>>) offsets(%dma_start3A_30 : memref<128xi32, #tpu.memory_space<vmem>>) semaphore(%arg9 : memref<!tpu.dma_semaphore, #tpu.memory_space<semaphore_mem>>) {add = true}
    %dma_start3A_34 = arith.constant 1 : i32
    %dma_start3A_35 = arith.constant 0 : i32
    %dma_start3A_36 = tpu.memref_slice %arg7[%dma_start3A_34, %dma_start3A_35] : memref<80x128xi32, #tpu.memory_space<vmem>> -> memref<1x128xi32, #tpu.memory_space<vmem>>
    %dma_start3A_37 = tpu.memref_squeeze %dma_start3A_36 : memref<1x128xi32, #tpu.memory_space<vmem>> -> memref<128xi32, #tpu.memory_space<vmem>>
    %dma_start3A_38 = arith.constant 0 : i32
    %dma_start3A_39 = arith.constant 0 : i32
    %dma_start3A_40 = tpu.memref_slice %arg6[%dma_start3A_38, %dma_start3A_39] : memref<10240x32xf32, #tpu.memory_space<vmem_shared>> -> memref<10240x32xf32, #tpu.memory_space<vmem_shared>>
    tpu.enqueue_indirect_dma source(%arg8 : memref<128x32xf32, #tpu.memory_space<vmem>>) target(%dma_start3A_40 : memref<10240x32xf32, #tpu.memory_space<vmem_shared>>) offsets(%dma_start3A_37 : memref<128xi32, #tpu.memory_space<vmem>>) semaphore(%arg9 : memref<!tpu.dma_semaphore, #tpu.memory_space<semaphore_mem>>) {add = true}
    %dma_start3A_41 = arith.constant 2 : i32
    %dma_start3A_42 = arith.constant 0 : i32
    %dma_start3A_43 = tpu.memref_slice %arg7[%dma_start3A_41, %dma_start3A_42] : memref<80x128xi32, #tpu.memory_space<vmem>> -> memref<1x128xi32, #tpu.memory_space<vmem>>
    %dma_start3A_44 = tpu.memref_squeeze %dma_start3A_43 : memref<1x128xi32, #tpu.memory_space<vmem>> -> memref<128xi32, #tpu.memory_space<vmem>>
    %dma_start3A_45 = arith.constant 0 : i32
    %dma_start3A_46 = arith.constant 0 : i32
    %dma_start3A_47 = tpu.memref_slice %arg6[%dma_start3A_45, %dma_start3A_46] : memref<10240x32xf32, #tpu.memory_space<vmem_shared>> -> memref<10240x32xf32, #tpu.memory_space<vmem_shared>>
    tpu.enqueue_indirect_dma source(%arg8 : memref<128x32xf32, #tpu.memory_space<vmem>>) target(%dma_start3A_47 : memref<10240x32xf32, #tpu.memory_space<vmem_shared>>) offsets(%dma_start3A_44 : memref<128xi32, #tpu.memory_space<vmem>>) semaphore(%arg9 : memref<!tpu.dma_semaphore, #tpu.memory_space<semaphore_mem>>) {add = true}
    %dma_start3A_48 = arith.constant 3 : i32
    %dma_start3A_49 = arith.constant 0 : i32
    %dma_start3A_50 = tpu.memref_slice %arg7[%dma_start3A_48, %dma_start3A_49] : memref<80x128xi32, #tpu.memory_space<vmem>> -> memref<1x128xi32, #tpu.memory_space<vmem>>
    %dma_start3A_51 = tpu.memref_squeeze %dma_start3A_50 : memref<1x128xi32, #tpu.memory_space<vmem>> -> memref<128xi32, #tpu.memory_space<vmem>>
    %dma_start3A_52 = arith.constant 0 : i32
    %dma_start3A_53 = arith.constant 0 : i32
    %dma_start3A_54 = tpu.memref_slice %arg6[%dma_start3A_52, %dma_start3A_53] : memref<10240x32xf32, #tpu.memory_space<vmem_shared>> -> memref<10240x32xf32, #tpu.memory_space<vmem_shared>>
    tpu.enqueue_indirect_dma source(%arg8 : memref<128x32xf32, #tpu.memory_space<vmem>>) target(%dma_start3A_54 : memref<10240x32xf32, #tpu.memory_space<vmem_shared>>) offsets(%dma_start3A_51 : memref<128xi32, #tpu.memory_space<vmem>>) semaphore(%arg9 : memref<!tpu.dma_semaphore, #tpu.memory_space<semaphore_mem>>) {add = true}
    %dma_start3A_55 = arith.constant 4 : i32
    %dma_start3A_56 = arith.constant 0 : i32
    %dma_start3A_57 = tpu.memref_slice %arg7[%dma_start3A_55, %dma_start3A_56] : memref<80x128xi32, #tpu.memory_space<vmem>> -> memref<1x128xi32, #tpu.memory_space<vmem>>
    %dma_start3A_58 = tpu.memref_squeeze %dma_start3A_57 : memref<1x128xi32, #tpu.memory_space<vmem>> -> memref<128xi32, #tpu.memory_space<vmem>>
    %dma_start3A_59 = arith.constant 0 : i32
    %dma_start3A_60 = arith.constant 0 : i32
    %dma_start3A_61 = tpu.memref_slice %arg6[%dma_start3A_59, %dma_start3A_60] : memref<10240x32xf32, #tpu.memory_space<vmem_shared>> -> memref<10240x32xf32, #tpu.memory_space<vmem_shared>>
    tpu.enqueue_indirect_dma source(%arg8 : memref<128x32xf32, #tpu.memory_space<vmem>>) target(%dma_start3A_61 : memref<10240x32xf32, #tpu.memory_space<vmem_shared>>) offsets(%dma_start3A_58 : memref<128xi32, #tpu.memory_space<vmem>>) semaphore(%arg9 : memref<!tpu.dma_semaphore, #tpu.memory_space<semaphore_mem>>) {add = true}
    %dma_start3A_62 = arith.constant 5 : i32
    %dma_start3A_63 = arith.constant 0 : i32
    %dma_start3A_64 = tpu.memref_slice %arg7[%dma_start3A_62, %dma_start3A_63] : memref<80x128xi32, #tpu.memory_space<vmem>> -> memref<1x128xi32, #tpu.memory_space<vmem>>
    %dma_start3A_65 = tpu.memref_squeeze %dma_start3A_64 : memref<1x128xi32, #tpu.memory_space<vmem>> -> memref<128xi32, #tpu.memory_space<vmem>>
    %dma_start3A_66 = arith.constant 0 : i32
    %dma_start3A_67 = arith.constant 0 : i32
    %dma_start3A_68 = tpu.memref_slice %arg6[%dma_start3A_66, %dma_start3A_67] : memref<10240x32xf32, #tpu.memory_space<vmem_shared>> -> memref<10240x32xf32, #tpu.memory_space<vmem_shared>>
    tpu.enqueue_indirect_dma source(%arg8 : memref<128x32xf32, #tpu.memory_space<vmem>>) target(%dma_start3A_68 : memref<10240x32xf32, #tpu.memory_space<vmem_shared>>) offsets(%dma_start3A_65 : memref<128xi32, #tpu.memory_space<vmem>>) semaphore(%arg9 : memref<!tpu.dma_semaphore, #tpu.memory_space<semaphore_mem>>) {add = true}
    %dma_start3A_69 = arith.constant 6 : i32
    %dma_start3A_70 = arith.constant 0 : i32
    %dma_start3A_71 = tpu.memref_slice %arg7[%dma_start3A_69, %dma_start3A_70] : memref<80x128xi32, #tpu.memory_space<vmem>> -> memref<1x128xi32, #tpu.memory_space<vmem>>
    %dma_start3A_72 = tpu.memref_squeeze %dma_start3A_71 : memref<1x128xi32, #tpu.memory_space<vmem>> -> memref<128xi32, #tpu.memory_space<vmem>>
    %dma_start3A_73 = arith.constant 0 : i32
    %dma_start3A_74 = arith.constant 0 : i32
    %dma_start3A_75 = tpu.memref_slice %arg6[%dma_start3A_73, %dma_start3A_74] : memref<10240x32xf32, #tpu.memory_space<vmem_shared>> -> memref<10240x32xf32, #tpu.memory_space<vmem_shared>>
    tpu.enqueue_indirect_dma source(%arg8 : memref<128x32xf32, #tpu.memory_space<vmem>>) target(%dma_start3A_75 : memref<10240x32xf32, #tpu.memory_space<vmem_shared>>) offsets(%dma_start3A_72 : memref<128xi32, #tpu.memory_space<vmem>>) semaphore(%arg9 : memref<!tpu.dma_semaphore, #tpu.memory_space<semaphore_mem>>) {add = true}
    %dma_start3A_76 = arith.constant 7 : i32
    %dma_start3A_77 = arith.constant 0 : i32
    %dma_start3A_78 = tpu.memref_slice %arg7[%dma_start3A_76, %dma_start3A_77] : memref<80x128xi32, #tpu.memory_space<vmem>> -> memref<1x128xi32, #tpu.memory_space<vmem>>
    %dma_start3A_79 = tpu.memref_squeeze %dma_start3A_78 : memref<1x128xi32, #tpu.memory_space<vmem>> -> memref<128xi32, #tpu.memory_space<vmem>>
    %dma_start3A_80 = arith.constant 0 : i32
    %dma_start3A_81 = arith.constant 0 : i32
    %dma_start3A_82 = tpu.memref_slice %arg6[%dma_start3A_80, %dma_start3A_81] : memref<10240x32xf32, #tpu.memory_space<vmem_shared>> -> memref<10240x32xf32, #tpu.memory_space<vmem_shared>>
    tpu.enqueue_indirect_dma source(%arg8 : memref<128x32xf32, #tpu.memory_space<vmem>>) target(%dma_start3A_82 : memref<10240x32xf32, #tpu.memory_space<vmem_shared>>) offsets(%dma_start3A_79 : memref<128xi32, #tpu.memory_space<vmem>>) semaphore(%arg9 : memref<!tpu.dma_semaphore, #tpu.memory_space<semaphore_mem>>) {add = true}
    %scan3A = arith.constant 0 : i32
    %scan3A_83 = arith.constant 10 : i32
    %scan3A_84 = arith.addi %scan3A, %scan3A_83 : i32
    %scan3A_85 = arith.constant 1 : i32
    scf.for %scan3A_92 = %scan3A to %scan3A_84 step %scan3A_85  : i32 {
      %mul3A_93 = arith.constant 1 : i32
      %mul3A_94 = arith.muli %scan3A_92, %mul3A_93 : i32
      %add3A_95 = arith.constant 0 : i32
      %add3A_96 = arith.addi %add3A_95, %mul3A_94 : i32
      %lt3A = arith.constant 9 : i32
      %lt3A_97 = arith.cmpi slt, %add3A_96, %lt3A : i32
      %convert_element_type3A = arith.extui %lt3A_97 : i1 to i32
      %cond3A = arith.constant 0 : i32
      %cond3A_98 = arith.cmpi ne, %convert_element_type3A, %cond3A : i32
      scf.if %cond3A_98 {
        %add3A_147 = arith.constant 1 : i32
        %add3A_148 = arith.addi %add3A_96, %add3A_147 : i32
        %mul3A_149 = arith.constant 8 : i32
        %mul3A_150 = arith.muli %add3A_148, %mul3A_149 : i32
        %add3A_151 = arith.constant 0 : i32
        %add3A_152 = arith.addi %mul3A_150, %add3A_151 : i32
        %dma_start3A_153 = arith.constant 0 : i32
        %dma_start3A_154 = tpu.memref_slice %arg7[%add3A_152, %dma_start3A_153] : memref<80x128xi32, #tpu.memory_space<vmem>> -> memref<1x128xi32, #tpu.memory_space<vmem>>
        %dma_start3A_155 = tpu.memref_squeeze %dma_start3A_154 : memref<1x128xi32, #tpu.memory_space<vmem>> -> memref<128xi32, #tpu.memory_space<vmem>>
        %dma_start3A_156 = arith.constant 0 : i32
        %dma_start3A_157 = arith.constant 0 : i32
        %dma_start3A_158 = tpu.memref_slice %arg6[%dma_start3A_156, %dma_start3A_157] : memref<10240x32xf32, #tpu.memory_space<vmem_shared>> -> memref<10240x32xf32, #tpu.memory_space<vmem_shared>>
        tpu.enqueue_indirect_dma source(%arg8 : memref<128x32xf32, #tpu.memory_space<vmem>>) target(%dma_start3A_158 : memref<10240x32xf32, #tpu.memory_space<vmem_shared>>) offsets(%dma_start3A_155 : memref<128xi32, #tpu.memory_space<vmem>>) semaphore(%arg9 : memref<!tpu.dma_semaphore, #tpu.memory_space<semaphore_mem>>) {add = true}
        %mul3A_159 = arith.constant 8 : i32
        %mul3A_160 = arith.muli %add3A_148, %mul3A_159 : i32
        %add3A_161 = arith.constant 1 : i32
        %add3A_162 = arith.addi %mul3A_160, %add3A_161 : i32
        %dma_start3A_163 = arith.constant 0 : i32
        %dma_start3A_164 = tpu.memref_slice %arg7[%add3A_162, %dma_start3A_163] : memref<80x128xi32, #tpu.memory_space<vmem>> -> memref<1x128xi32, #tpu.memory_space<vmem>>
        %dma_start3A_165 = tpu.memref_squeeze %dma_start3A_164 : memref<1x128xi32, #tpu.memory_space<vmem>> -> memref<128xi32, #tpu.memory_space<vmem>>
        %dma_start3A_166 = arith.constant 0 : i32
        %dma_start3A_167 = arith.constant 0 : i32
        %dma_start3A_168 = tpu.memref_slice %arg6[%dma_start3A_166, %dma_start3A_167] : memref<10240x32xf32, #tpu.memory_space<vmem_shared>> -> memref<10240x32xf32, #tpu.memory_space<vmem_shared>>
        tpu.enqueue_indirect_dma source(%arg8 : memref<128x32xf32, #tpu.memory_space<vmem>>) target(%dma_start3A_168 : memref<10240x32xf32, #tpu.memory_space<vmem_shared>>) offsets(%dma_start3A_165 : memref<128xi32, #tpu.memory_space<vmem>>) semaphore(%arg9 : memref<!tpu.dma_semaphore, #tpu.memory_space<semaphore_mem>>) {add = true}
        %mul3A_169 = arith.constant 8 : i32
        %mul3A_170 = arith.muli %add3A_148, %mul3A_169 : i32
        %add3A_171 = arith.constant 2 : i32
        %add3A_172 = arith.addi %mul3A_170, %add3A_171 : i32
        %dma_start3A_173 = arith.constant 0 : i32
        %dma_start3A_174 = tpu.memref_slice %arg7[%add3A_172, %dma_start3A_173] : memref<80x128xi32, #tpu.memory_space<vmem>> -> memref<1x128xi32, #tpu.memory_space<vmem>>
        %dma_start3A_175 = tpu.memref_squeeze %dma_start3A_174 : memref<1x128xi32, #tpu.memory_space<vmem>> -> memref<128xi32, #tpu.memory_space<vmem>>
        %dma_start3A_176 = arith.constant 0 : i32
        %dma_start3A_177 = arith.constant 0 : i32
        %dma_start3A_178 = tpu.memref_slice %arg6[%dma_start3A_176, %dma_start3A_177] : memref<10240x32xf32, #tpu.memory_space<vmem_shared>> -> memref<10240x32xf32, #tpu.memory_space<vmem_shared>>
        tpu.enqueue_indirect_dma source(%arg8 : memref<128x32xf32, #tpu.memory_space<vmem>>) target(%dma_start3A_178 : memref<10240x32xf32, #tpu.memory_space<vmem_shared>>) offsets(%dma_start3A_175 : memref<128xi32, #tpu.memory_space<vmem>>) semaphore(%arg9 : memref<!tpu.dma_semaphore, #tpu.memory_space<semaphore_mem>>) {add = true}
        %mul3A_179 = arith.constant 8 : i32
        %mul3A_180 = arith.muli %add3A_148, %mul3A_179 : i32
        %add3A_181 = arith.constant 3 : i32
        %add3A_182 = arith.addi %mul3A_180, %add3A_181 : i32
        %dma_start3A_183 = arith.constant 0 : i32
        %dma_start3A_184 = tpu.memref_slice %arg7[%add3A_182, %dma_start3A_183] : memref<80x128xi32, #tpu.memory_space<vmem>> -> memref<1x128xi32, #tpu.memory_space<vmem>>
        %dma_start3A_185 = tpu.memref_squeeze %dma_start3A_184 : memref<1x128xi32, #tpu.memory_space<vmem>> -> memref<128xi32, #tpu.memory_space<vmem>>
        %dma_start3A_186 = arith.constant 0 : i32
        %dma_start3A_187 = arith.constant 0 : i32
        %dma_start3A_188 = tpu.memref_slice %arg6[%dma_start3A_186, %dma_start3A_187] : memref<10240x32xf32, #tpu.memory_space<vmem_shared>> -> memref<10240x32xf32, #tpu.memory_space<vmem_shared>>
        tpu.enqueue_indirect_dma source(%arg8 : memref<128x32xf32, #tpu.memory_space<vmem>>) target(%dma_start3A_188 : memref<10240x32xf32, #tpu.memory_space<vmem_shared>>) offsets(%dma_start3A_185 : memref<128xi32, #tpu.memory_space<vmem>>) semaphore(%arg9 : memref<!tpu.dma_semaphore, #tpu.memory_space<semaphore_mem>>) {add = true}
        %mul3A_189 = arith.constant 8 : i32
        %mul3A_190 = arith.muli %add3A_148, %mul3A_189 : i32
        %add3A_191 = arith.constant 4 : i32
        %add3A_192 = arith.addi %mul3A_190, %add3A_191 : i32
        %dma_start3A_193 = arith.constant 0 : i32
        %dma_start3A_194 = tpu.memref_slice %arg7[%add3A_192, %dma_start3A_193] : memref<80x128xi32, #tpu.memory_space<vmem>> -> memref<1x128xi32, #tpu.memory_space<vmem>>
        %dma_start3A_195 = tpu.memref_squeeze %dma_start3A_194 : memref<1x128xi32, #tpu.memory_space<vmem>> -> memref<128xi32, #tpu.memory_space<vmem>>
        %dma_start3A_196 = arith.constant 0 : i32
        %dma_start3A_197 = arith.constant 0 : i32
        %dma_start3A_198 = tpu.memref_slice %arg6[%dma_start3A_196, %dma_start3A_197] : memref<10240x32xf32, #tpu.memory_space<vmem_shared>> -> memref<10240x32xf32, #tpu.memory_space<vmem_shared>>
        tpu.enqueue_indirect_dma source(%arg8 : memref<128x32xf32, #tpu.memory_space<vmem>>) target(%dma_start3A_198 : memref<10240x32xf32, #tpu.memory_space<vmem_shared>>) offsets(%dma_start3A_195 : memref<128xi32, #tpu.memory_space<vmem>>) semaphore(%arg9 : memref<!tpu.dma_semaphore, #tpu.memory_space<semaphore_mem>>) {add = true}
        %mul3A_199 = arith.constant 8 : i32
        %mul3A_200 = arith.muli %add3A_148, %mul3A_199 : i32
        %add3A_201 = arith.constant 5 : i32
        %add3A_202 = arith.addi %mul3A_200, %add3A_201 : i32
        %dma_start3A_203 = arith.constant 0 : i32
        %dma_start3A_204 = tpu.memref_slice %arg7[%add3A_202, %dma_start3A_203] : memref<80x128xi32, #tpu.memory_space<vmem>> -> memref<1x128xi32, #tpu.memory_space<vmem>>
        %dma_start3A_205 = tpu.memref_squeeze %dma_start3A_204 : memref<1x128xi32, #tpu.memory_space<vmem>> -> memref<128xi32, #tpu.memory_space<vmem>>
        %dma_start3A_206 = arith.constant 0 : i32
        %dma_start3A_207 = arith.constant 0 : i32
        %dma_start3A_208 = tpu.memref_slice %arg6[%dma_start3A_206, %dma_start3A_207] : memref<10240x32xf32, #tpu.memory_space<vmem_shared>> -> memref<10240x32xf32, #tpu.memory_space<vmem_shared>>
        tpu.enqueue_indirect_dma source(%arg8 : memref<128x32xf32, #tpu.memory_space<vmem>>) target(%dma_start3A_208 : memref<10240x32xf32, #tpu.memory_space<vmem_shared>>) offsets(%dma_start3A_205 : memref<128xi32, #tpu.memory_space<vmem>>) semaphore(%arg9 : memref<!tpu.dma_semaphore, #tpu.memory_space<semaphore_mem>>) {add = true}
        %mul3A_209 = arith.constant 8 : i32
        %mul3A_210 = arith.muli %add3A_148, %mul3A_209 : i32
        %add3A_211 = arith.constant 6 : i32
        %add3A_212 = arith.addi %mul3A_210, %add3A_211 : i32
        %dma_start3A_213 = arith.constant 0 : i32
        %dma_start3A_214 = tpu.memref_slice %arg7[%add3A_212, %dma_start3A_213] : memref<80x128xi32, #tpu.memory_space<vmem>> -> memref<1x128xi32, #tpu.memory_space<vmem>>
        %dma_start3A_215 = tpu.memref_squeeze %dma_start3A_214 : memref<1x128xi32, #tpu.memory_space<vmem>> -> memref<128xi32, #tpu.memory_space<vmem>>
        %dma_start3A_216 = arith.constant 0 : i32
        %dma_start3A_217 = arith.constant 0 : i32
        %dma_start3A_218 = tpu.memref_slice %arg6[%dma_start3A_216, %dma_start3A_217] : memref<10240x32xf32, #tpu.memory_space<vmem_shared>> -> memref<10240x32xf32, #tpu.memory_space<vmem_shared>>
        tpu.enqueue_indirect_dma source(%arg8 : memref<128x32xf32, #tpu.memory_space<vmem>>) target(%dma_start3A_218 : memref<10240x32xf32, #tpu.memory_space<vmem_shared>>) offsets(%dma_start3A_215 : memref<128xi32, #tpu.memory_space<vmem>>) semaphore(%arg9 : memref<!tpu.dma_semaphore, #tpu.memory_space<semaphore_mem>>) {add = true}
        %mul3A_219 = arith.constant 8 : i32
        %mul3A_220 = arith.muli %add3A_148, %mul3A_219 : i32
        %add3A_221 = arith.constant 7 : i32
        %add3A_222 = arith.addi %mul3A_220, %add3A_221 : i32
        %dma_start3A_223 = arith.constant 0 : i32
        %dma_start3A_224 = tpu.memref_slice %arg7[%add3A_222, %dma_start3A_223] : memref<80x128xi32, #tpu.memory_space<vmem>> -> memref<1x128xi32, #tpu.memory_space<vmem>>
        %dma_start3A_225 = tpu.memref_squeeze %dma_start3A_224 : memref<1x128xi32, #tpu.memory_space<vmem>> -> memref<128xi32, #tpu.memory_space<vmem>>
        %dma_start3A_226 = arith.constant 0 : i32
        %dma_start3A_227 = arith.constant 0 : i32
        %dma_start3A_228 = tpu.memref_slice %arg6[%dma_start3A_226, %dma_start3A_227] : memref<10240x32xf32, #tpu.memory_space<vmem_shared>> -> memref<10240x32xf32, #tpu.memory_space<vmem_shared>>
        tpu.enqueue_indirect_dma source(%arg8 : memref<128x32xf32, #tpu.memory_space<vmem>>) target(%dma_start3A_228 : memref<10240x32xf32, #tpu.memory_space<vmem_shared>>) offsets(%dma_start3A_225 : memref<128xi32, #tpu.memory_space<vmem>>) semaphore(%arg9 : memref<!tpu.dma_semaphore, #tpu.memory_space<semaphore_mem>>) {add = true}
      } else {
      }
      %dma_wait3A_99 = arith.constant 0 : i32
      %dma_wait3A_100 = arith.constant 0 : i32
      %dma_wait3A_101 = tpu.memref_slice %arg4[%dma_wait3A_99, %dma_wait3A_100] : memref<10240x32xf32, #tpu.memory_space<hbm>> -> memref<128x32xf32, #tpu.memory_space<hbm>>
      %dma_wait3A_102 = arith.constant 0 : i32
      %dma_wait3A_103 = arith.constant 0 : i32
      %dma_wait3A_104 = tpu.memref_slice %arg4[%dma_wait3A_102, %dma_wait3A_103] : memref<10240x32xf32, #tpu.memory_space<hbm>> -> memref<128x32xf32, #tpu.memory_space<hbm>>
      tpu.wait_dma2 semaphore(%arg9 : memref<!tpu.dma_semaphore, #tpu.memory_space<semaphore_mem>>) src(%dma_wait3A_104 : memref<128x32xf32, #tpu.memory_space<hbm>>) dst(%arg8 : memref<128x32xf32, #tpu.memory_space<vmem>>)
      %dma_wait3A_105 = arith.constant 0 : i32
      %dma_wait3A_106 = arith.constant 0 : i32
      %dma_wait3A_107 = tpu.memref_slice %arg4[%dma_wait3A_105, %dma_wait3A_106] : memref<10240x32xf32, #tpu.memory_space<hbm>> -> memref<128x32xf32, #tpu.memory_space<hbm>>
      %dma_wait3A_108 = arith.constant 0 : i32
      %dma_wait3A_109 = arith.constant 0 : i32
      %dma_wait3A_110 = tpu.memref_slice %arg4[%dma_wait3A_108, %dma_wait3A_109] : memref<10240x32xf32, #tpu.memory_space<hbm>> -> memref<128x32xf32, #tpu.memory_space<hbm>>
      tpu.wait_dma2 semaphore(%arg9 : memref<!tpu.dma_semaphore, #tpu.memory_space<semaphore_mem>>) src(%dma_wait3A_110 : memref<128x32xf32, #tpu.memory_space<hbm>>) dst(%arg8 : memref<128x32xf32, #tpu.memory_space<vmem>>)
      %dma_wait3A_111 = arith.constant 0 : i32
      %dma_wait3A_112 = arith.constant 0 : i32
      %dma_wait3A_113 = tpu.memref_slice %arg4[%dma_wait3A_111, %dma_wait3A_112] : memref<10240x32xf32, #tpu.memory_space<hbm>> -> memref<128x32xf32, #tpu.memory_space<hbm>>
      %dma_wait3A_114 = arith.constant 0 : i32
      %dma_wait3A_115 = arith.constant 0 : i32
      %dma_wait3A_116 = tpu.memref_slice %arg4[%dma_wait3A_114, %dma_wait3A_115] : memref<10240x32xf32, #tpu.memory_space<hbm>> -> memref<128x32xf32, #tpu.memory_space<hbm>>
      tpu.wait_dma2 semaphore(%arg9 : memref<!tpu.dma_semaphore, #tpu.memory_space<semaphore_mem>>) src(%dma_wait3A_116 : memref<128x32xf32, #tpu.memory_space<hbm>>) dst(%arg8 : memref<128x32xf32, #tpu.memory_space<vmem>>)
      %dma_wait3A_117 = arith.constant 0 : i32
      %dma_wait3A_118 = arith.constant 0 : i32
      %dma_wait3A_119 = tpu.memref_slice %arg4[%dma_wait3A_117, %dma_wait3A_118] : memref<10240x32xf32, #tpu.memory_space<hbm>> -> memref<128x32xf32, #tpu.memory_space<hbm>>
      %dma_wait3A_120 = arith.constant 0 : i32
      %dma_wait3A_121 = arith.constant 0 : i32
      %dma_wait3A_122 = tpu.memref_slice %arg4[%dma_wait3A_120, %dma_wait3A_121] : memref<10240x32xf32, #tpu.memory_space<hbm>> -> memref<128x32xf32, #tpu.memory_space<hbm>>
      tpu.wait_dma2 semaphore(%arg9 : memref<!tpu.dma_semaphore, #tpu.memory_space<semaphore_mem>>) src(%dma_wait3A_122 : memref<128x32xf32, #tpu.memory_space<hbm>>) dst(%arg8 : memref<128x32xf32, #tpu.memory_space<vmem>>)
      %dma_wait3A_123 = arith.constant 0 : i32
      %dma_wait3A_124 = arith.constant 0 : i32
      %dma_wait3A_125 = tpu.memref_slice %arg4[%dma_wait3A_123, %dma_wait3A_124] : memref<10240x32xf32, #tpu.memory_space<hbm>> -> memref<128x32xf32, #tpu.memory_space<hbm>>
      %dma_wait3A_126 = arith.constant 0 : i32
      %dma_wait3A_127 = arith.constant 0 : i32
      %dma_wait3A_128 = tpu.memref_slice %arg4[%dma_wait3A_126, %dma_wait3A_127] : memref<10240x32xf32, #tpu.memory_space<hbm>> -> memref<128x32xf32, #tpu.memory_space<hbm>>
      tpu.wait_dma2 semaphore(%arg9 : memref<!tpu.dma_semaphore, #tpu.memory_space<semaphore_mem>>) src(%dma_wait3A_128 : memref<128x32xf32, #tpu.memory_space<hbm>>) dst(%arg8 : memref<128x32xf32, #tpu.memory_space<vmem>>)
      %dma_wait3A_129 = arith.constant 0 : i32
      %dma_wait3A_130 = arith.constant 0 : i32
      %dma_wait3A_131 = tpu.memref_slice %arg4[%dma_wait3A_129, %dma_wait3A_130] : memref<10240x32xf32, #tpu.memory_space<hbm>> -> memref<128x32xf32, #tpu.memory_space<hbm>>
      %dma_wait3A_132 = arith.constant 0 : i32
      %dma_wait3A_133 = arith.constant 0 : i32
      %dma_wait3A_134 = tpu.memref_slice %arg4[%dma_wait3A_132, %dma_wait3A_133] : memref<10240x32xf32, #tpu.memory_space<hbm>> -> memref<128x32xf32, #tpu.memory_space<hbm>>
      tpu.wait_dma2 semaphore(%arg9 : memref<!tpu.dma_semaphore, #tpu.memory_space<semaphore_mem>>) src(%dma_wait3A_134 : memref<128x32xf32, #tpu.memory_space<hbm>>) dst(%arg8 : memref<128x32xf32, #tpu.memory_space<vmem>>)
      %dma_wait3A_135 = arith.constant 0 : i32
      %dma_wait3A_136 = arith.constant 0 : i32
      %dma_wait3A_137 = tpu.memref_slice %arg4[%dma_wait3A_135, %dma_wait3A_136] : memref<10240x32xf32, #tpu.memory_space<hbm>> -> memref<128x32xf32, #tpu.memory_space<hbm>>
      %dma_wait3A_138 = arith.constant 0 : i32
      %dma_wait3A_139 = arith.constant 0 : i32
      %dma_wait3A_140 = tpu.memref_slice %arg4[%dma_wait3A_138, %dma_wait3A_139] : memref<10240x32xf32, #tpu.memory_space<hbm>> -> memref<128x32xf32, #tpu.memory_space<hbm>>
      tpu.wait_dma2 semaphore(%arg9 : memref<!tpu.dma_semaphore, #tpu.memory_space<semaphore_mem>>) src(%dma_wait3A_140 : memref<128x32xf32, #tpu.memory_space<hbm>>) dst(%arg8 : memref<128x32xf32, #tpu.memory_space<vmem>>)
      %dma_wait3A_141 = arith.constant 0 : i32
      %dma_wait3A_142 = arith.constant 0 : i32
      %dma_wait3A_143 = tpu.memref_slice %arg4[%dma_wait3A_141, %dma_wait3A_142] : memref<10240x32xf32, #tpu.memory_space<hbm>> -> memref<128x32xf32, #tpu.memory_space<hbm>>
      %dma_wait3A_144 = arith.constant 0 : i32
      %dma_wait3A_145 = arith.constant 0 : i32
      %dma_wait3A_146 = tpu.memref_slice %arg4[%dma_wait3A_144, %dma_wait3A_145] : memref<10240x32xf32, #tpu.memory_space<hbm>> -> memref<128x32xf32, #tpu.memory_space<hbm>>
      tpu.wait_dma2 semaphore(%arg9 : memref<!tpu.dma_semaphore, #tpu.memory_space<semaphore_mem>>) src(%dma_wait3A_146 : memref<128x32xf32, #tpu.memory_space<hbm>>) dst(%arg8 : memref<128x32xf32, #tpu.memory_space<vmem>>)
    }
    %scan3A_86 = arith.constant 10 : i32
    %barrier3A_87 = arith.constant 0 : index
    tpu.barrier barrier_id(%barrier3A_87)
    %mul3A_88 = arith.constant 640 : i32
    %mul3A_89 = arith.muli %arg1, %mul3A_88 : i32
    %mul3A_90 = arith.constant 640 : i32
    %mul3A_91 = arith.muli %arg1, %mul3A_90 : i32
    "tpu.region"() ({
      %run_scoped3A = tpu.sem_alloc : memref<!tpu.dma_semaphore, #tpu.memory_space<semaphore_mem>>
      %dma_start3A_92 = arith.constant 0 : i32
      %dma_start3A_93 = tpu.memref_slice %arg5[%arg0, %mul3A_91, %dma_start3A_92] : memref<2x10240x32xf32, #tpu.memory_space<hbm>> -> memref<1x640x32xf32, #tpu.memory_space<hbm>>
      %dma_start3A_94 = tpu.memref_squeeze %dma_start3A_93 : memref<1x640x32xf32, #tpu.memory_space<hbm>> -> memref<640x32xf32, #tpu.memory_space<hbm>>
      %dma_start3A_95 = arith.constant 0 : i32
      %dma_start3A_96 = tpu.memref_slice %arg6[%mul3A_89, %dma_start3A_95] : memref<10240x32xf32, #tpu.memory_space<vmem_shared>> -> memref<640x32xf32, #tpu.memory_space<vmem_shared>>
      tpu.enqueue_dma source(%dma_start3A_96 : memref<640x32xf32, #tpu.memory_space<vmem_shared>>) target(%dma_start3A_94 : memref<640x32xf32, #tpu.memory_space<hbm>>) target_semaphore(%run_scoped3A : memref<!tpu.dma_semaphore, #tpu.memory_space<semaphore_mem>>)
      %dma_wait3A_97 = arith.constant 0 : i32
      %dma_wait3A_98 = tpu.memref_slice %arg5[%arg0, %mul3A_91, %dma_wait3A_97] : memref<2x10240x32xf32, #tpu.memory_space<hbm>> -> memref<1x640x32xf32, #tpu.memory_space<hbm>>
      %dma_wait3A_99 = tpu.memref_squeeze %dma_wait3A_98 : memref<1x640x32xf32, #tpu.memory_space<hbm>> -> memref<640x32xf32, #tpu.memory_space<hbm>>
      %dma_wait3A_100 = arith.constant 0 : i32
      %dma_wait3A_101 = tpu.memref_slice %arg6[%mul3A_89, %dma_wait3A_100] : memref<10240x32xf32, #tpu.memory_space<vmem_shared>> -> memref<640x32xf32, #tpu.memory_space<vmem_shared>>
      tpu.wait_dma2 semaphore(%run_scoped3A : memref<!tpu.dma_semaphore, #tpu.memory_space<semaphore_mem>>) src(%dma_wait3A_101 : memref<640x32xf32, #tpu.memory_space<vmem_shared>>) dst(%dma_wait3A_99 : memref<640x32xf32, #tpu.memory_space<hbm>>)
      tpu.yield
    }) : () -> ()
    return
  }
}

#map = affine_map<(d0, d1) -> (0, 0)>
#map1 = affine_map<(d0, d1) -> (0, 0, 0)>
module attributes {stable_mosaic.version = 14 : i64} {
  func.func @body(%arg0: i32, %arg1: i32, %arg2: memref<10240x32xf32, #tpu.memory_space<hbm>>, %arg3: memref<32x80x128xi32, #tpu.memory_space<hbm>>, %arg4: memref<32x80x128xi32, #tpu.memory_space<hbm>>, %arg5: memref<10240x32xf32, #tpu.memory_space<hbm>>, %arg6: memref<2x10240x32xf32, #tpu.memory_space<hbm>>, %arg7: memref<10240x32xf32, #tpu.memory_space<vmem_shared>>, %arg8: memref<10240x32xf32, #tpu.memory_space<vmem_shared>>, %arg9: memref<80x128xi32, #tpu.memory_space<vmem>>, %arg10: memref<80x128xi32, #tpu.memory_space<vmem>>, %arg11: memref<2x4x128x32xf32, #tpu.memory_space<vmem>>, %arg12: memref<!tpu.dma_semaphore, #tpu.memory_space<semaphore_mem>>, %arg13: memref<!tpu.dma_semaphore, #tpu.memory_space<semaphore_mem>>) attributes {dimension_semantics = [#tpu.dimension_semantics<core_parallel>, #tpu.dimension_semantics<subcore_parallel>], iteration_bounds = array<i64: 2, 16>, scalar_prefetch = 0 : i64, scratch_operands = 7 : i64, tpu.core_type = #tpu.core_type<sc_vector_subcore>, window_params = [{transform_indices = #map}, {transform_indices = #map1}, {transform_indices = #map1}, {transform_indices = #map}, {transform_indices = #map1}]} {
    %mul3A = arith.constant 2 : i32
    %mul3A_0 = arith.muli %arg1, %mul3A : i32
    %add3A = arith.addi %mul3A_0, %arg0 : i32
    %mul3A_1 = arith.constant 640 : i32
    %mul3A_2 = arith.muli %arg1, %mul3A_1 : i32
    %mul3A_3 = arith.constant 640 : i32
    %mul3A_4 = arith.muli %arg1, %mul3A_3 : i32
    %dma_start3A = arith.constant 0 : i32
    %dma_start3A_5 = tpu.memref_slice %arg7[%mul3A_4, %dma_start3A] : memref<10240x32xf32, #tpu.memory_space<vmem_shared>> -> memref<640x32xf32, #tpu.memory_space<vmem_shared>>
    %dma_start3A_6 = arith.constant 0 : i32
    %dma_start3A_7 = tpu.memref_slice %arg5[%mul3A_2, %dma_start3A_6] : memref<10240x32xf32, #tpu.memory_space<hbm>> -> memref<640x32xf32, #tpu.memory_space<hbm>>
    tpu.enqueue_dma source(%dma_start3A_7 : memref<640x32xf32, #tpu.memory_space<hbm>>) target(%dma_start3A_5 : memref<640x32xf32, #tpu.memory_space<vmem_shared>>) target_semaphore(%arg12 : memref<!tpu.dma_semaphore, #tpu.memory_space<semaphore_mem>>)
    %mul3A_8 = arith.constant 640 : i32
    %mul3A_9 = arith.muli %arg1, %mul3A_8 : i32
    %mul3A_10 = arith.constant 640 : i32
    %mul3A_11 = arith.muli %arg1, %mul3A_10 : i32
    %dma_start3A_12 = arith.constant 0 : i32
    %dma_start3A_13 = tpu.memref_slice %arg8[%mul3A_11, %dma_start3A_12] : memref<10240x32xf32, #tpu.memory_space<vmem_shared>> -> memref<640x32xf32, #tpu.memory_space<vmem_shared>>
    %dma_start3A_14 = arith.constant 0 : i32
    %dma_start3A_15 = tpu.memref_slice %arg2[%mul3A_9, %dma_start3A_14] : memref<10240x32xf32, #tpu.memory_space<hbm>> -> memref<640x32xf32, #tpu.memory_space<hbm>>
    tpu.enqueue_dma source(%dma_start3A_15 : memref<640x32xf32, #tpu.memory_space<hbm>>) target(%dma_start3A_13 : memref<640x32xf32, #tpu.memory_space<vmem_shared>>) target_semaphore(%arg12 : memref<!tpu.dma_semaphore, #tpu.memory_space<semaphore_mem>>)
    %dma_start3A_16 = arith.constant 0 : i32
    %dma_start3A_17 = arith.constant 0 : i32
    %dma_start3A_18 = tpu.memref_slice %arg3[%add3A, %dma_start3A_16, %dma_start3A_17] : memref<32x80x128xi32, #tpu.memory_space<hbm>> -> memref<1x80x128xi32, #tpu.memory_space<hbm>>
    %dma_start3A_19 = tpu.memref_squeeze %dma_start3A_18 : memref<1x80x128xi32, #tpu.memory_space<hbm>> -> memref<80x128xi32, #tpu.memory_space<hbm>>
    %dma_start3A_20 = arith.constant 0 : i32
    %dma_start3A_21 = arith.constant 0 : i32
    %dma_start3A_22 = tpu.memref_slice %arg3[%add3A, %dma_start3A_20, %dma_start3A_21] : memref<32x80x128xi32, #tpu.memory_space<hbm>> -> memref<1x80x128xi32, #tpu.memory_space<hbm>>
    %dma_start3A_23 = tpu.memref_squeeze %dma_start3A_22 : memref<1x80x128xi32, #tpu.memory_space<hbm>> -> memref<80x128xi32, #tpu.memory_space<hbm>>
    tpu.enqueue_dma source(%dma_start3A_23 : memref<80x128xi32, #tpu.memory_space<hbm>>) target(%arg9 : memref<80x128xi32, #tpu.memory_space<vmem>>) target_semaphore(%arg12 : memref<!tpu.dma_semaphore, #tpu.memory_space<semaphore_mem>>)
    %dma_start3A_24 = arith.constant 0 : i32
    %dma_start3A_25 = arith.constant 0 : i32
    %dma_start3A_26 = tpu.memref_slice %arg4[%add3A, %dma_start3A_24, %dma_start3A_25] : memref<32x80x128xi32, #tpu.memory_space<hbm>> -> memref<1x80x128xi32, #tpu.memory_space<hbm>>
    %dma_start3A_27 = tpu.memref_squeeze %dma_start3A_26 : memref<1x80x128xi32, #tpu.memory_space<hbm>> -> memref<80x128xi32, #tpu.memory_space<hbm>>
    %dma_start3A_28 = arith.constant 0 : i32
    %dma_start3A_29 = arith.constant 0 : i32
    %dma_start3A_30 = tpu.memref_slice %arg4[%add3A, %dma_start3A_28, %dma_start3A_29] : memref<32x80x128xi32, #tpu.memory_space<hbm>> -> memref<1x80x128xi32, #tpu.memory_space<hbm>>
    %dma_start3A_31 = tpu.memref_squeeze %dma_start3A_30 : memref<1x80x128xi32, #tpu.memory_space<hbm>> -> memref<80x128xi32, #tpu.memory_space<hbm>>
    tpu.enqueue_dma source(%dma_start3A_31 : memref<80x128xi32, #tpu.memory_space<hbm>>) target(%arg10 : memref<80x128xi32, #tpu.memory_space<vmem>>) target_semaphore(%arg12 : memref<!tpu.dma_semaphore, #tpu.memory_space<semaphore_mem>>)
    %dma_wait3A = arith.constant 0 : i32
    %dma_wait3A_32 = tpu.memref_slice %arg7[%mul3A_4, %dma_wait3A] : memref<10240x32xf32, #tpu.memory_space<vmem_shared>> -> memref<640x32xf32, #tpu.memory_space<vmem_shared>>
    %dma_wait3A_33 = arith.constant 0 : i32
    %dma_wait3A_34 = tpu.memref_slice %arg5[%mul3A_2, %dma_wait3A_33] : memref<10240x32xf32, #tpu.memory_space<hbm>> -> memref<640x32xf32, #tpu.memory_space<hbm>>
    tpu.wait_dma2 semaphore(%arg12 : memref<!tpu.dma_semaphore, #tpu.memory_space<semaphore_mem>>) src(%dma_wait3A_34 : memref<640x32xf32, #tpu.memory_space<hbm>>) dst(%dma_wait3A_32 : memref<640x32xf32, #tpu.memory_space<vmem_shared>>)
    %dma_wait3A_35 = arith.constant 0 : i32
    %dma_wait3A_36 = tpu.memref_slice %arg8[%mul3A_11, %dma_wait3A_35] : memref<10240x32xf32, #tpu.memory_space<vmem_shared>> -> memref<640x32xf32, #tpu.memory_space<vmem_shared>>
    %dma_wait3A_37 = arith.constant 0 : i32
    %dma_wait3A_38 = tpu.memref_slice %arg2[%mul3A_9, %dma_wait3A_37] : memref<10240x32xf32, #tpu.memory_space<hbm>> -> memref<640x32xf32, #tpu.memory_space<hbm>>
    tpu.wait_dma2 semaphore(%arg12 : memref<!tpu.dma_semaphore, #tpu.memory_space<semaphore_mem>>) src(%dma_wait3A_38 : memref<640x32xf32, #tpu.memory_space<hbm>>) dst(%dma_wait3A_36 : memref<640x32xf32, #tpu.memory_space<vmem_shared>>)
    %dma_wait3A_39 = arith.constant 0 : i32
    %dma_wait3A_40 = arith.constant 0 : i32
    %dma_wait3A_41 = tpu.memref_slice %arg3[%add3A, %dma_wait3A_39, %dma_wait3A_40] : memref<32x80x128xi32, #tpu.memory_space<hbm>> -> memref<1x80x128xi32, #tpu.memory_space<hbm>>
    %dma_wait3A_42 = tpu.memref_squeeze %dma_wait3A_41 : memref<1x80x128xi32, #tpu.memory_space<hbm>> -> memref<80x128xi32, #tpu.memory_space<hbm>>
    %dma_wait3A_43 = arith.constant 0 : i32
    %dma_wait3A_44 = arith.constant 0 : i32
    %dma_wait3A_45 = tpu.memref_slice %arg3[%add3A, %dma_wait3A_43, %dma_wait3A_44] : memref<32x80x128xi32, #tpu.memory_space<hbm>> -> memref<1x80x128xi32, #tpu.memory_space<hbm>>
    %dma_wait3A_46 = tpu.memref_squeeze %dma_wait3A_45 : memref<1x80x128xi32, #tpu.memory_space<hbm>> -> memref<80x128xi32, #tpu.memory_space<hbm>>
    tpu.wait_dma2 semaphore(%arg12 : memref<!tpu.dma_semaphore, #tpu.memory_space<semaphore_mem>>) src(%dma_wait3A_46 : memref<80x128xi32, #tpu.memory_space<hbm>>) dst(%arg9 : memref<80x128xi32, #tpu.memory_space<vmem>>)
    %dma_wait3A_47 = arith.constant 0 : i32
    %dma_wait3A_48 = arith.constant 0 : i32
    %dma_wait3A_49 = tpu.memref_slice %arg4[%add3A, %dma_wait3A_47, %dma_wait3A_48] : memref<32x80x128xi32, #tpu.memory_space<hbm>> -> memref<1x80x128xi32, #tpu.memory_space<hbm>>
    %dma_wait3A_50 = tpu.memref_squeeze %dma_wait3A_49 : memref<1x80x128xi32, #tpu.memory_space<hbm>> -> memref<80x128xi32, #tpu.memory_space<hbm>>
    %dma_wait3A_51 = arith.constant 0 : i32
    %dma_wait3A_52 = arith.constant 0 : i32
    %dma_wait3A_53 = tpu.memref_slice %arg4[%add3A, %dma_wait3A_51, %dma_wait3A_52] : memref<32x80x128xi32, #tpu.memory_space<hbm>> -> memref<1x80x128xi32, #tpu.memory_space<hbm>>
    %dma_wait3A_54 = tpu.memref_squeeze %dma_wait3A_53 : memref<1x80x128xi32, #tpu.memory_space<hbm>> -> memref<80x128xi32, #tpu.memory_space<hbm>>
    tpu.wait_dma2 semaphore(%arg12 : memref<!tpu.dma_semaphore, #tpu.memory_space<semaphore_mem>>) src(%dma_wait3A_54 : memref<80x128xi32, #tpu.memory_space<hbm>>) dst(%arg10 : memref<80x128xi32, #tpu.memory_space<vmem>>)
    %barrier3A = arith.constant 0 : index
    tpu.barrier barrier_id(%barrier3A)
    %dma_start3A_55 = arith.constant 0 : i32
    %dma_start3A_56 = arith.constant 0 : i32
    %dma_start3A_57 = arith.constant 0 : i32
    %dma_start3A_58 = arith.constant 0 : i32
    %dma_start3A_59 = arith.constant 0 : i32
    %dma_start3A_60 = tpu.memref_slice %arg11[%dma_start3A_56, %dma_start3A_57, %dma_start3A_58, %dma_start3A_59] : memref<2x4x128x32xf32, #tpu.memory_space<vmem>> -> memref<1x1x128x32xf32, #tpu.memory_space<vmem>>
    %dma_start3A_61 = tpu.memref_squeeze %dma_start3A_60 : memref<1x1x128x32xf32, #tpu.memory_space<vmem>> -> memref<128x32xf32, #tpu.memory_space<vmem>>
    %dma_start3A_62 = arith.constant 0 : i32
    %dma_start3A_63 = tpu.memref_slice %arg9[%dma_start3A_55, %dma_start3A_62] : memref<80x128xi32, #tpu.memory_space<vmem>> -> memref<1x128xi32, #tpu.memory_space<vmem>>
    %dma_start3A_64 = tpu.memref_squeeze %dma_start3A_63 : memref<1x128xi32, #tpu.memory_space<vmem>> -> memref<128xi32, #tpu.memory_space<vmem>>
    %dma_start3A_65 = arith.constant 0 : i32
    %dma_start3A_66 = arith.constant 0 : i32
    %dma_start3A_67 = tpu.memref_slice %arg8[%dma_start3A_65, %dma_start3A_66] : memref<10240x32xf32, #tpu.memory_space<vmem_shared>> -> memref<10240x32xf32, #tpu.memory_space<vmem_shared>>
    tpu.enqueue_indirect_dma source(%dma_start3A_67 : memref<10240x32xf32, #tpu.memory_space<vmem_shared>>) target(%dma_start3A_61 : memref<128x32xf32, #tpu.memory_space<vmem>>) offsets(%dma_start3A_64 : memref<128xi32, #tpu.memory_space<vmem>>) semaphore(%arg12 : memref<!tpu.dma_semaphore, #tpu.memory_space<semaphore_mem>>)
    %dma_start3A_68 = arith.constant 1 : i32
    %dma_start3A_69 = arith.constant 0 : i32
    %dma_start3A_70 = arith.constant 1 : i32
    %dma_start3A_71 = arith.constant 0 : i32
    %dma_start3A_72 = arith.constant 0 : i32
    %dma_start3A_73 = tpu.memref_slice %arg11[%dma_start3A_69, %dma_start3A_70, %dma_start3A_71, %dma_start3A_72] : memref<2x4x128x32xf32, #tpu.memory_space<vmem>> -> memref<1x1x128x32xf32, #tpu.memory_space<vmem>>
    %dma_start3A_74 = tpu.memref_squeeze %dma_start3A_73 : memref<1x1x128x32xf32, #tpu.memory_space<vmem>> -> memref<128x32xf32, #tpu.memory_space<vmem>>
    %dma_start3A_75 = arith.constant 0 : i32
    %dma_start3A_76 = tpu.memref_slice %arg9[%dma_start3A_68, %dma_start3A_75] : memref<80x128xi32, #tpu.memory_space<vmem>> -> memref<1x128xi32, #tpu.memory_space<vmem>>
    %dma_start3A_77 = tpu.memref_squeeze %dma_start3A_76 : memref<1x128xi32, #tpu.memory_space<vmem>> -> memref<128xi32, #tpu.memory_space<vmem>>
    %dma_start3A_78 = arith.constant 0 : i32
    %dma_start3A_79 = arith.constant 0 : i32
    %dma_start3A_80 = tpu.memref_slice %arg8[%dma_start3A_78, %dma_start3A_79] : memref<10240x32xf32, #tpu.memory_space<vmem_shared>> -> memref<10240x32xf32, #tpu.memory_space<vmem_shared>>
    tpu.enqueue_indirect_dma source(%dma_start3A_80 : memref<10240x32xf32, #tpu.memory_space<vmem_shared>>) target(%dma_start3A_74 : memref<128x32xf32, #tpu.memory_space<vmem>>) offsets(%dma_start3A_77 : memref<128xi32, #tpu.memory_space<vmem>>) semaphore(%arg12 : memref<!tpu.dma_semaphore, #tpu.memory_space<semaphore_mem>>)
    %dma_start3A_81 = arith.constant 2 : i32
    %dma_start3A_82 = arith.constant 0 : i32
    %dma_start3A_83 = arith.constant 2 : i32
    %dma_start3A_84 = arith.constant 0 : i32
    %dma_start3A_85 = arith.constant 0 : i32
    %dma_start3A_86 = tpu.memref_slice %arg11[%dma_start3A_82, %dma_start3A_83, %dma_start3A_84, %dma_start3A_85] : memref<2x4x128x32xf32, #tpu.memory_space<vmem>> -> memref<1x1x128x32xf32, #tpu.memory_space<vmem>>
    %dma_start3A_87 = tpu.memref_squeeze %dma_start3A_86 : memref<1x1x128x32xf32, #tpu.memory_space<vmem>> -> memref<128x32xf32, #tpu.memory_space<vmem>>
    %dma_start3A_88 = arith.constant 0 : i32
    %dma_start3A_89 = tpu.memref_slice %arg9[%dma_start3A_81, %dma_start3A_88] : memref<80x128xi32, #tpu.memory_space<vmem>> -> memref<1x128xi32, #tpu.memory_space<vmem>>
    %dma_start3A_90 = tpu.memref_squeeze %dma_start3A_89 : memref<1x128xi32, #tpu.memory_space<vmem>> -> memref<128xi32, #tpu.memory_space<vmem>>
    %dma_start3A_91 = arith.constant 0 : i32
    %dma_start3A_92 = arith.constant 0 : i32
    %dma_start3A_93 = tpu.memref_slice %arg8[%dma_start3A_91, %dma_start3A_92] : memref<10240x32xf32, #tpu.memory_space<vmem_shared>> -> memref<10240x32xf32, #tpu.memory_space<vmem_shared>>
    tpu.enqueue_indirect_dma source(%dma_start3A_93 : memref<10240x32xf32, #tpu.memory_space<vmem_shared>>) target(%dma_start3A_87 : memref<128x32xf32, #tpu.memory_space<vmem>>) offsets(%dma_start3A_90 : memref<128xi32, #tpu.memory_space<vmem>>) semaphore(%arg12 : memref<!tpu.dma_semaphore, #tpu.memory_space<semaphore_mem>>)
    %dma_start3A_94 = arith.constant 3 : i32
    %dma_start3A_95 = arith.constant 0 : i32
    %dma_start3A_96 = arith.constant 3 : i32
    %dma_start3A_97 = arith.constant 0 : i32
    %dma_start3A_98 = arith.constant 0 : i32
    %dma_start3A_99 = tpu.memref_slice %arg11[%dma_start3A_95, %dma_start3A_96, %dma_start3A_97, %dma_start3A_98] : memref<2x4x128x32xf32, #tpu.memory_space<vmem>> -> memref<1x1x128x32xf32, #tpu.memory_space<vmem>>
    %dma_start3A_100 = tpu.memref_squeeze %dma_start3A_99 : memref<1x1x128x32xf32, #tpu.memory_space<vmem>> -> memref<128x32xf32, #tpu.memory_space<vmem>>
    %dma_start3A_101 = arith.constant 0 : i32
    %dma_start3A_102 = tpu.memref_slice %arg9[%dma_start3A_94, %dma_start3A_101] : memref<80x128xi32, #tpu.memory_space<vmem>> -> memref<1x128xi32, #tpu.memory_space<vmem>>
    %dma_start3A_103 = tpu.memref_squeeze %dma_start3A_102 : memref<1x128xi32, #tpu.memory_space<vmem>> -> memref<128xi32, #tpu.memory_space<vmem>>
    %dma_start3A_104 = arith.constant 0 : i32
    %dma_start3A_105 = arith.constant 0 : i32
    %dma_start3A_106 = tpu.memref_slice %arg8[%dma_start3A_104, %dma_start3A_105] : memref<10240x32xf32, #tpu.memory_space<vmem_shared>> -> memref<10240x32xf32, #tpu.memory_space<vmem_shared>>
    tpu.enqueue_indirect_dma source(%dma_start3A_106 : memref<10240x32xf32, #tpu.memory_space<vmem_shared>>) target(%dma_start3A_100 : memref<128x32xf32, #tpu.memory_space<vmem>>) offsets(%dma_start3A_103 : memref<128xi32, #tpu.memory_space<vmem>>) semaphore(%arg12 : memref<!tpu.dma_semaphore, #tpu.memory_space<semaphore_mem>>)
    %scan3A = arith.constant 0 : i32
    %scan3A_107 = arith.constant 10 : i32
    %scan3A_108 = arith.addi %scan3A, %scan3A_107 : i32
    %scan3A_109 = arith.constant 1 : i32
    scf.for %scan3A_116 = %scan3A to %scan3A_108 step %scan3A_109  : i32 {
      %mul3A_117 = arith.constant 1 : i32
      %mul3A_118 = arith.muli %scan3A_116, %mul3A_117 : i32
      %add3A_119 = arith.constant 0 : i32
      %add3A_120 = arith.addi %add3A_119, %mul3A_118 : i32
      %dma_wait3A_121 = arith.constant 0 : i32
      %dma_wait3A_122 = arith.constant 0 : i32
      %dma_wait3A_123 = arith.constant 0 : i32
      %dma_wait3A_124 = arith.constant 0 : i32
      %dma_wait3A_125 = tpu.memref_slice %arg11[%dma_wait3A_121, %dma_wait3A_122, %dma_wait3A_123, %dma_wait3A_124] : memref<2x4x128x32xf32, #tpu.memory_space<vmem>> -> memref<1x1x128x32xf32, #tpu.memory_space<vmem>>
      %dma_wait3A_126 = tpu.memref_squeeze %dma_wait3A_125 : memref<1x1x128x32xf32, #tpu.memory_space<vmem>> -> memref<128x32xf32, #tpu.memory_space<vmem>>
      %dma_wait3A_127 = arith.constant 0 : i32
      %dma_wait3A_128 = arith.constant 0 : i32
      %dma_wait3A_129 = tpu.memref_slice %arg2[%dma_wait3A_127, %dma_wait3A_128] : memref<10240x32xf32, #tpu.memory_space<hbm>> -> memref<128x32xf32, #tpu.memory_space<hbm>>
      %dma_wait3A_130 = arith.constant 0 : i32
      %dma_wait3A_131 = arith.constant 0 : i32
      %dma_wait3A_132 = tpu.memref_slice %arg11[%dma_wait3A_121, %dma_wait3A_122, %dma_wait3A_130, %dma_wait3A_131] : memref<2x4x128x32xf32, #tpu.memory_space<vmem>> -> memref<1x1x128x32xf32, #tpu.memory_space<vmem>>
      %dma_wait3A_133 = tpu.memref_squeeze %dma_wait3A_132 : memref<1x1x128x32xf32, #tpu.memory_space<vmem>> -> memref<128x32xf32, #tpu.memory_space<vmem>>
      %dma_wait3A_134 = arith.constant 0 : i32
      %dma_wait3A_135 = arith.constant 0 : i32
      %dma_wait3A_136 = tpu.memref_slice %arg2[%dma_wait3A_134, %dma_wait3A_135] : memref<10240x32xf32, #tpu.memory_space<hbm>> -> memref<128x32xf32, #tpu.memory_space<hbm>>
      tpu.wait_dma2 semaphore(%arg12 : memref<!tpu.dma_semaphore, #tpu.memory_space<semaphore_mem>>) src(%dma_wait3A_136 : memref<128x32xf32, #tpu.memory_space<hbm>>) dst(%dma_wait3A_133 : memref<128x32xf32, #tpu.memory_space<vmem>>)
      %dma_wait3A_137 = arith.constant 0 : i32
      %dma_wait3A_138 = arith.constant 0 : i32
      %dma_wait3A_139 = arith.constant 0 : i32
      %dma_wait3A_140 = arith.constant 0 : i32
      %dma_wait3A_141 = tpu.memref_slice %arg11[%dma_wait3A_137, %dma_wait3A_138, %dma_wait3A_139, %dma_wait3A_140] : memref<2x4x128x32xf32, #tpu.memory_space<vmem>> -> memref<1x1x128x32xf32, #tpu.memory_space<vmem>>
      %dma_wait3A_142 = tpu.memref_squeeze %dma_wait3A_141 : memref<1x1x128x32xf32, #tpu.memory_space<vmem>> -> memref<128x32xf32, #tpu.memory_space<vmem>>
      %dma_wait3A_143 = arith.constant 0 : i32
      %dma_wait3A_144 = arith.constant 0 : i32
      %dma_wait3A_145 = tpu.memref_slice %arg2[%dma_wait3A_143, %dma_wait3A_144] : memref<10240x32xf32, #tpu.memory_space<hbm>> -> memref<128x32xf32, #tpu.memory_space<hbm>>
      %dma_wait3A_146 = arith.constant 0 : i32
      %dma_wait3A_147 = arith.constant 0 : i32
      %dma_wait3A_148 = tpu.memref_slice %arg11[%dma_wait3A_137, %dma_wait3A_138, %dma_wait3A_146, %dma_wait3A_147] : memref<2x4x128x32xf32, #tpu.memory_space<vmem>> -> memref<1x1x128x32xf32, #tpu.memory_space<vmem>>
      %dma_wait3A_149 = tpu.memref_squeeze %dma_wait3A_148 : memref<1x1x128x32xf32, #tpu.memory_space<vmem>> -> memref<128x32xf32, #tpu.memory_space<vmem>>
      %dma_wait3A_150 = arith.constant 0 : i32
      %dma_wait3A_151 = arith.constant 0 : i32
      %dma_wait3A_152 = tpu.memref_slice %arg2[%dma_wait3A_150, %dma_wait3A_151] : memref<10240x32xf32, #tpu.memory_space<hbm>> -> memref<128x32xf32, #tpu.memory_space<hbm>>
      tpu.wait_dma2 semaphore(%arg12 : memref<!tpu.dma_semaphore, #tpu.memory_space<semaphore_mem>>) src(%dma_wait3A_152 : memref<128x32xf32, #tpu.memory_space<hbm>>) dst(%dma_wait3A_149 : memref<128x32xf32, #tpu.memory_space<vmem>>)
      %dma_wait3A_153 = arith.constant 0 : i32
      %dma_wait3A_154 = arith.constant 0 : i32
      %dma_wait3A_155 = arith.constant 0 : i32
      %dma_wait3A_156 = arith.constant 0 : i32
      %dma_wait3A_157 = tpu.memref_slice %arg11[%dma_wait3A_153, %dma_wait3A_154, %dma_wait3A_155, %dma_wait3A_156] : memref<2x4x128x32xf32, #tpu.memory_space<vmem>> -> memref<1x1x128x32xf32, #tpu.memory_space<vmem>>
      %dma_wait3A_158 = tpu.memref_squeeze %dma_wait3A_157 : memref<1x1x128x32xf32, #tpu.memory_space<vmem>> -> memref<128x32xf32, #tpu.memory_space<vmem>>
      %dma_wait3A_159 = arith.constant 0 : i32
      %dma_wait3A_160 = arith.constant 0 : i32
      %dma_wait3A_161 = tpu.memref_slice %arg2[%dma_wait3A_159, %dma_wait3A_160] : memref<10240x32xf32, #tpu.memory_space<hbm>> -> memref<128x32xf32, #tpu.memory_space<hbm>>
      %dma_wait3A_162 = arith.constant 0 : i32
      %dma_wait3A_163 = arith.constant 0 : i32
      %dma_wait3A_164 = tpu.memref_slice %arg11[%dma_wait3A_153, %dma_wait3A_154, %dma_wait3A_162, %dma_wait3A_163] : memref<2x4x128x32xf32, #tpu.memory_space<vmem>> -> memref<1x1x128x32xf32, #tpu.memory_space<vmem>>
      %dma_wait3A_165 = tpu.memref_squeeze %dma_wait3A_164 : memref<1x1x128x32xf32, #tpu.memory_space<vmem>> -> memref<128x32xf32, #tpu.memory_space<vmem>>
      %dma_wait3A_166 = arith.constant 0 : i32
      %dma_wait3A_167 = arith.constant 0 : i32
      %dma_wait3A_168 = tpu.memref_slice %arg2[%dma_wait3A_166, %dma_wait3A_167] : memref<10240x32xf32, #tpu.memory_space<hbm>> -> memref<128x32xf32, #tpu.memory_space<hbm>>
      tpu.wait_dma2 semaphore(%arg12 : memref<!tpu.dma_semaphore, #tpu.memory_space<semaphore_mem>>) src(%dma_wait3A_168 : memref<128x32xf32, #tpu.memory_space<hbm>>) dst(%dma_wait3A_165 : memref<128x32xf32, #tpu.memory_space<vmem>>)
      %dma_wait3A_169 = arith.constant 0 : i32
      %dma_wait3A_170 = arith.constant 0 : i32
      %dma_wait3A_171 = arith.constant 0 : i32
      %dma_wait3A_172 = arith.constant 0 : i32
      %dma_wait3A_173 = tpu.memref_slice %arg11[%dma_wait3A_169, %dma_wait3A_170, %dma_wait3A_171, %dma_wait3A_172] : memref<2x4x128x32xf32, #tpu.memory_space<vmem>> -> memref<1x1x128x32xf32, #tpu.memory_space<vmem>>
      %dma_wait3A_174 = tpu.memref_squeeze %dma_wait3A_173 : memref<1x1x128x32xf32, #tpu.memory_space<vmem>> -> memref<128x32xf32, #tpu.memory_space<vmem>>
      %dma_wait3A_175 = arith.constant 0 : i32
      %dma_wait3A_176 = arith.constant 0 : i32
      %dma_wait3A_177 = tpu.memref_slice %arg2[%dma_wait3A_175, %dma_wait3A_176] : memref<10240x32xf32, #tpu.memory_space<hbm>> -> memref<128x32xf32, #tpu.memory_space<hbm>>
      %dma_wait3A_178 = arith.constant 0 : i32
      %dma_wait3A_179 = arith.constant 0 : i32
      %dma_wait3A_180 = tpu.memref_slice %arg11[%dma_wait3A_169, %dma_wait3A_170, %dma_wait3A_178, %dma_wait3A_179] : memref<2x4x128x32xf32, #tpu.memory_space<vmem>> -> memref<1x1x128x32xf32, #tpu.memory_space<vmem>>
      %dma_wait3A_181 = tpu.memref_squeeze %dma_wait3A_180 : memref<1x1x128x32xf32, #tpu.memory_space<vmem>> -> memref<128x32xf32, #tpu.memory_space<vmem>>
      %dma_wait3A_182 = arith.constant 0 : i32
      %dma_wait3A_183 = arith.constant 0 : i32
      %dma_wait3A_184 = tpu.memref_slice %arg2[%dma_wait3A_182, %dma_wait3A_183] : memref<10240x32xf32, #tpu.memory_space<hbm>> -> memref<128x32xf32, #tpu.memory_space<hbm>>
      tpu.wait_dma2 semaphore(%arg12 : memref<!tpu.dma_semaphore, #tpu.memory_space<semaphore_mem>>) src(%dma_wait3A_184 : memref<128x32xf32, #tpu.memory_space<hbm>>) dst(%dma_wait3A_181 : memref<128x32xf32, #tpu.memory_space<vmem>>)
      %mul3A_185 = arith.constant 2 : i32
      %mul3A_186 = arith.muli %mul3A_185, %add3A_120 : i32
      %add3A_187 = arith.constant 1 : i32
      %add3A_188 = arith.addi %mul3A_186, %add3A_187 : i32
      %mul3A_189 = arith.constant 4 : i32
      %mul3A_190 = arith.muli %add3A_188, %mul3A_189 : i32
      %add3A_191 = arith.constant 0 : i32
      %add3A_192 = arith.addi %mul3A_190, %add3A_191 : i32
      %dma_start3A_193 = arith.constant 1 : i32
      %dma_start3A_194 = arith.constant 0 : i32
      %dma_start3A_195 = arith.constant 0 : i32
      %dma_start3A_196 = arith.constant 0 : i32
      %dma_start3A_197 = tpu.memref_slice %arg11[%dma_start3A_193, %dma_start3A_194, %dma_start3A_195, %dma_start3A_196] : memref<2x4x128x32xf32, #tpu.memory_space<vmem>> -> memref<1x1x128x32xf32, #tpu.memory_space<vmem>>
      %dma_start3A_198 = tpu.memref_squeeze %dma_start3A_197 : memref<1x1x128x32xf32, #tpu.memory_space<vmem>> -> memref<128x32xf32, #tpu.memory_space<vmem>>
      %dma_start3A_199 = arith.constant 0 : i32
      %dma_start3A_200 = tpu.memref_slice %arg9[%add3A_192, %dma_start3A_199] : memref<80x128xi32, #tpu.memory_space<vmem>> -> memref<1x128xi32, #tpu.memory_space<vmem>>
      %dma_start3A_201 = tpu.memref_squeeze %dma_start3A_200 : memref<1x128xi32, #tpu.memory_space<vmem>> -> memref<128xi32, #tpu.memory_space<vmem>>
      %dma_start3A_202 = arith.constant 0 : i32
      %dma_start3A_203 = arith.constant 0 : i32
      %dma_start3A_204 = tpu.memref_slice %arg8[%dma_start3A_202, %dma_start3A_203] : memref<10240x32xf32, #tpu.memory_space<vmem_shared>> -> memref<10240x32xf32, #tpu.memory_space<vmem_shared>>
      tpu.enqueue_indirect_dma source(%dma_start3A_204 : memref<10240x32xf32, #tpu.memory_space<vmem_shared>>) target(%dma_start3A_198 : memref<128x32xf32, #tpu.memory_space<vmem>>) offsets(%dma_start3A_201 : memref<128xi32, #tpu.memory_space<vmem>>) semaphore(%arg12 : memref<!tpu.dma_semaphore, #tpu.memory_space<semaphore_mem>>)
      %mul3A_205 = arith.constant 4 : i32
      %mul3A_206 = arith.muli %add3A_188, %mul3A_205 : i32
      %add3A_207 = arith.constant 1 : i32
      %add3A_208 = arith.addi %mul3A_206, %add3A_207 : i32
      %dma_start3A_209 = arith.constant 1 : i32
      %dma_start3A_210 = arith.constant 1 : i32
      %dma_start3A_211 = arith.constant 0 : i32
      %dma_start3A_212 = arith.constant 0 : i32
      %dma_start3A_213 = tpu.memref_slice %arg11[%dma_start3A_209, %dma_start3A_210, %dma_start3A_211, %dma_start3A_212] : memref<2x4x128x32xf32, #tpu.memory_space<vmem>> -> memref<1x1x128x32xf32, #tpu.memory_space<vmem>>
      %dma_start3A_214 = tpu.memref_squeeze %dma_start3A_213 : memref<1x1x128x32xf32, #tpu.memory_space<vmem>> -> memref<128x32xf32, #tpu.memory_space<vmem>>
      %dma_start3A_215 = arith.constant 0 : i32
      %dma_start3A_216 = tpu.memref_slice %arg9[%add3A_208, %dma_start3A_215] : memref<80x128xi32, #tpu.memory_space<vmem>> -> memref<1x128xi32, #tpu.memory_space<vmem>>
      %dma_start3A_217 = tpu.memref_squeeze %dma_start3A_216 : memref<1x128xi32, #tpu.memory_space<vmem>> -> memref<128xi32, #tpu.memory_space<vmem>>
      %dma_start3A_218 = arith.constant 0 : i32
      %dma_start3A_219 = arith.constant 0 : i32
      %dma_start3A_220 = tpu.memref_slice %arg8[%dma_start3A_218, %dma_start3A_219] : memref<10240x32xf32, #tpu.memory_space<vmem_shared>> -> memref<10240x32xf32, #tpu.memory_space<vmem_shared>>
      tpu.enqueue_indirect_dma source(%dma_start3A_220 : memref<10240x32xf32, #tpu.memory_space<vmem_shared>>) target(%dma_start3A_214 : memref<128x32xf32, #tpu.memory_space<vmem>>) offsets(%dma_start3A_217 : memref<128xi32, #tpu.memory_space<vmem>>) semaphore(%arg12 : memref<!tpu.dma_semaphore, #tpu.memory_space<semaphore_mem>>)
      %mul3A_221 = arith.constant 4 : i32
      %mul3A_222 = arith.muli %add3A_188, %mul3A_221 : i32
      %add3A_223 = arith.constant 2 : i32
      %add3A_224 = arith.addi %mul3A_222, %add3A_223 : i32
      %dma_start3A_225 = arith.constant 1 : i32
      %dma_start3A_226 = arith.constant 2 : i32
      %dma_start3A_227 = arith.constant 0 : i32
      %dma_start3A_228 = arith.constant 0 : i32
      %dma_start3A_229 = tpu.memref_slice %arg11[%dma_start3A_225, %dma_start3A_226, %dma_start3A_227, %dma_start3A_228] : memref<2x4x128x32xf32, #tpu.memory_space<vmem>> -> memref<1x1x128x32xf32, #tpu.memory_space<vmem>>
      %dma_start3A_230 = tpu.memref_squeeze %dma_start3A_229 : memref<1x1x128x32xf32, #tpu.memory_space<vmem>> -> memref<128x32xf32, #tpu.memory_space<vmem>>
      %dma_start3A_231 = arith.constant 0 : i32
      %dma_start3A_232 = tpu.memref_slice %arg9[%add3A_224, %dma_start3A_231] : memref<80x128xi32, #tpu.memory_space<vmem>> -> memref<1x128xi32, #tpu.memory_space<vmem>>
      %dma_start3A_233 = tpu.memref_squeeze %dma_start3A_232 : memref<1x128xi32, #tpu.memory_space<vmem>> -> memref<128xi32, #tpu.memory_space<vmem>>
      %dma_start3A_234 = arith.constant 0 : i32
      %dma_start3A_235 = arith.constant 0 : i32
      %dma_start3A_236 = tpu.memref_slice %arg8[%dma_start3A_234, %dma_start3A_235] : memref<10240x32xf32, #tpu.memory_space<vmem_shared>> -> memref<10240x32xf32, #tpu.memory_space<vmem_shared>>
      tpu.enqueue_indirect_dma source(%dma_start3A_236 : memref<10240x32xf32, #tpu.memory_space<vmem_shared>>) target(%dma_start3A_230 : memref<128x32xf32, #tpu.memory_space<vmem>>) offsets(%dma_start3A_233 : memref<128xi32, #tpu.memory_space<vmem>>) semaphore(%arg12 : memref<!tpu.dma_semaphore, #tpu.memory_space<semaphore_mem>>)
      %mul3A_237 = arith.constant 4 : i32
      %mul3A_238 = arith.muli %add3A_188, %mul3A_237 : i32
      %add3A_239 = arith.constant 3 : i32
      %add3A_240 = arith.addi %mul3A_238, %add3A_239 : i32
      %dma_start3A_241 = arith.constant 1 : i32
      %dma_start3A_242 = arith.constant 3 : i32
      %dma_start3A_243 = arith.constant 0 : i32
      %dma_start3A_244 = arith.constant 0 : i32
      %dma_start3A_245 = tpu.memref_slice %arg11[%dma_start3A_241, %dma_start3A_242, %dma_start3A_243, %dma_start3A_244] : memref<2x4x128x32xf32, #tpu.memory_space<vmem>> -> memref<1x1x128x32xf32, #tpu.memory_space<vmem>>
      %dma_start3A_246 = tpu.memref_squeeze %dma_start3A_245 : memref<1x1x128x32xf32, #tpu.memory_space<vmem>> -> memref<128x32xf32, #tpu.memory_space<vmem>>
      %dma_start3A_247 = arith.constant 0 : i32
      %dma_start3A_248 = tpu.memref_slice %arg9[%add3A_240, %dma_start3A_247] : memref<80x128xi32, #tpu.memory_space<vmem>> -> memref<1x128xi32, #tpu.memory_space<vmem>>
      %dma_start3A_249 = tpu.memref_squeeze %dma_start3A_248 : memref<1x128xi32, #tpu.memory_space<vmem>> -> memref<128xi32, #tpu.memory_space<vmem>>
      %dma_start3A_250 = arith.constant 0 : i32
      %dma_start3A_251 = arith.constant 0 : i32
      %dma_start3A_252 = tpu.memref_slice %arg8[%dma_start3A_250, %dma_start3A_251] : memref<10240x32xf32, #tpu.memory_space<vmem_shared>> -> memref<10240x32xf32, #tpu.memory_space<vmem_shared>>
      tpu.enqueue_indirect_dma source(%dma_start3A_252 : memref<10240x32xf32, #tpu.memory_space<vmem_shared>>) target(%dma_start3A_246 : memref<128x32xf32, #tpu.memory_space<vmem>>) offsets(%dma_start3A_249 : memref<128xi32, #tpu.memory_space<vmem>>) semaphore(%arg12 : memref<!tpu.dma_semaphore, #tpu.memory_space<semaphore_mem>>)
      %mul3A_253 = arith.constant 2 : i32
      %mul3A_254 = arith.muli %mul3A_253, %add3A_120 : i32
      %mul3A_255 = arith.constant 4 : i32
      %mul3A_256 = arith.muli %mul3A_254, %mul3A_255 : i32
      %add3A_257 = arith.constant 0 : i32
      %add3A_258 = arith.addi %mul3A_256, %add3A_257 : i32
      %dma_start3A_259 = arith.constant 0 : i32
      %dma_start3A_260 = arith.constant 0 : i32
      %dma_start3A_261 = arith.constant 0 : i32
      %dma_start3A_262 = arith.constant 0 : i32
      %dma_start3A_263 = tpu.memref_slice %arg11[%dma_start3A_259, %dma_start3A_260, %dma_start3A_261, %dma_start3A_262] : memref<2x4x128x32xf32, #tpu.memory_space<vmem>> -> memref<1x1x128x32xf32, #tpu.memory_space<vmem>>
      %dma_start3A_264 = tpu.memref_squeeze %dma_start3A_263 : memref<1x1x128x32xf32, #tpu.memory_space<vmem>> -> memref<128x32xf32, #tpu.memory_space<vmem>>
      %dma_start3A_265 = arith.constant 0 : i32
      %dma_start3A_266 = tpu.memref_slice %arg10[%add3A_258, %dma_start3A_265] : memref<80x128xi32, #tpu.memory_space<vmem>> -> memref<1x128xi32, #tpu.memory_space<vmem>>
      %dma_start3A_267 = tpu.memref_squeeze %dma_start3A_266 : memref<1x128xi32, #tpu.memory_space<vmem>> -> memref<128xi32, #tpu.memory_space<vmem>>
      %dma_start3A_268 = arith.constant 0 : i32
      %dma_start3A_269 = arith.constant 0 : i32
      %dma_start3A_270 = tpu.memref_slice %arg7[%dma_start3A_268, %dma_start3A_269] : memref<10240x32xf32, #tpu.memory_space<vmem_shared>> -> memref<10240x32xf32, #tpu.memory_space<vmem_shared>>
      tpu.enqueue_indirect_dma source(%dma_start3A_264 : memref<128x32xf32, #tpu.memory_space<vmem>>) target(%dma_start3A_270 : memref<10240x32xf32, #tpu.memory_space<vmem_shared>>) offsets(%dma_start3A_267 : memref<128xi32, #tpu.memory_space<vmem>>) semaphore(%arg13 : memref<!tpu.dma_semaphore, #tpu.memory_space<semaphore_mem>>) {add = true}
      %mul3A_271 = arith.constant 4 : i32
      %mul3A_272 = arith.muli %mul3A_254, %mul3A_271 : i32
      %add3A_273 = arith.constant 1 : i32
      %add3A_274 = arith.addi %mul3A_272, %add3A_273 : i32
      %dma_start3A_275 = arith.constant 0 : i32
      %dma_start3A_276 = arith.constant 1 : i32
      %dma_start3A_277 = arith.constant 0 : i32
      %dma_start3A_278 = arith.constant 0 : i32
      %dma_start3A_279 = tpu.memref_slice %arg11[%dma_start3A_275, %dma_start3A_276, %dma_start3A_277, %dma_start3A_278] : memref<2x4x128x32xf32, #tpu.memory_space<vmem>> -> memref<1x1x128x32xf32, #tpu.memory_space<vmem>>
      %dma_start3A_280 = tpu.memref_squeeze %dma_start3A_279 : memref<1x1x128x32xf32, #tpu.memory_space<vmem>> -> memref<128x32xf32, #tpu.memory_space<vmem>>
      %dma_start3A_281 = arith.constant 0 : i32
      %dma_start3A_282 = tpu.memref_slice %arg10[%add3A_274, %dma_start3A_281] : memref<80x128xi32, #tpu.memory_space<vmem>> -> memref<1x128xi32, #tpu.memory_space<vmem>>
      %dma_start3A_283 = tpu.memref_squeeze %dma_start3A_282 : memref<1x128xi32, #tpu.memory_space<vmem>> -> memref<128xi32, #tpu.memory_space<vmem>>
      %dma_start3A_284 = arith.constant 0 : i32
      %dma_start3A_285 = arith.constant 0 : i32
      %dma_start3A_286 = tpu.memref_slice %arg7[%dma_start3A_284, %dma_start3A_285] : memref<10240x32xf32, #tpu.memory_space<vmem_shared>> -> memref<10240x32xf32, #tpu.memory_space<vmem_shared>>
      tpu.enqueue_indirect_dma source(%dma_start3A_280 : memref<128x32xf32, #tpu.memory_space<vmem>>) target(%dma_start3A_286 : memref<10240x32xf32, #tpu.memory_space<vmem_shared>>) offsets(%dma_start3A_283 : memref<128xi32, #tpu.memory_space<vmem>>) semaphore(%arg13 : memref<!tpu.dma_semaphore, #tpu.memory_space<semaphore_mem>>) {add = true}
      %mul3A_287 = arith.constant 4 : i32
      %mul3A_288 = arith.muli %mul3A_254, %mul3A_287 : i32
      %add3A_289 = arith.constant 2 : i32
      %add3A_290 = arith.addi %mul3A_288, %add3A_289 : i32
      %dma_start3A_291 = arith.constant 0 : i32
      %dma_start3A_292 = arith.constant 2 : i32
      %dma_start3A_293 = arith.constant 0 : i32
      %dma_start3A_294 = arith.constant 0 : i32
      %dma_start3A_295 = tpu.memref_slice %arg11[%dma_start3A_291, %dma_start3A_292, %dma_start3A_293, %dma_start3A_294] : memref<2x4x128x32xf32, #tpu.memory_space<vmem>> -> memref<1x1x128x32xf32, #tpu.memory_space<vmem>>
      %dma_start3A_296 = tpu.memref_squeeze %dma_start3A_295 : memref<1x1x128x32xf32, #tpu.memory_space<vmem>> -> memref<128x32xf32, #tpu.memory_space<vmem>>
      %dma_start3A_297 = arith.constant 0 : i32
      %dma_start3A_298 = tpu.memref_slice %arg10[%add3A_290, %dma_start3A_297] : memref<80x128xi32, #tpu.memory_space<vmem>> -> memref<1x128xi32, #tpu.memory_space<vmem>>
      %dma_start3A_299 = tpu.memref_squeeze %dma_start3A_298 : memref<1x128xi32, #tpu.memory_space<vmem>> -> memref<128xi32, #tpu.memory_space<vmem>>
      %dma_start3A_300 = arith.constant 0 : i32
      %dma_start3A_301 = arith.constant 0 : i32
      %dma_start3A_302 = tpu.memref_slice %arg7[%dma_start3A_300, %dma_start3A_301] : memref<10240x32xf32, #tpu.memory_space<vmem_shared>> -> memref<10240x32xf32, #tpu.memory_space<vmem_shared>>
      tpu.enqueue_indirect_dma source(%dma_start3A_296 : memref<128x32xf32, #tpu.memory_space<vmem>>) target(%dma_start3A_302 : memref<10240x32xf32, #tpu.memory_space<vmem_shared>>) offsets(%dma_start3A_299 : memref<128xi32, #tpu.memory_space<vmem>>) semaphore(%arg13 : memref<!tpu.dma_semaphore, #tpu.memory_space<semaphore_mem>>) {add = true}
      %mul3A_303 = arith.constant 4 : i32
      %mul3A_304 = arith.muli %mul3A_254, %mul3A_303 : i32
      %add3A_305 = arith.constant 3 : i32
      %add3A_306 = arith.addi %mul3A_304, %add3A_305 : i32
      %dma_start3A_307 = arith.constant 0 : i32
      %dma_start3A_308 = arith.constant 3 : i32
      %dma_start3A_309 = arith.constant 0 : i32
      %dma_start3A_310 = arith.constant 0 : i32
      %dma_start3A_311 = tpu.memref_slice %arg11[%dma_start3A_307, %dma_start3A_308, %dma_start3A_309, %dma_start3A_310] : memref<2x4x128x32xf32, #tpu.memory_space<vmem>> -> memref<1x1x128x32xf32, #tpu.memory_space<vmem>>
      %dma_start3A_312 = tpu.memref_squeeze %dma_start3A_311 : memref<1x1x128x32xf32, #tpu.memory_space<vmem>> -> memref<128x32xf32, #tpu.memory_space<vmem>>
      %dma_start3A_313 = arith.constant 0 : i32
      %dma_start3A_314 = tpu.memref_slice %arg10[%add3A_306, %dma_start3A_313] : memref<80x128xi32, #tpu.memory_space<vmem>> -> memref<1x128xi32, #tpu.memory_space<vmem>>
      %dma_start3A_315 = tpu.memref_squeeze %dma_start3A_314 : memref<1x128xi32, #tpu.memory_space<vmem>> -> memref<128xi32, #tpu.memory_space<vmem>>
      %dma_start3A_316 = arith.constant 0 : i32
      %dma_start3A_317 = arith.constant 0 : i32
      %dma_start3A_318 = tpu.memref_slice %arg7[%dma_start3A_316, %dma_start3A_317] : memref<10240x32xf32, #tpu.memory_space<vmem_shared>> -> memref<10240x32xf32, #tpu.memory_space<vmem_shared>>
      tpu.enqueue_indirect_dma source(%dma_start3A_312 : memref<128x32xf32, #tpu.memory_space<vmem>>) target(%dma_start3A_318 : memref<10240x32xf32, #tpu.memory_space<vmem_shared>>) offsets(%dma_start3A_315 : memref<128xi32, #tpu.memory_space<vmem>>) semaphore(%arg13 : memref<!tpu.dma_semaphore, #tpu.memory_space<semaphore_mem>>) {add = true}
      %dma_wait3A_319 = arith.constant 0 : i32
      %dma_wait3A_320 = arith.constant 0 : i32
      %dma_wait3A_321 = arith.constant 0 : i32
      %dma_wait3A_322 = arith.constant 0 : i32
      %dma_wait3A_323 = tpu.memref_slice %arg11[%dma_wait3A_319, %dma_wait3A_320, %dma_wait3A_321, %dma_wait3A_322] : memref<2x4x128x32xf32, #tpu.memory_space<vmem>> -> memref<1x1x128x32xf32, #tpu.memory_space<vmem>>
      %dma_wait3A_324 = tpu.memref_squeeze %dma_wait3A_323 : memref<1x1x128x32xf32, #tpu.memory_space<vmem>> -> memref<128x32xf32, #tpu.memory_space<vmem>>
      %dma_wait3A_325 = arith.constant 0 : i32
      %dma_wait3A_326 = arith.constant 0 : i32
      %dma_wait3A_327 = tpu.memref_slice %arg2[%dma_wait3A_325, %dma_wait3A_326] : memref<10240x32xf32, #tpu.memory_space<hbm>> -> memref<128x32xf32, #tpu.memory_space<hbm>>
      %dma_wait3A_328 = arith.constant 0 : i32
      %dma_wait3A_329 = arith.constant 0 : i32
      %dma_wait3A_330 = tpu.memref_slice %arg11[%dma_wait3A_319, %dma_wait3A_320, %dma_wait3A_328, %dma_wait3A_329] : memref<2x4x128x32xf32, #tpu.memory_space<vmem>> -> memref<1x1x128x32xf32, #tpu.memory_space<vmem>>
      %dma_wait3A_331 = tpu.memref_squeeze %dma_wait3A_330 : memref<1x1x128x32xf32, #tpu.memory_space<vmem>> -> memref<128x32xf32, #tpu.memory_space<vmem>>
      %dma_wait3A_332 = arith.constant 0 : i32
      %dma_wait3A_333 = arith.constant 0 : i32
      %dma_wait3A_334 = tpu.memref_slice %arg2[%dma_wait3A_332, %dma_wait3A_333] : memref<10240x32xf32, #tpu.memory_space<hbm>> -> memref<128x32xf32, #tpu.memory_space<hbm>>
      tpu.wait_dma2 semaphore(%arg13 : memref<!tpu.dma_semaphore, #tpu.memory_space<semaphore_mem>>) src(%dma_wait3A_334 : memref<128x32xf32, #tpu.memory_space<hbm>>) dst(%dma_wait3A_331 : memref<128x32xf32, #tpu.memory_space<vmem>>)
      %dma_wait3A_335 = arith.constant 0 : i32
      %dma_wait3A_336 = arith.constant 0 : i32
      %dma_wait3A_337 = arith.constant 0 : i32
      %dma_wait3A_338 = arith.constant 0 : i32
      %dma_wait3A_339 = tpu.memref_slice %arg11[%dma_wait3A_335, %dma_wait3A_336, %dma_wait3A_337, %dma_wait3A_338] : memref<2x4x128x32xf32, #tpu.memory_space<vmem>> -> memref<1x1x128x32xf32, #tpu.memory_space<vmem>>
      %dma_wait3A_340 = tpu.memref_squeeze %dma_wait3A_339 : memref<1x1x128x32xf32, #tpu.memory_space<vmem>> -> memref<128x32xf32, #tpu.memory_space<vmem>>
      %dma_wait3A_341 = arith.constant 0 : i32
      %dma_wait3A_342 = arith.constant 0 : i32
      %dma_wait3A_343 = tpu.memref_slice %arg2[%dma_wait3A_341, %dma_wait3A_342] : memref<10240x32xf32, #tpu.memory_space<hbm>> -> memref<128x32xf32, #tpu.memory_space<hbm>>
      %dma_wait3A_344 = arith.constant 0 : i32
      %dma_wait3A_345 = arith.constant 0 : i32
      %dma_wait3A_346 = tpu.memref_slice %arg11[%dma_wait3A_335, %dma_wait3A_336, %dma_wait3A_344, %dma_wait3A_345] : memref<2x4x128x32xf32, #tpu.memory_space<vmem>> -> memref<1x1x128x32xf32, #tpu.memory_space<vmem>>
      %dma_wait3A_347 = tpu.memref_squeeze %dma_wait3A_346 : memref<1x1x128x32xf32, #tpu.memory_space<vmem>> -> memref<128x32xf32, #tpu.memory_space<vmem>>
      %dma_wait3A_348 = arith.constant 0 : i32
      %dma_wait3A_349 = arith.constant 0 : i32
      %dma_wait3A_350 = tpu.memref_slice %arg2[%dma_wait3A_348, %dma_wait3A_349] : memref<10240x32xf32, #tpu.memory_space<hbm>> -> memref<128x32xf32, #tpu.memory_space<hbm>>
      tpu.wait_dma2 semaphore(%arg13 : memref<!tpu.dma_semaphore, #tpu.memory_space<semaphore_mem>>) src(%dma_wait3A_350 : memref<128x32xf32, #tpu.memory_space<hbm>>) dst(%dma_wait3A_347 : memref<128x32xf32, #tpu.memory_space<vmem>>)
      %dma_wait3A_351 = arith.constant 0 : i32
      %dma_wait3A_352 = arith.constant 0 : i32
      %dma_wait3A_353 = arith.constant 0 : i32
      %dma_wait3A_354 = arith.constant 0 : i32
      %dma_wait3A_355 = tpu.memref_slice %arg11[%dma_wait3A_351, %dma_wait3A_352, %dma_wait3A_353, %dma_wait3A_354] : memref<2x4x128x32xf32, #tpu.memory_space<vmem>> -> memref<1x1x128x32xf32, #tpu.memory_space<vmem>>
      %dma_wait3A_356 = tpu.memref_squeeze %dma_wait3A_355 : memref<1x1x128x32xf32, #tpu.memory_space<vmem>> -> memref<128x32xf32, #tpu.memory_space<vmem>>
      %dma_wait3A_357 = arith.constant 0 : i32
      %dma_wait3A_358 = arith.constant 0 : i32
      %dma_wait3A_359 = tpu.memref_slice %arg2[%dma_wait3A_357, %dma_wait3A_358] : memref<10240x32xf32, #tpu.memory_space<hbm>> -> memref<128x32xf32, #tpu.memory_space<hbm>>
      %dma_wait3A_360 = arith.constant 0 : i32
      %dma_wait3A_361 = arith.constant 0 : i32
      %dma_wait3A_362 = tpu.memref_slice %arg11[%dma_wait3A_351, %dma_wait3A_352, %dma_wait3A_360, %dma_wait3A_361] : memref<2x4x128x32xf32, #tpu.memory_space<vmem>> -> memref<1x1x128x32xf32, #tpu.memory_space<vmem>>
      %dma_wait3A_363 = tpu.memref_squeeze %dma_wait3A_362 : memref<1x1x128x32xf32, #tpu.memory_space<vmem>> -> memref<128x32xf32, #tpu.memory_space<vmem>>
      %dma_wait3A_364 = arith.constant 0 : i32
      %dma_wait3A_365 = arith.constant 0 : i32
      %dma_wait3A_366 = tpu.memref_slice %arg2[%dma_wait3A_364, %dma_wait3A_365] : memref<10240x32xf32, #tpu.memory_space<hbm>> -> memref<128x32xf32, #tpu.memory_space<hbm>>
      tpu.wait_dma2 semaphore(%arg13 : memref<!tpu.dma_semaphore, #tpu.memory_space<semaphore_mem>>) src(%dma_wait3A_366 : memref<128x32xf32, #tpu.memory_space<hbm>>) dst(%dma_wait3A_363 : memref<128x32xf32, #tpu.memory_space<vmem>>)
      %dma_wait3A_367 = arith.constant 0 : i32
      %dma_wait3A_368 = arith.constant 0 : i32
      %dma_wait3A_369 = arith.constant 0 : i32
      %dma_wait3A_370 = arith.constant 0 : i32
      %dma_wait3A_371 = tpu.memref_slice %arg11[%dma_wait3A_367, %dma_wait3A_368, %dma_wait3A_369, %dma_wait3A_370] : memref<2x4x128x32xf32, #tpu.memory_space<vmem>> -> memref<1x1x128x32xf32, #tpu.memory_space<vmem>>
      %dma_wait3A_372 = tpu.memref_squeeze %dma_wait3A_371 : memref<1x1x128x32xf32, #tpu.memory_space<vmem>> -> memref<128x32xf32, #tpu.memory_space<vmem>>
      %dma_wait3A_373 = arith.constant 0 : i32
      %dma_wait3A_374 = arith.constant 0 : i32
      %dma_wait3A_375 = tpu.memref_slice %arg2[%dma_wait3A_373, %dma_wait3A_374] : memref<10240x32xf32, #tpu.memory_space<hbm>> -> memref<128x32xf32, #tpu.memory_space<hbm>>
      %dma_wait3A_376 = arith.constant 0 : i32
      %dma_wait3A_377 = arith.constant 0 : i32
      %dma_wait3A_378 = tpu.memref_slice %arg11[%dma_wait3A_367, %dma_wait3A_368, %dma_wait3A_376, %dma_wait3A_377] : memref<2x4x128x32xf32, #tpu.memory_space<vmem>> -> memref<1x1x128x32xf32, #tpu.memory_space<vmem>>
      %dma_wait3A_379 = tpu.memref_squeeze %dma_wait3A_378 : memref<1x1x128x32xf32, #tpu.memory_space<vmem>> -> memref<128x32xf32, #tpu.memory_space<vmem>>
      %dma_wait3A_380 = arith.constant 0 : i32
      %dma_wait3A_381 = arith.constant 0 : i32
      %dma_wait3A_382 = tpu.memref_slice %arg2[%dma_wait3A_380, %dma_wait3A_381] : memref<10240x32xf32, #tpu.memory_space<hbm>> -> memref<128x32xf32, #tpu.memory_space<hbm>>
      tpu.wait_dma2 semaphore(%arg13 : memref<!tpu.dma_semaphore, #tpu.memory_space<semaphore_mem>>) src(%dma_wait3A_382 : memref<128x32xf32, #tpu.memory_space<hbm>>) dst(%dma_wait3A_379 : memref<128x32xf32, #tpu.memory_space<vmem>>)
      %lt3A = arith.constant 9 : i32
      %lt3A_383 = arith.cmpi slt, %add3A_120, %lt3A : i32
      %convert_element_type3A = arith.extui %lt3A_383 : i1 to i32
      %cond3A = arith.constant 0 : i32
      %cond3A_384 = arith.cmpi ne, %convert_element_type3A, %cond3A : i32
      scf.if %cond3A_384 {
        %mul3A_581 = arith.constant 2 : i32
        %mul3A_582 = arith.muli %mul3A_581, %add3A_120 : i32
        %add3A_583 = arith.constant 2 : i32
        %add3A_584 = arith.addi %mul3A_582, %add3A_583 : i32
        %mul3A_585 = arith.constant 4 : i32
        %mul3A_586 = arith.muli %add3A_584, %mul3A_585 : i32
        %add3A_587 = arith.constant 0 : i32
        %add3A_588 = arith.addi %mul3A_586, %add3A_587 : i32
        %dma_start3A_589 = arith.constant 0 : i32
        %dma_start3A_590 = arith.constant 0 : i32
        %dma_start3A_591 = arith.constant 0 : i32
        %dma_start3A_592 = arith.constant 0 : i32
        %dma_start3A_593 = tpu.memref_slice %arg11[%dma_start3A_589, %dma_start3A_590, %dma_start3A_591, %dma_start3A_592] : memref<2x4x128x32xf32, #tpu.memory_space<vmem>> -> memref<1x1x128x32xf32, #tpu.memory_space<vmem>>
        %dma_start3A_594 = tpu.memref_squeeze %dma_start3A_593 : memref<1x1x128x32xf32, #tpu.memory_space<vmem>> -> memref<128x32xf32, #tpu.memory_space<vmem>>
        %dma_start3A_595 = arith.constant 0 : i32
        %dma_start3A_596 = tpu.memref_slice %arg9[%add3A_588, %dma_start3A_595] : memref<80x128xi32, #tpu.memory_space<vmem>> -> memref<1x128xi32, #tpu.memory_space<vmem>>
        %dma_start3A_597 = tpu.memref_squeeze %dma_start3A_596 : memref<1x128xi32, #tpu.memory_space<vmem>> -> memref<128xi32, #tpu.memory_space<vmem>>
        %dma_start3A_598 = arith.constant 0 : i32
        %dma_start3A_599 = arith.constant 0 : i32
        %dma_start3A_600 = tpu.memref_slice %arg8[%dma_start3A_598, %dma_start3A_599] : memref<10240x32xf32, #tpu.memory_space<vmem_shared>> -> memref<10240x32xf32, #tpu.memory_space<vmem_shared>>
        tpu.enqueue_indirect_dma source(%dma_start3A_600 : memref<10240x32xf32, #tpu.memory_space<vmem_shared>>) target(%dma_start3A_594 : memref<128x32xf32, #tpu.memory_space<vmem>>) offsets(%dma_start3A_597 : memref<128xi32, #tpu.memory_space<vmem>>) semaphore(%arg12 : memref<!tpu.dma_semaphore, #tpu.memory_space<semaphore_mem>>)
        %mul3A_601 = arith.constant 4 : i32
        %mul3A_602 = arith.muli %add3A_584, %mul3A_601 : i32
        %add3A_603 = arith.constant 1 : i32
        %add3A_604 = arith.addi %mul3A_602, %add3A_603 : i32
        %dma_start3A_605 = arith.constant 0 : i32
        %dma_start3A_606 = arith.constant 1 : i32
        %dma_start3A_607 = arith.constant 0 : i32
        %dma_start3A_608 = arith.constant 0 : i32
        %dma_start3A_609 = tpu.memref_slice %arg11[%dma_start3A_605, %dma_start3A_606, %dma_start3A_607, %dma_start3A_608] : memref<2x4x128x32xf32, #tpu.memory_space<vmem>> -> memref<1x1x128x32xf32, #tpu.memory_space<vmem>>
        %dma_start3A_610 = tpu.memref_squeeze %dma_start3A_609 : memref<1x1x128x32xf32, #tpu.memory_space<vmem>> -> memref<128x32xf32, #tpu.memory_space<vmem>>
        %dma_start3A_611 = arith.constant 0 : i32
        %dma_start3A_612 = tpu.memref_slice %arg9[%add3A_604, %dma_start3A_611] : memref<80x128xi32, #tpu.memory_space<vmem>> -> memref<1x128xi32, #tpu.memory_space<vmem>>
        %dma_start3A_613 = tpu.memref_squeeze %dma_start3A_612 : memref<1x128xi32, #tpu.memory_space<vmem>> -> memref<128xi32, #tpu.memory_space<vmem>>
        %dma_start3A_614 = arith.constant 0 : i32
        %dma_start3A_615 = arith.constant 0 : i32
        %dma_start3A_616 = tpu.memref_slice %arg8[%dma_start3A_614, %dma_start3A_615] : memref<10240x32xf32, #tpu.memory_space<vmem_shared>> -> memref<10240x32xf32, #tpu.memory_space<vmem_shared>>
        tpu.enqueue_indirect_dma source(%dma_start3A_616 : memref<10240x32xf32, #tpu.memory_space<vmem_shared>>) target(%dma_start3A_610 : memref<128x32xf32, #tpu.memory_space<vmem>>) offsets(%dma_start3A_613 : memref<128xi32, #tpu.memory_space<vmem>>) semaphore(%arg12 : memref<!tpu.dma_semaphore, #tpu.memory_space<semaphore_mem>>)
        %mul3A_617 = arith.constant 4 : i32
        %mul3A_618 = arith.muli %add3A_584, %mul3A_617 : i32
        %add3A_619 = arith.constant 2 : i32
        %add3A_620 = arith.addi %mul3A_618, %add3A_619 : i32
        %dma_start3A_621 = arith.constant 0 : i32
        %dma_start3A_622 = arith.constant 2 : i32
        %dma_start3A_623 = arith.constant 0 : i32
        %dma_start3A_624 = arith.constant 0 : i32
        %dma_start3A_625 = tpu.memref_slice %arg11[%dma_start3A_621, %dma_start3A_622, %dma_start3A_623, %dma_start3A_624] : memref<2x4x128x32xf32, #tpu.memory_space<vmem>> -> memref<1x1x128x32xf32, #tpu.memory_space<vmem>>
        %dma_start3A_626 = tpu.memref_squeeze %dma_start3A_625 : memref<1x1x128x32xf32, #tpu.memory_space<vmem>> -> memref<128x32xf32, #tpu.memory_space<vmem>>
        %dma_start3A_627 = arith.constant 0 : i32
        %dma_start3A_628 = tpu.memref_slice %arg9[%add3A_620, %dma_start3A_627] : memref<80x128xi32, #tpu.memory_space<vmem>> -> memref<1x128xi32, #tpu.memory_space<vmem>>
        %dma_start3A_629 = tpu.memref_squeeze %dma_start3A_628 : memref<1x128xi32, #tpu.memory_space<vmem>> -> memref<128xi32, #tpu.memory_space<vmem>>
        %dma_start3A_630 = arith.constant 0 : i32
        %dma_start3A_631 = arith.constant 0 : i32
        %dma_start3A_632 = tpu.memref_slice %arg8[%dma_start3A_630, %dma_start3A_631] : memref<10240x32xf32, #tpu.memory_space<vmem_shared>> -> memref<10240x32xf32, #tpu.memory_space<vmem_shared>>
        tpu.enqueue_indirect_dma source(%dma_start3A_632 : memref<10240x32xf32, #tpu.memory_space<vmem_shared>>) target(%dma_start3A_626 : memref<128x32xf32, #tpu.memory_space<vmem>>) offsets(%dma_start3A_629 : memref<128xi32, #tpu.memory_space<vmem>>) semaphore(%arg12 : memref<!tpu.dma_semaphore, #tpu.memory_space<semaphore_mem>>)
        %mul3A_633 = arith.constant 4 : i32
        %mul3A_634 = arith.muli %add3A_584, %mul3A_633 : i32
        %add3A_635 = arith.constant 3 : i32
        %add3A_636 = arith.addi %mul3A_634, %add3A_635 : i32
        %dma_start3A_637 = arith.constant 0 : i32
        %dma_start3A_638 = arith.constant 3 : i32
        %dma_start3A_639 = arith.constant 0 : i32
        %dma_start3A_640 = arith.constant 0 : i32
        %dma_start3A_641 = tpu.memref_slice %arg11[%dma_start3A_637, %dma_start3A_638, %dma_start3A_639, %dma_start3A_640] : memref<2x4x128x32xf32, #tpu.memory_space<vmem>> -> memref<1x1x128x32xf32, #tpu.memory_space<vmem>>
        %dma_start3A_642 = tpu.memref_squeeze %dma_start3A_641 : memref<1x1x128x32xf32, #tpu.memory_space<vmem>> -> memref<128x32xf32, #tpu.memory_space<vmem>>
        %dma_start3A_643 = arith.constant 0 : i32
        %dma_start3A_644 = tpu.memref_slice %arg9[%add3A_636, %dma_start3A_643] : memref<80x128xi32, #tpu.memory_space<vmem>> -> memref<1x128xi32, #tpu.memory_space<vmem>>
        %dma_start3A_645 = tpu.memref_squeeze %dma_start3A_644 : memref<1x128xi32, #tpu.memory_space<vmem>> -> memref<128xi32, #tpu.memory_space<vmem>>
        %dma_start3A_646 = arith.constant 0 : i32
        %dma_start3A_647 = arith.constant 0 : i32
        %dma_start3A_648 = tpu.memref_slice %arg8[%dma_start3A_646, %dma_start3A_647] : memref<10240x32xf32, #tpu.memory_space<vmem_shared>> -> memref<10240x32xf32, #tpu.memory_space<vmem_shared>>
        tpu.enqueue_indirect_dma source(%dma_start3A_648 : memref<10240x32xf32, #tpu.memory_space<vmem_shared>>) target(%dma_start3A_642 : memref<128x32xf32, #tpu.memory_space<vmem>>) offsets(%dma_start3A_645 : memref<128xi32, #tpu.memory_space<vmem>>) semaphore(%arg12 : memref<!tpu.dma_semaphore, #tpu.memory_space<semaphore_mem>>)
      } else {
      }
      %dma_wait3A_385 = arith.constant 0 : i32
      %dma_wait3A_386 = arith.constant 0 : i32
      %dma_wait3A_387 = arith.constant 0 : i32
      %dma_wait3A_388 = arith.constant 0 : i32
      %dma_wait3A_389 = tpu.memref_slice %arg11[%dma_wait3A_385, %dma_wait3A_386, %dma_wait3A_387, %dma_wait3A_388] : memref<2x4x128x32xf32, #tpu.memory_space<vmem>> -> memref<1x1x128x32xf32, #tpu.memory_space<vmem>>
      %dma_wait3A_390 = tpu.memref_squeeze %dma_wait3A_389 : memref<1x1x128x32xf32, #tpu.memory_space<vmem>> -> memref<128x32xf32, #tpu.memory_space<vmem>>
      %dma_wait3A_391 = arith.constant 0 : i32
      %dma_wait3A_392 = arith.constant 0 : i32
      %dma_wait3A_393 = tpu.memref_slice %arg2[%dma_wait3A_391, %dma_wait3A_392] : memref<10240x32xf32, #tpu.memory_space<hbm>> -> memref<128x32xf32, #tpu.memory_space<hbm>>
      %dma_wait3A_394 = arith.constant 0 : i32
      %dma_wait3A_395 = arith.constant 0 : i32
      %dma_wait3A_396 = tpu.memref_slice %arg11[%dma_wait3A_385, %dma_wait3A_386, %dma_wait3A_394, %dma_wait3A_395] : memref<2x4x128x32xf32, #tpu.memory_space<vmem>> -> memref<1x1x128x32xf32, #tpu.memory_space<vmem>>
      %dma_wait3A_397 = tpu.memref_squeeze %dma_wait3A_396 : memref<1x1x128x32xf32, #tpu.memory_space<vmem>> -> memref<128x32xf32, #tpu.memory_space<vmem>>
      %dma_wait3A_398 = arith.constant 0 : i32
      %dma_wait3A_399 = arith.constant 0 : i32
      %dma_wait3A_400 = tpu.memref_slice %arg2[%dma_wait3A_398, %dma_wait3A_399] : memref<10240x32xf32, #tpu.memory_space<hbm>> -> memref<128x32xf32, #tpu.memory_space<hbm>>
      tpu.wait_dma2 semaphore(%arg12 : memref<!tpu.dma_semaphore, #tpu.memory_space<semaphore_mem>>) src(%dma_wait3A_400 : memref<128x32xf32, #tpu.memory_space<hbm>>) dst(%dma_wait3A_397 : memref<128x32xf32, #tpu.memory_space<vmem>>)
      %dma_wait3A_401 = arith.constant 0 : i32
      %dma_wait3A_402 = arith.constant 0 : i32
      %dma_wait3A_403 = arith.constant 0 : i32
      %dma_wait3A_404 = arith.constant 0 : i32
      %dma_wait3A_405 = tpu.memref_slice %arg11[%dma_wait3A_401, %dma_wait3A_402, %dma_wait3A_403, %dma_wait3A_404] : memref<2x4x128x32xf32, #tpu.memory_space<vmem>> -> memref<1x1x128x32xf32, #tpu.memory_space<vmem>>
      %dma_wait3A_406 = tpu.memref_squeeze %dma_wait3A_405 : memref<1x1x128x32xf32, #tpu.memory_space<vmem>> -> memref<128x32xf32, #tpu.memory_space<vmem>>
      %dma_wait3A_407 = arith.constant 0 : i32
      %dma_wait3A_408 = arith.constant 0 : i32
      %dma_wait3A_409 = tpu.memref_slice %arg2[%dma_wait3A_407, %dma_wait3A_408] : memref<10240x32xf32, #tpu.memory_space<hbm>> -> memref<128x32xf32, #tpu.memory_space<hbm>>
      %dma_wait3A_410 = arith.constant 0 : i32
      %dma_wait3A_411 = arith.constant 0 : i32
      %dma_wait3A_412 = tpu.memref_slice %arg11[%dma_wait3A_401, %dma_wait3A_402, %dma_wait3A_410, %dma_wait3A_411] : memref<2x4x128x32xf32, #tpu.memory_space<vmem>> -> memref<1x1x128x32xf32, #tpu.memory_space<vmem>>
      %dma_wait3A_413 = tpu.memref_squeeze %dma_wait3A_412 : memref<1x1x128x32xf32, #tpu.memory_space<vmem>> -> memref<128x32xf32, #tpu.memory_space<vmem>>
      %dma_wait3A_414 = arith.constant 0 : i32
      %dma_wait3A_415 = arith.constant 0 : i32
      %dma_wait3A_416 = tpu.memref_slice %arg2[%dma_wait3A_414, %dma_wait3A_415] : memref<10240x32xf32, #tpu.memory_space<hbm>> -> memref<128x32xf32, #tpu.memory_space<hbm>>
      tpu.wait_dma2 semaphore(%arg12 : memref<!tpu.dma_semaphore, #tpu.memory_space<semaphore_mem>>) src(%dma_wait3A_416 : memref<128x32xf32, #tpu.memory_space<hbm>>) dst(%dma_wait3A_413 : memref<128x32xf32, #tpu.memory_space<vmem>>)
      %dma_wait3A_417 = arith.constant 0 : i32
      %dma_wait3A_418 = arith.constant 0 : i32
      %dma_wait3A_419 = arith.constant 0 : i32
      %dma_wait3A_420 = arith.constant 0 : i32
      %dma_wait3A_421 = tpu.memref_slice %arg11[%dma_wait3A_417, %dma_wait3A_418, %dma_wait3A_419, %dma_wait3A_420] : memref<2x4x128x32xf32, #tpu.memory_space<vmem>> -> memref<1x1x128x32xf32, #tpu.memory_space<vmem>>
      %dma_wait3A_422 = tpu.memref_squeeze %dma_wait3A_421 : memref<1x1x128x32xf32, #tpu.memory_space<vmem>> -> memref<128x32xf32, #tpu.memory_space<vmem>>
      %dma_wait3A_423 = arith.constant 0 : i32
      %dma_wait3A_424 = arith.constant 0 : i32
      %dma_wait3A_425 = tpu.memref_slice %arg2[%dma_wait3A_423, %dma_wait3A_424] : memref<10240x32xf32, #tpu.memory_space<hbm>> -> memref<128x32xf32, #tpu.memory_space<hbm>>
      %dma_wait3A_426 = arith.constant 0 : i32
      %dma_wait3A_427 = arith.constant 0 : i32
      %dma_wait3A_428 = tpu.memref_slice %arg11[%dma_wait3A_417, %dma_wait3A_418, %dma_wait3A_426, %dma_wait3A_427] : memref<2x4x128x32xf32, #tpu.memory_space<vmem>> -> memref<1x1x128x32xf32, #tpu.memory_space<vmem>>
      %dma_wait3A_429 = tpu.memref_squeeze %dma_wait3A_428 : memref<1x1x128x32xf32, #tpu.memory_space<vmem>> -> memref<128x32xf32, #tpu.memory_space<vmem>>
      %dma_wait3A_430 = arith.constant 0 : i32
      %dma_wait3A_431 = arith.constant 0 : i32
      %dma_wait3A_432 = tpu.memref_slice %arg2[%dma_wait3A_430, %dma_wait3A_431] : memref<10240x32xf32, #tpu.memory_space<hbm>> -> memref<128x32xf32, #tpu.memory_space<hbm>>
      tpu.wait_dma2 semaphore(%arg12 : memref<!tpu.dma_semaphore, #tpu.memory_space<semaphore_mem>>) src(%dma_wait3A_432 : memref<128x32xf32, #tpu.memory_space<hbm>>) dst(%dma_wait3A_429 : memref<128x32xf32, #tpu.memory_space<vmem>>)
      %dma_wait3A_433 = arith.constant 0 : i32
      %dma_wait3A_434 = arith.constant 0 : i32
      %dma_wait3A_435 = arith.constant 0 : i32
      %dma_wait3A_436 = arith.constant 0 : i32
      %dma_wait3A_437 = tpu.memref_slice %arg11[%dma_wait3A_433, %dma_wait3A_434, %dma_wait3A_435, %dma_wait3A_436] : memref<2x4x128x32xf32, #tpu.memory_space<vmem>> -> memref<1x1x128x32xf32, #tpu.memory_space<vmem>>
      %dma_wait3A_438 = tpu.memref_squeeze %dma_wait3A_437 : memref<1x1x128x32xf32, #tpu.memory_space<vmem>> -> memref<128x32xf32, #tpu.memory_space<vmem>>
      %dma_wait3A_439 = arith.constant 0 : i32
      %dma_wait3A_440 = arith.constant 0 : i32
      %dma_wait3A_441 = tpu.memref_slice %arg2[%dma_wait3A_439, %dma_wait3A_440] : memref<10240x32xf32, #tpu.memory_space<hbm>> -> memref<128x32xf32, #tpu.memory_space<hbm>>
      %dma_wait3A_442 = arith.constant 0 : i32
      %dma_wait3A_443 = arith.constant 0 : i32
      %dma_wait3A_444 = tpu.memref_slice %arg11[%dma_wait3A_433, %dma_wait3A_434, %dma_wait3A_442, %dma_wait3A_443] : memref<2x4x128x32xf32, #tpu.memory_space<vmem>> -> memref<1x1x128x32xf32, #tpu.memory_space<vmem>>
      %dma_wait3A_445 = tpu.memref_squeeze %dma_wait3A_444 : memref<1x1x128x32xf32, #tpu.memory_space<vmem>> -> memref<128x32xf32, #tpu.memory_space<vmem>>
      %dma_wait3A_446 = arith.constant 0 : i32
      %dma_wait3A_447 = arith.constant 0 : i32
      %dma_wait3A_448 = tpu.memref_slice %arg2[%dma_wait3A_446, %dma_wait3A_447] : memref<10240x32xf32, #tpu.memory_space<hbm>> -> memref<128x32xf32, #tpu.memory_space<hbm>>
      tpu.wait_dma2 semaphore(%arg12 : memref<!tpu.dma_semaphore, #tpu.memory_space<semaphore_mem>>) src(%dma_wait3A_448 : memref<128x32xf32, #tpu.memory_space<hbm>>) dst(%dma_wait3A_445 : memref<128x32xf32, #tpu.memory_space<vmem>>)
      %mul3A_449 = arith.constant 2 : i32
      %mul3A_450 = arith.muli %mul3A_449, %add3A_120 : i32
      %add3A_451 = arith.constant 1 : i32
      %add3A_452 = arith.addi %mul3A_450, %add3A_451 : i32
      %mul3A_453 = arith.constant 4 : i32
      %mul3A_454 = arith.muli %add3A_452, %mul3A_453 : i32
      %add3A_455 = arith.constant 0 : i32
      %add3A_456 = arith.addi %mul3A_454, %add3A_455 : i32
      %dma_start3A_457 = arith.constant 1 : i32
      %dma_start3A_458 = arith.constant 0 : i32
      %dma_start3A_459 = arith.constant 0 : i32
      %dma_start3A_460 = arith.constant 0 : i32
      %dma_start3A_461 = tpu.memref_slice %arg11[%dma_start3A_457, %dma_start3A_458, %dma_start3A_459, %dma_start3A_460] : memref<2x4x128x32xf32, #tpu.memory_space<vmem>> -> memref<1x1x128x32xf32, #tpu.memory_space<vmem>>
      %dma_start3A_462 = tpu.memref_squeeze %dma_start3A_461 : memref<1x1x128x32xf32, #tpu.memory_space<vmem>> -> memref<128x32xf32, #tpu.memory_space<vmem>>
      %dma_start3A_463 = arith.constant 0 : i32
      %dma_start3A_464 = tpu.memref_slice %arg10[%add3A_456, %dma_start3A_463] : memref<80x128xi32, #tpu.memory_space<vmem>> -> memref<1x128xi32, #tpu.memory_space<vmem>>
      %dma_start3A_465 = tpu.memref_squeeze %dma_start3A_464 : memref<1x128xi32, #tpu.memory_space<vmem>> -> memref<128xi32, #tpu.memory_space<vmem>>
      %dma_start3A_466 = arith.constant 0 : i32
      %dma_start3A_467 = arith.constant 0 : i32
      %dma_start3A_468 = tpu.memref_slice %arg7[%dma_start3A_466, %dma_start3A_467] : memref<10240x32xf32, #tpu.memory_space<vmem_shared>> -> memref<10240x32xf32, #tpu.memory_space<vmem_shared>>
      tpu.enqueue_indirect_dma source(%dma_start3A_462 : memref<128x32xf32, #tpu.memory_space<vmem>>) target(%dma_start3A_468 : memref<10240x32xf32, #tpu.memory_space<vmem_shared>>) offsets(%dma_start3A_465 : memref<128xi32, #tpu.memory_space<vmem>>) semaphore(%arg13 : memref<!tpu.dma_semaphore, #tpu.memory_space<semaphore_mem>>) {add = true}
      %mul3A_469 = arith.constant 4 : i32
      %mul3A_470 = arith.muli %add3A_452, %mul3A_469 : i32
      %add3A_471 = arith.constant 1 : i32
      %add3A_472 = arith.addi %mul3A_470, %add3A_471 : i32
      %dma_start3A_473 = arith.constant 1 : i32
      %dma_start3A_474 = arith.constant 1 : i32
      %dma_start3A_475 = arith.constant 0 : i32
      %dma_start3A_476 = arith.constant 0 : i32
      %dma_start3A_477 = tpu.memref_slice %arg11[%dma_start3A_473, %dma_start3A_474, %dma_start3A_475, %dma_start3A_476] : memref<2x4x128x32xf32, #tpu.memory_space<vmem>> -> memref<1x1x128x32xf32, #tpu.memory_space<vmem>>
      %dma_start3A_478 = tpu.memref_squeeze %dma_start3A_477 : memref<1x1x128x32xf32, #tpu.memory_space<vmem>> -> memref<128x32xf32, #tpu.memory_space<vmem>>
      %dma_start3A_479 = arith.constant 0 : i32
      %dma_start3A_480 = tpu.memref_slice %arg10[%add3A_472, %dma_start3A_479] : memref<80x128xi32, #tpu.memory_space<vmem>> -> memref<1x128xi32, #tpu.memory_space<vmem>>
      %dma_start3A_481 = tpu.memref_squeeze %dma_start3A_480 : memref<1x128xi32, #tpu.memory_space<vmem>> -> memref<128xi32, #tpu.memory_space<vmem>>
      %dma_start3A_482 = arith.constant 0 : i32
      %dma_start3A_483 = arith.constant 0 : i32
      %dma_start3A_484 = tpu.memref_slice %arg7[%dma_start3A_482, %dma_start3A_483] : memref<10240x32xf32, #tpu.memory_space<vmem_shared>> -> memref<10240x32xf32, #tpu.memory_space<vmem_shared>>
      tpu.enqueue_indirect_dma source(%dma_start3A_478 : memref<128x32xf32, #tpu.memory_space<vmem>>) target(%dma_start3A_484 : memref<10240x32xf32, #tpu.memory_space<vmem_shared>>) offsets(%dma_start3A_481 : memref<128xi32, #tpu.memory_space<vmem>>) semaphore(%arg13 : memref<!tpu.dma_semaphore, #tpu.memory_space<semaphore_mem>>) {add = true}
      %mul3A_485 = arith.constant 4 : i32
      %mul3A_486 = arith.muli %add3A_452, %mul3A_485 : i32
      %add3A_487 = arith.constant 2 : i32
      %add3A_488 = arith.addi %mul3A_486, %add3A_487 : i32
      %dma_start3A_489 = arith.constant 1 : i32
      %dma_start3A_490 = arith.constant 2 : i32
      %dma_start3A_491 = arith.constant 0 : i32
      %dma_start3A_492 = arith.constant 0 : i32
      %dma_start3A_493 = tpu.memref_slice %arg11[%dma_start3A_489, %dma_start3A_490, %dma_start3A_491, %dma_start3A_492] : memref<2x4x128x32xf32, #tpu.memory_space<vmem>> -> memref<1x1x128x32xf32, #tpu.memory_space<vmem>>
      %dma_start3A_494 = tpu.memref_squeeze %dma_start3A_493 : memref<1x1x128x32xf32, #tpu.memory_space<vmem>> -> memref<128x32xf32, #tpu.memory_space<vmem>>
      %dma_start3A_495 = arith.constant 0 : i32
      %dma_start3A_496 = tpu.memref_slice %arg10[%add3A_488, %dma_start3A_495] : memref<80x128xi32, #tpu.memory_space<vmem>> -> memref<1x128xi32, #tpu.memory_space<vmem>>
      %dma_start3A_497 = tpu.memref_squeeze %dma_start3A_496 : memref<1x128xi32, #tpu.memory_space<vmem>> -> memref<128xi32, #tpu.memory_space<vmem>>
      %dma_start3A_498 = arith.constant 0 : i32
      %dma_start3A_499 = arith.constant 0 : i32
      %dma_start3A_500 = tpu.memref_slice %arg7[%dma_start3A_498, %dma_start3A_499] : memref<10240x32xf32, #tpu.memory_space<vmem_shared>> -> memref<10240x32xf32, #tpu.memory_space<vmem_shared>>
      tpu.enqueue_indirect_dma source(%dma_start3A_494 : memref<128x32xf32, #tpu.memory_space<vmem>>) target(%dma_start3A_500 : memref<10240x32xf32, #tpu.memory_space<vmem_shared>>) offsets(%dma_start3A_497 : memref<128xi32, #tpu.memory_space<vmem>>) semaphore(%arg13 : memref<!tpu.dma_semaphore, #tpu.memory_space<semaphore_mem>>) {add = true}
      %mul3A_501 = arith.constant 4 : i32
      %mul3A_502 = arith.muli %add3A_452, %mul3A_501 : i32
      %add3A_503 = arith.constant 3 : i32
      %add3A_504 = arith.addi %mul3A_502, %add3A_503 : i32
      %dma_start3A_505 = arith.constant 1 : i32
      %dma_start3A_506 = arith.constant 3 : i32
      %dma_start3A_507 = arith.constant 0 : i32
      %dma_start3A_508 = arith.constant 0 : i32
      %dma_start3A_509 = tpu.memref_slice %arg11[%dma_start3A_505, %dma_start3A_506, %dma_start3A_507, %dma_start3A_508] : memref<2x4x128x32xf32, #tpu.memory_space<vmem>> -> memref<1x1x128x32xf32, #tpu.memory_space<vmem>>
      %dma_start3A_510 = tpu.memref_squeeze %dma_start3A_509 : memref<1x1x128x32xf32, #tpu.memory_space<vmem>> -> memref<128x32xf32, #tpu.memory_space<vmem>>
      %dma_start3A_511 = arith.constant 0 : i32
      %dma_start3A_512 = tpu.memref_slice %arg10[%add3A_504, %dma_start3A_511] : memref<80x128xi32, #tpu.memory_space<vmem>> -> memref<1x128xi32, #tpu.memory_space<vmem>>
      %dma_start3A_513 = tpu.memref_squeeze %dma_start3A_512 : memref<1x128xi32, #tpu.memory_space<vmem>> -> memref<128xi32, #tpu.memory_space<vmem>>
      %dma_start3A_514 = arith.constant 0 : i32
      %dma_start3A_515 = arith.constant 0 : i32
      %dma_start3A_516 = tpu.memref_slice %arg7[%dma_start3A_514, %dma_start3A_515] : memref<10240x32xf32, #tpu.memory_space<vmem_shared>> -> memref<10240x32xf32, #tpu.memory_space<vmem_shared>>
      tpu.enqueue_indirect_dma source(%dma_start3A_510 : memref<128x32xf32, #tpu.memory_space<vmem>>) target(%dma_start3A_516 : memref<10240x32xf32, #tpu.memory_space<vmem_shared>>) offsets(%dma_start3A_513 : memref<128xi32, #tpu.memory_space<vmem>>) semaphore(%arg13 : memref<!tpu.dma_semaphore, #tpu.memory_space<semaphore_mem>>) {add = true}
      %dma_wait3A_517 = arith.constant 0 : i32
      %dma_wait3A_518 = arith.constant 0 : i32
      %dma_wait3A_519 = arith.constant 0 : i32
      %dma_wait3A_520 = arith.constant 0 : i32
      %dma_wait3A_521 = tpu.memref_slice %arg11[%dma_wait3A_517, %dma_wait3A_518, %dma_wait3A_519, %dma_wait3A_520] : memref<2x4x128x32xf32, #tpu.memory_space<vmem>> -> memref<1x1x128x32xf32, #tpu.memory_space<vmem>>
      %dma_wait3A_522 = tpu.memref_squeeze %dma_wait3A_521 : memref<1x1x128x32xf32, #tpu.memory_space<vmem>> -> memref<128x32xf32, #tpu.memory_space<vmem>>
      %dma_wait3A_523 = arith.constant 0 : i32
      %dma_wait3A_524 = arith.constant 0 : i32
      %dma_wait3A_525 = tpu.memref_slice %arg2[%dma_wait3A_523, %dma_wait3A_524] : memref<10240x32xf32, #tpu.memory_space<hbm>> -> memref<128x32xf32, #tpu.memory_space<hbm>>
      %dma_wait3A_526 = arith.constant 0 : i32
      %dma_wait3A_527 = arith.constant 0 : i32
      %dma_wait3A_528 = tpu.memref_slice %arg11[%dma_wait3A_517, %dma_wait3A_518, %dma_wait3A_526, %dma_wait3A_527] : memref<2x4x128x32xf32, #tpu.memory_space<vmem>> -> memref<1x1x128x32xf32, #tpu.memory_space<vmem>>
      %dma_wait3A_529 = tpu.memref_squeeze %dma_wait3A_528 : memref<1x1x128x32xf32, #tpu.memory_space<vmem>> -> memref<128x32xf32, #tpu.memory_space<vmem>>
      %dma_wait3A_530 = arith.constant 0 : i32
      %dma_wait3A_531 = arith.constant 0 : i32
      %dma_wait3A_532 = tpu.memref_slice %arg2[%dma_wait3A_530, %dma_wait3A_531] : memref<10240x32xf32, #tpu.memory_space<hbm>> -> memref<128x32xf32, #tpu.memory_space<hbm>>
      tpu.wait_dma2 semaphore(%arg13 : memref<!tpu.dma_semaphore, #tpu.memory_space<semaphore_mem>>) src(%dma_wait3A_532 : memref<128x32xf32, #tpu.memory_space<hbm>>) dst(%dma_wait3A_529 : memref<128x32xf32, #tpu.memory_space<vmem>>)
      %dma_wait3A_533 = arith.constant 0 : i32
      %dma_wait3A_534 = arith.constant 0 : i32
      %dma_wait3A_535 = arith.constant 0 : i32
      %dma_wait3A_536 = arith.constant 0 : i32
      %dma_wait3A_537 = tpu.memref_slice %arg11[%dma_wait3A_533, %dma_wait3A_534, %dma_wait3A_535, %dma_wait3A_536] : memref<2x4x128x32xf32, #tpu.memory_space<vmem>> -> memref<1x1x128x32xf32, #tpu.memory_space<vmem>>
      %dma_wait3A_538 = tpu.memref_squeeze %dma_wait3A_537 : memref<1x1x128x32xf32, #tpu.memory_space<vmem>> -> memref<128x32xf32, #tpu.memory_space<vmem>>
      %dma_wait3A_539 = arith.constant 0 : i32
      %dma_wait3A_540 = arith.constant 0 : i32
      %dma_wait3A_541 = tpu.memref_slice %arg2[%dma_wait3A_539, %dma_wait3A_540] : memref<10240x32xf32, #tpu.memory_space<hbm>> -> memref<128x32xf32, #tpu.memory_space<hbm>>
      %dma_wait3A_542 = arith.constant 0 : i32
      %dma_wait3A_543 = arith.constant 0 : i32
      %dma_wait3A_544 = tpu.memref_slice %arg11[%dma_wait3A_533, %dma_wait3A_534, %dma_wait3A_542, %dma_wait3A_543] : memref<2x4x128x32xf32, #tpu.memory_space<vmem>> -> memref<1x1x128x32xf32, #tpu.memory_space<vmem>>
      %dma_wait3A_545 = tpu.memref_squeeze %dma_wait3A_544 : memref<1x1x128x32xf32, #tpu.memory_space<vmem>> -> memref<128x32xf32, #tpu.memory_space<vmem>>
      %dma_wait3A_546 = arith.constant 0 : i32
      %dma_wait3A_547 = arith.constant 0 : i32
      %dma_wait3A_548 = tpu.memref_slice %arg2[%dma_wait3A_546, %dma_wait3A_547] : memref<10240x32xf32, #tpu.memory_space<hbm>> -> memref<128x32xf32, #tpu.memory_space<hbm>>
      tpu.wait_dma2 semaphore(%arg13 : memref<!tpu.dma_semaphore, #tpu.memory_space<semaphore_mem>>) src(%dma_wait3A_548 : memref<128x32xf32, #tpu.memory_space<hbm>>) dst(%dma_wait3A_545 : memref<128x32xf32, #tpu.memory_space<vmem>>)
      %dma_wait3A_549 = arith.constant 0 : i32
      %dma_wait3A_550 = arith.constant 0 : i32
      %dma_wait3A_551 = arith.constant 0 : i32
      %dma_wait3A_552 = arith.constant 0 : i32
      %dma_wait3A_553 = tpu.memref_slice %arg11[%dma_wait3A_549, %dma_wait3A_550, %dma_wait3A_551, %dma_wait3A_552] : memref<2x4x128x32xf32, #tpu.memory_space<vmem>> -> memref<1x1x128x32xf32, #tpu.memory_space<vmem>>
      %dma_wait3A_554 = tpu.memref_squeeze %dma_wait3A_553 : memref<1x1x128x32xf32, #tpu.memory_space<vmem>> -> memref<128x32xf32, #tpu.memory_space<vmem>>
      %dma_wait3A_555 = arith.constant 0 : i32
      %dma_wait3A_556 = arith.constant 0 : i32
      %dma_wait3A_557 = tpu.memref_slice %arg2[%dma_wait3A_555, %dma_wait3A_556] : memref<10240x32xf32, #tpu.memory_space<hbm>> -> memref<128x32xf32, #tpu.memory_space<hbm>>
      %dma_wait3A_558 = arith.constant 0 : i32
      %dma_wait3A_559 = arith.constant 0 : i32
      %dma_wait3A_560 = tpu.memref_slice %arg11[%dma_wait3A_549, %dma_wait3A_550, %dma_wait3A_558, %dma_wait3A_559] : memref<2x4x128x32xf32, #tpu.memory_space<vmem>> -> memref<1x1x128x32xf32, #tpu.memory_space<vmem>>
      %dma_wait3A_561 = tpu.memref_squeeze %dma_wait3A_560 : memref<1x1x128x32xf32, #tpu.memory_space<vmem>> -> memref<128x32xf32, #tpu.memory_space<vmem>>
      %dma_wait3A_562 = arith.constant 0 : i32
      %dma_wait3A_563 = arith.constant 0 : i32
      %dma_wait3A_564 = tpu.memref_slice %arg2[%dma_wait3A_562, %dma_wait3A_563] : memref<10240x32xf32, #tpu.memory_space<hbm>> -> memref<128x32xf32, #tpu.memory_space<hbm>>
      tpu.wait_dma2 semaphore(%arg13 : memref<!tpu.dma_semaphore, #tpu.memory_space<semaphore_mem>>) src(%dma_wait3A_564 : memref<128x32xf32, #tpu.memory_space<hbm>>) dst(%dma_wait3A_561 : memref<128x32xf32, #tpu.memory_space<vmem>>)
      %dma_wait3A_565 = arith.constant 0 : i32
      %dma_wait3A_566 = arith.constant 0 : i32
      %dma_wait3A_567 = arith.constant 0 : i32
      %dma_wait3A_568 = arith.constant 0 : i32
      %dma_wait3A_569 = tpu.memref_slice %arg11[%dma_wait3A_565, %dma_wait3A_566, %dma_wait3A_567, %dma_wait3A_568] : memref<2x4x128x32xf32, #tpu.memory_space<vmem>> -> memref<1x1x128x32xf32, #tpu.memory_space<vmem>>
      %dma_wait3A_570 = tpu.memref_squeeze %dma_wait3A_569 : memref<1x1x128x32xf32, #tpu.memory_space<vmem>> -> memref<128x32xf32, #tpu.memory_space<vmem>>
      %dma_wait3A_571 = arith.constant 0 : i32
      %dma_wait3A_572 = arith.constant 0 : i32
      %dma_wait3A_573 = tpu.memref_slice %arg2[%dma_wait3A_571, %dma_wait3A_572] : memref<10240x32xf32, #tpu.memory_space<hbm>> -> memref<128x32xf32, #tpu.memory_space<hbm>>
      %dma_wait3A_574 = arith.constant 0 : i32
      %dma_wait3A_575 = arith.constant 0 : i32
      %dma_wait3A_576 = tpu.memref_slice %arg11[%dma_wait3A_565, %dma_wait3A_566, %dma_wait3A_574, %dma_wait3A_575] : memref<2x4x128x32xf32, #tpu.memory_space<vmem>> -> memref<1x1x128x32xf32, #tpu.memory_space<vmem>>
      %dma_wait3A_577 = tpu.memref_squeeze %dma_wait3A_576 : memref<1x1x128x32xf32, #tpu.memory_space<vmem>> -> memref<128x32xf32, #tpu.memory_space<vmem>>
      %dma_wait3A_578 = arith.constant 0 : i32
      %dma_wait3A_579 = arith.constant 0 : i32
      %dma_wait3A_580 = tpu.memref_slice %arg2[%dma_wait3A_578, %dma_wait3A_579] : memref<10240x32xf32, #tpu.memory_space<hbm>> -> memref<128x32xf32, #tpu.memory_space<hbm>>
      tpu.wait_dma2 semaphore(%arg13 : memref<!tpu.dma_semaphore, #tpu.memory_space<semaphore_mem>>) src(%dma_wait3A_580 : memref<128x32xf32, #tpu.memory_space<hbm>>) dst(%dma_wait3A_577 : memref<128x32xf32, #tpu.memory_space<vmem>>)
    }
    %scan3A_110 = arith.constant 10 : i32
    %barrier3A_111 = arith.constant 0 : index
    tpu.barrier barrier_id(%barrier3A_111)
    %mul3A_112 = arith.constant 640 : i32
    %mul3A_113 = arith.muli %arg1, %mul3A_112 : i32
    %mul3A_114 = arith.constant 640 : i32
    %mul3A_115 = arith.muli %arg1, %mul3A_114 : i32
    "tpu.region"() ({
      %run_scoped3A = tpu.sem_alloc : memref<!tpu.dma_semaphore, #tpu.memory_space<semaphore_mem>>
      %dma_start3A_116 = arith.constant 0 : i32
      %dma_start3A_117 = tpu.memref_slice %arg6[%arg0, %mul3A_115, %dma_start3A_116] : memref<2x10240x32xf32, #tpu.memory_space<hbm>> -> memref<1x640x32xf32, #tpu.memory_space<hbm>>
      %dma_start3A_118 = tpu.memref_squeeze %dma_start3A_117 : memref<1x640x32xf32, #tpu.memory_space<hbm>> -> memref<640x32xf32, #tpu.memory_space<hbm>>
      %dma_start3A_119 = arith.constant 0 : i32
      %dma_start3A_120 = tpu.memref_slice %arg7[%mul3A_113, %dma_start3A_119] : memref<10240x32xf32, #tpu.memory_space<vmem_shared>> -> memref<640x32xf32, #tpu.memory_space<vmem_shared>>
      tpu.enqueue_dma source(%dma_start3A_120 : memref<640x32xf32, #tpu.memory_space<vmem_shared>>) target(%dma_start3A_118 : memref<640x32xf32, #tpu.memory_space<hbm>>) target_semaphore(%run_scoped3A : memref<!tpu.dma_semaphore, #tpu.memory_space<semaphore_mem>>)
      %dma_wait3A_121 = arith.constant 0 : i32
      %dma_wait3A_122 = tpu.memref_slice %arg6[%arg0, %mul3A_115, %dma_wait3A_121] : memref<2x10240x32xf32, #tpu.memory_space<hbm>> -> memref<1x640x32xf32, #tpu.memory_space<hbm>>
      %dma_wait3A_123 = tpu.memref_squeeze %dma_wait3A_122 : memref<1x640x32xf32, #tpu.memory_space<hbm>> -> memref<640x32xf32, #tpu.memory_space<hbm>>
      %dma_wait3A_124 = arith.constant 0 : i32
      %dma_wait3A_125 = tpu.memref_slice %arg7[%mul3A_113, %dma_wait3A_124] : memref<10240x32xf32, #tpu.memory_space<vmem_shared>> -> memref<640x32xf32, #tpu.memory_space<vmem_shared>>
      tpu.wait_dma2 semaphore(%run_scoped3A : memref<!tpu.dma_semaphore, #tpu.memory_space<semaphore_mem>>) src(%dma_wait3A_125 : memref<640x32xf32, #tpu.memory_space<vmem_shared>>) dst(%dma_wait3A_123 : memref<640x32xf32, #tpu.memory_space<hbm>>)
      tpu.yield
    }) : () -> ()
    return
  }
}

#map = affine_map<(d0, d1) -> (0, 0)>
#map1 = affine_map<(d0, d1) -> (0, 0, 0)>
module attributes {stable_mosaic.version = 14 : i64} {
  func.func @body(%arg0: i32, %arg1: i32, %arg2: memref<10240x32xf32, #tpu.memory_space<hbm>>, %arg3: memref<32x80x128xi32, #tpu.memory_space<hbm>>, %arg4: memref<32x80x128xi32, #tpu.memory_space<hbm>>, %arg5: memref<10240x32xf32, #tpu.memory_space<hbm>>, %arg6: memref<2x10240x32xf32, #tpu.memory_space<hbm>>, %arg7: memref<10240x32xf32, #tpu.memory_space<vmem_shared>>, %arg8: memref<10240x32xf32, #tpu.memory_space<vmem_shared>>, %arg9: memref<80x128xi32, #tpu.memory_space<vmem>>, %arg10: memref<80x128xi32, #tpu.memory_space<vmem>>, %arg11: memref<2x4x128x32xf32, #tpu.memory_space<vmem>>, %arg12: memref<!tpu.dma_semaphore, #tpu.memory_space<semaphore_mem>>, %arg13: memref<!tpu.dma_semaphore, #tpu.memory_space<semaphore_mem>>) attributes {dimension_semantics = [#tpu.dimension_semantics<core_parallel>, #tpu.dimension_semantics<subcore_parallel>], iteration_bounds = array<i64: 2, 16>, scalar_prefetch = 0 : i64, scratch_operands = 7 : i64, tpu.core_type = #tpu.core_type<sc_vector_subcore>, window_params = [{transform_indices = #map}, {transform_indices = #map1}, {transform_indices = #map1}, {transform_indices = #map}, {transform_indices = #map1}]} {
    %mul3A = arith.constant 2 : i32
    %mul3A_0 = arith.muli %arg1, %mul3A : i32
    %add3A = arith.addi %mul3A_0, %arg0 : i32
    %mul3A_1 = arith.constant 640 : i32
    %mul3A_2 = arith.muli %arg1, %mul3A_1 : i32
    %mul3A_3 = arith.constant 640 : i32
    %mul3A_4 = arith.muli %arg1, %mul3A_3 : i32
    %dma_start3A = arith.constant 0 : i32
    %dma_start3A_5 = tpu.memref_slice %arg7[%mul3A_4, %dma_start3A] : memref<10240x32xf32, #tpu.memory_space<vmem_shared>> -> memref<640x32xf32, #tpu.memory_space<vmem_shared>>
    %dma_start3A_6 = arith.constant 0 : i32
    %dma_start3A_7 = tpu.memref_slice %arg5[%mul3A_2, %dma_start3A_6] : memref<10240x32xf32, #tpu.memory_space<hbm>> -> memref<640x32xf32, #tpu.memory_space<hbm>>
    tpu.enqueue_dma source(%dma_start3A_7 : memref<640x32xf32, #tpu.memory_space<hbm>>) target(%dma_start3A_5 : memref<640x32xf32, #tpu.memory_space<vmem_shared>>) target_semaphore(%arg12 : memref<!tpu.dma_semaphore, #tpu.memory_space<semaphore_mem>>)
    %mul3A_8 = arith.constant 640 : i32
    %mul3A_9 = arith.muli %arg1, %mul3A_8 : i32
    %mul3A_10 = arith.constant 640 : i32
    %mul3A_11 = arith.muli %arg1, %mul3A_10 : i32
    %dma_start3A_12 = arith.constant 0 : i32
    %dma_start3A_13 = tpu.memref_slice %arg8[%mul3A_11, %dma_start3A_12] : memref<10240x32xf32, #tpu.memory_space<vmem_shared>> -> memref<640x32xf32, #tpu.memory_space<vmem_shared>>
    %dma_start3A_14 = arith.constant 0 : i32
    %dma_start3A_15 = tpu.memref_slice %arg2[%mul3A_9, %dma_start3A_14] : memref<10240x32xf32, #tpu.memory_space<hbm>> -> memref<640x32xf32, #tpu.memory_space<hbm>>
    tpu.enqueue_dma source(%dma_start3A_15 : memref<640x32xf32, #tpu.memory_space<hbm>>) target(%dma_start3A_13 : memref<640x32xf32, #tpu.memory_space<vmem_shared>>) target_semaphore(%arg12 : memref<!tpu.dma_semaphore, #tpu.memory_space<semaphore_mem>>)
    %dma_start3A_16 = arith.constant 0 : i32
    %dma_start3A_17 = arith.constant 0 : i32
    %dma_start3A_18 = tpu.memref_slice %arg3[%add3A, %dma_start3A_16, %dma_start3A_17] : memref<32x80x128xi32, #tpu.memory_space<hbm>> -> memref<1x80x128xi32, #tpu.memory_space<hbm>>
    %dma_start3A_19 = tpu.memref_squeeze %dma_start3A_18 : memref<1x80x128xi32, #tpu.memory_space<hbm>> -> memref<80x128xi32, #tpu.memory_space<hbm>>
    %dma_start3A_20 = arith.constant 0 : i32
    %dma_start3A_21 = arith.constant 0 : i32
    %dma_start3A_22 = tpu.memref_slice %arg3[%add3A, %dma_start3A_20, %dma_start3A_21] : memref<32x80x128xi32, #tpu.memory_space<hbm>> -> memref<1x80x128xi32, #tpu.memory_space<hbm>>
    %dma_start3A_23 = tpu.memref_squeeze %dma_start3A_22 : memref<1x80x128xi32, #tpu.memory_space<hbm>> -> memref<80x128xi32, #tpu.memory_space<hbm>>
    tpu.enqueue_dma source(%dma_start3A_23 : memref<80x128xi32, #tpu.memory_space<hbm>>) target(%arg9 : memref<80x128xi32, #tpu.memory_space<vmem>>) target_semaphore(%arg12 : memref<!tpu.dma_semaphore, #tpu.memory_space<semaphore_mem>>)
    %dma_start3A_24 = arith.constant 0 : i32
    %dma_start3A_25 = arith.constant 0 : i32
    %dma_start3A_26 = tpu.memref_slice %arg4[%add3A, %dma_start3A_24, %dma_start3A_25] : memref<32x80x128xi32, #tpu.memory_space<hbm>> -> memref<1x80x128xi32, #tpu.memory_space<hbm>>
    %dma_start3A_27 = tpu.memref_squeeze %dma_start3A_26 : memref<1x80x128xi32, #tpu.memory_space<hbm>> -> memref<80x128xi32, #tpu.memory_space<hbm>>
    %dma_start3A_28 = arith.constant 0 : i32
    %dma_start3A_29 = arith.constant 0 : i32
    %dma_start3A_30 = tpu.memref_slice %arg4[%add3A, %dma_start3A_28, %dma_start3A_29] : memref<32x80x128xi32, #tpu.memory_space<hbm>> -> memref<1x80x128xi32, #tpu.memory_space<hbm>>
    %dma_start3A_31 = tpu.memref_squeeze %dma_start3A_30 : memref<1x80x128xi32, #tpu.memory_space<hbm>> -> memref<80x128xi32, #tpu.memory_space<hbm>>
    tpu.enqueue_dma source(%dma_start3A_31 : memref<80x128xi32, #tpu.memory_space<hbm>>) target(%arg10 : memref<80x128xi32, #tpu.memory_space<vmem>>) target_semaphore(%arg12 : memref<!tpu.dma_semaphore, #tpu.memory_space<semaphore_mem>>)
    %dma_wait3A = arith.constant 0 : i32
    %dma_wait3A_32 = tpu.memref_slice %arg7[%mul3A_4, %dma_wait3A] : memref<10240x32xf32, #tpu.memory_space<vmem_shared>> -> memref<640x32xf32, #tpu.memory_space<vmem_shared>>
    %dma_wait3A_33 = arith.constant 0 : i32
    %dma_wait3A_34 = tpu.memref_slice %arg5[%mul3A_2, %dma_wait3A_33] : memref<10240x32xf32, #tpu.memory_space<hbm>> -> memref<640x32xf32, #tpu.memory_space<hbm>>
    tpu.wait_dma2 semaphore(%arg12 : memref<!tpu.dma_semaphore, #tpu.memory_space<semaphore_mem>>) src(%dma_wait3A_34 : memref<640x32xf32, #tpu.memory_space<hbm>>) dst(%dma_wait3A_32 : memref<640x32xf32, #tpu.memory_space<vmem_shared>>)
    %dma_wait3A_35 = arith.constant 0 : i32
    %dma_wait3A_36 = tpu.memref_slice %arg8[%mul3A_11, %dma_wait3A_35] : memref<10240x32xf32, #tpu.memory_space<vmem_shared>> -> memref<640x32xf32, #tpu.memory_space<vmem_shared>>
    %dma_wait3A_37 = arith.constant 0 : i32
    %dma_wait3A_38 = tpu.memref_slice %arg2[%mul3A_9, %dma_wait3A_37] : memref<10240x32xf32, #tpu.memory_space<hbm>> -> memref<640x32xf32, #tpu.memory_space<hbm>>
    tpu.wait_dma2 semaphore(%arg12 : memref<!tpu.dma_semaphore, #tpu.memory_space<semaphore_mem>>) src(%dma_wait3A_38 : memref<640x32xf32, #tpu.memory_space<hbm>>) dst(%dma_wait3A_36 : memref<640x32xf32, #tpu.memory_space<vmem_shared>>)
    %dma_wait3A_39 = arith.constant 0 : i32
    %dma_wait3A_40 = arith.constant 0 : i32
    %dma_wait3A_41 = tpu.memref_slice %arg3[%add3A, %dma_wait3A_39, %dma_wait3A_40] : memref<32x80x128xi32, #tpu.memory_space<hbm>> -> memref<1x80x128xi32, #tpu.memory_space<hbm>>
    %dma_wait3A_42 = tpu.memref_squeeze %dma_wait3A_41 : memref<1x80x128xi32, #tpu.memory_space<hbm>> -> memref<80x128xi32, #tpu.memory_space<hbm>>
    %dma_wait3A_43 = arith.constant 0 : i32
    %dma_wait3A_44 = arith.constant 0 : i32
    %dma_wait3A_45 = tpu.memref_slice %arg3[%add3A, %dma_wait3A_43, %dma_wait3A_44] : memref<32x80x128xi32, #tpu.memory_space<hbm>> -> memref<1x80x128xi32, #tpu.memory_space<hbm>>
    %dma_wait3A_46 = tpu.memref_squeeze %dma_wait3A_45 : memref<1x80x128xi32, #tpu.memory_space<hbm>> -> memref<80x128xi32, #tpu.memory_space<hbm>>
    tpu.wait_dma2 semaphore(%arg12 : memref<!tpu.dma_semaphore, #tpu.memory_space<semaphore_mem>>) src(%dma_wait3A_46 : memref<80x128xi32, #tpu.memory_space<hbm>>) dst(%arg9 : memref<80x128xi32, #tpu.memory_space<vmem>>)
    %dma_wait3A_47 = arith.constant 0 : i32
    %dma_wait3A_48 = arith.constant 0 : i32
    %dma_wait3A_49 = tpu.memref_slice %arg4[%add3A, %dma_wait3A_47, %dma_wait3A_48] : memref<32x80x128xi32, #tpu.memory_space<hbm>> -> memref<1x80x128xi32, #tpu.memory_space<hbm>>
    %dma_wait3A_50 = tpu.memref_squeeze %dma_wait3A_49 : memref<1x80x128xi32, #tpu.memory_space<hbm>> -> memref<80x128xi32, #tpu.memory_space<hbm>>
    %dma_wait3A_51 = arith.constant 0 : i32
    %dma_wait3A_52 = arith.constant 0 : i32
    %dma_wait3A_53 = tpu.memref_slice %arg4[%add3A, %dma_wait3A_51, %dma_wait3A_52] : memref<32x80x128xi32, #tpu.memory_space<hbm>> -> memref<1x80x128xi32, #tpu.memory_space<hbm>>
    %dma_wait3A_54 = tpu.memref_squeeze %dma_wait3A_53 : memref<1x80x128xi32, #tpu.memory_space<hbm>> -> memref<80x128xi32, #tpu.memory_space<hbm>>
    tpu.wait_dma2 semaphore(%arg12 : memref<!tpu.dma_semaphore, #tpu.memory_space<semaphore_mem>>) src(%dma_wait3A_54 : memref<80x128xi32, #tpu.memory_space<hbm>>) dst(%arg10 : memref<80x128xi32, #tpu.memory_space<vmem>>)
    %barrier3A = arith.constant 0 : index
    tpu.barrier barrier_id(%barrier3A)
    %dma_start3A_55 = arith.constant 0 : i32
    %dma_start3A_56 = arith.constant 0 : i32
    %dma_start3A_57 = arith.constant 0 : i32
    %dma_start3A_58 = arith.constant 0 : i32
    %dma_start3A_59 = arith.constant 0 : i32
    %dma_start3A_60 = tpu.memref_slice %arg11[%dma_start3A_56, %dma_start3A_57, %dma_start3A_58, %dma_start3A_59] : memref<2x4x128x32xf32, #tpu.memory_space<vmem>> -> memref<1x1x128x32xf32, #tpu.memory_space<vmem>>
    %dma_start3A_61 = tpu.memref_squeeze %dma_start3A_60 : memref<1x1x128x32xf32, #tpu.memory_space<vmem>> -> memref<128x32xf32, #tpu.memory_space<vmem>>
    %dma_start3A_62 = arith.constant 0 : i32
    %dma_start3A_63 = tpu.memref_slice %arg9[%dma_start3A_55, %dma_start3A_62] : memref<80x128xi32, #tpu.memory_space<vmem>> -> memref<1x128xi32, #tpu.memory_space<vmem>>
    %dma_start3A_64 = tpu.memref_squeeze %dma_start3A_63 : memref<1x128xi32, #tpu.memory_space<vmem>> -> memref<128xi32, #tpu.memory_space<vmem>>
    %dma_start3A_65 = arith.constant 0 : i32
    %dma_start3A_66 = arith.constant 0 : i32
    %dma_start3A_67 = tpu.memref_slice %arg8[%dma_start3A_65, %dma_start3A_66] : memref<10240x32xf32, #tpu.memory_space<vmem_shared>> -> memref<10240x32xf32, #tpu.memory_space<vmem_shared>>
    tpu.enqueue_indirect_dma source(%dma_start3A_67 : memref<10240x32xf32, #tpu.memory_space<vmem_shared>>) target(%dma_start3A_61 : memref<128x32xf32, #tpu.memory_space<vmem>>) offsets(%dma_start3A_64 : memref<128xi32, #tpu.memory_space<vmem>>) semaphore(%arg12 : memref<!tpu.dma_semaphore, #tpu.memory_space<semaphore_mem>>)
    %dma_start3A_68 = arith.constant 1 : i32
    %dma_start3A_69 = arith.constant 0 : i32
    %dma_start3A_70 = arith.constant 1 : i32
    %dma_start3A_71 = arith.constant 0 : i32
    %dma_start3A_72 = arith.constant 0 : i32
    %dma_start3A_73 = tpu.memref_slice %arg11[%dma_start3A_69, %dma_start3A_70, %dma_start3A_71, %dma_start3A_72] : memref<2x4x128x32xf32, #tpu.memory_space<vmem>> -> memref<1x1x128x32xf32, #tpu.memory_space<vmem>>
    %dma_start3A_74 = tpu.memref_squeeze %dma_start3A_73 : memref<1x1x128x32xf32, #tpu.memory_space<vmem>> -> memref<128x32xf32, #tpu.memory_space<vmem>>
    %dma_start3A_75 = arith.constant 0 : i32
    %dma_start3A_76 = tpu.memref_slice %arg9[%dma_start3A_68, %dma_start3A_75] : memref<80x128xi32, #tpu.memory_space<vmem>> -> memref<1x128xi32, #tpu.memory_space<vmem>>
    %dma_start3A_77 = tpu.memref_squeeze %dma_start3A_76 : memref<1x128xi32, #tpu.memory_space<vmem>> -> memref<128xi32, #tpu.memory_space<vmem>>
    %dma_start3A_78 = arith.constant 0 : i32
    %dma_start3A_79 = arith.constant 0 : i32
    %dma_start3A_80 = tpu.memref_slice %arg8[%dma_start3A_78, %dma_start3A_79] : memref<10240x32xf32, #tpu.memory_space<vmem_shared>> -> memref<10240x32xf32, #tpu.memory_space<vmem_shared>>
    tpu.enqueue_indirect_dma source(%dma_start3A_80 : memref<10240x32xf32, #tpu.memory_space<vmem_shared>>) target(%dma_start3A_74 : memref<128x32xf32, #tpu.memory_space<vmem>>) offsets(%dma_start3A_77 : memref<128xi32, #tpu.memory_space<vmem>>) semaphore(%arg12 : memref<!tpu.dma_semaphore, #tpu.memory_space<semaphore_mem>>)
    %dma_start3A_81 = arith.constant 2 : i32
    %dma_start3A_82 = arith.constant 0 : i32
    %dma_start3A_83 = arith.constant 2 : i32
    %dma_start3A_84 = arith.constant 0 : i32
    %dma_start3A_85 = arith.constant 0 : i32
    %dma_start3A_86 = tpu.memref_slice %arg11[%dma_start3A_82, %dma_start3A_83, %dma_start3A_84, %dma_start3A_85] : memref<2x4x128x32xf32, #tpu.memory_space<vmem>> -> memref<1x1x128x32xf32, #tpu.memory_space<vmem>>
    %dma_start3A_87 = tpu.memref_squeeze %dma_start3A_86 : memref<1x1x128x32xf32, #tpu.memory_space<vmem>> -> memref<128x32xf32, #tpu.memory_space<vmem>>
    %dma_start3A_88 = arith.constant 0 : i32
    %dma_start3A_89 = tpu.memref_slice %arg9[%dma_start3A_81, %dma_start3A_88] : memref<80x128xi32, #tpu.memory_space<vmem>> -> memref<1x128xi32, #tpu.memory_space<vmem>>
    %dma_start3A_90 = tpu.memref_squeeze %dma_start3A_89 : memref<1x128xi32, #tpu.memory_space<vmem>> -> memref<128xi32, #tpu.memory_space<vmem>>
    %dma_start3A_91 = arith.constant 0 : i32
    %dma_start3A_92 = arith.constant 0 : i32
    %dma_start3A_93 = tpu.memref_slice %arg8[%dma_start3A_91, %dma_start3A_92] : memref<10240x32xf32, #tpu.memory_space<vmem_shared>> -> memref<10240x32xf32, #tpu.memory_space<vmem_shared>>
    tpu.enqueue_indirect_dma source(%dma_start3A_93 : memref<10240x32xf32, #tpu.memory_space<vmem_shared>>) target(%dma_start3A_87 : memref<128x32xf32, #tpu.memory_space<vmem>>) offsets(%dma_start3A_90 : memref<128xi32, #tpu.memory_space<vmem>>) semaphore(%arg12 : memref<!tpu.dma_semaphore, #tpu.memory_space<semaphore_mem>>)
    %dma_start3A_94 = arith.constant 3 : i32
    %dma_start3A_95 = arith.constant 0 : i32
    %dma_start3A_96 = arith.constant 3 : i32
    %dma_start3A_97 = arith.constant 0 : i32
    %dma_start3A_98 = arith.constant 0 : i32
    %dma_start3A_99 = tpu.memref_slice %arg11[%dma_start3A_95, %dma_start3A_96, %dma_start3A_97, %dma_start3A_98] : memref<2x4x128x32xf32, #tpu.memory_space<vmem>> -> memref<1x1x128x32xf32, #tpu.memory_space<vmem>>
    %dma_start3A_100 = tpu.memref_squeeze %dma_start3A_99 : memref<1x1x128x32xf32, #tpu.memory_space<vmem>> -> memref<128x32xf32, #tpu.memory_space<vmem>>
    %dma_start3A_101 = arith.constant 0 : i32
    %dma_start3A_102 = tpu.memref_slice %arg9[%dma_start3A_94, %dma_start3A_101] : memref<80x128xi32, #tpu.memory_space<vmem>> -> memref<1x128xi32, #tpu.memory_space<vmem>>
    %dma_start3A_103 = tpu.memref_squeeze %dma_start3A_102 : memref<1x128xi32, #tpu.memory_space<vmem>> -> memref<128xi32, #tpu.memory_space<vmem>>
    %dma_start3A_104 = arith.constant 0 : i32
    %dma_start3A_105 = arith.constant 0 : i32
    %dma_start3A_106 = tpu.memref_slice %arg8[%dma_start3A_104, %dma_start3A_105] : memref<10240x32xf32, #tpu.memory_space<vmem_shared>> -> memref<10240x32xf32, #tpu.memory_space<vmem_shared>>
    tpu.enqueue_indirect_dma source(%dma_start3A_106 : memref<10240x32xf32, #tpu.memory_space<vmem_shared>>) target(%dma_start3A_100 : memref<128x32xf32, #tpu.memory_space<vmem>>) offsets(%dma_start3A_103 : memref<128xi32, #tpu.memory_space<vmem>>) semaphore(%arg12 : memref<!tpu.dma_semaphore, #tpu.memory_space<semaphore_mem>>)
    %scan3A = arith.constant 0 : i32
    %scan3A_107 = arith.constant 10 : i32
    %scan3A_108 = arith.addi %scan3A, %scan3A_107 : i32
    %scan3A_109 = arith.constant 1 : i32
    scf.for %scan3A_116 = %scan3A to %scan3A_108 step %scan3A_109  : i32 {
      %mul3A_117 = arith.constant 1 : i32
      %mul3A_118 = arith.muli %scan3A_116, %mul3A_117 : i32
      %add3A_119 = arith.constant 0 : i32
      %add3A_120 = arith.addi %add3A_119, %mul3A_118 : i32
      %dma_wait3A_121 = arith.constant 0 : i32
      %dma_wait3A_122 = arith.constant 0 : i32
      %dma_wait3A_123 = arith.constant 0 : i32
      %dma_wait3A_124 = arith.constant 0 : i32
      %dma_wait3A_125 = tpu.memref_slice %arg11[%dma_wait3A_121, %dma_wait3A_122, %dma_wait3A_123, %dma_wait3A_124] : memref<2x4x128x32xf32, #tpu.memory_space<vmem>> -> memref<1x1x128x32xf32, #tpu.memory_space<vmem>>
      %dma_wait3A_126 = tpu.memref_squeeze %dma_wait3A_125 : memref<1x1x128x32xf32, #tpu.memory_space<vmem>> -> memref<128x32xf32, #tpu.memory_space<vmem>>
      %dma_wait3A_127 = arith.constant 0 : i32
      %dma_wait3A_128 = arith.constant 0 : i32
      %dma_wait3A_129 = tpu.memref_slice %arg2[%dma_wait3A_127, %dma_wait3A_128] : memref<10240x32xf32, #tpu.memory_space<hbm>> -> memref<128x32xf32, #tpu.memory_space<hbm>>
      %dma_wait3A_130 = arith.constant 0 : i32
      %dma_wait3A_131 = arith.constant 0 : i32
      %dma_wait3A_132 = tpu.memref_slice %arg11[%dma_wait3A_121, %dma_wait3A_122, %dma_wait3A_130, %dma_wait3A_131] : memref<2x4x128x32xf32, #tpu.memory_space<vmem>> -> memref<1x1x128x32xf32, #tpu.memory_space<vmem>>
      %dma_wait3A_133 = tpu.memref_squeeze %dma_wait3A_132 : memref<1x1x128x32xf32, #tpu.memory_space<vmem>> -> memref<128x32xf32, #tpu.memory_space<vmem>>
      %dma_wait3A_134 = arith.constant 0 : i32
      %dma_wait3A_135 = arith.constant 0 : i32
      %dma_wait3A_136 = tpu.memref_slice %arg2[%dma_wait3A_134, %dma_wait3A_135] : memref<10240x32xf32, #tpu.memory_space<hbm>> -> memref<128x32xf32, #tpu.memory_space<hbm>>
      tpu.wait_dma2 semaphore(%arg12 : memref<!tpu.dma_semaphore, #tpu.memory_space<semaphore_mem>>) src(%dma_wait3A_136 : memref<128x32xf32, #tpu.memory_space<hbm>>) dst(%dma_wait3A_133 : memref<128x32xf32, #tpu.memory_space<vmem>>)
      %dma_wait3A_137 = arith.constant 0 : i32
      %dma_wait3A_138 = arith.constant 0 : i32
      %dma_wait3A_139 = arith.constant 0 : i32
      %dma_wait3A_140 = arith.constant 0 : i32
      %dma_wait3A_141 = tpu.memref_slice %arg11[%dma_wait3A_137, %dma_wait3A_138, %dma_wait3A_139, %dma_wait3A_140] : memref<2x4x128x32xf32, #tpu.memory_space<vmem>> -> memref<1x1x128x32xf32, #tpu.memory_space<vmem>>
      %dma_wait3A_142 = tpu.memref_squeeze %dma_wait3A_141 : memref<1x1x128x32xf32, #tpu.memory_space<vmem>> -> memref<128x32xf32, #tpu.memory_space<vmem>>
      %dma_wait3A_143 = arith.constant 0 : i32
      %dma_wait3A_144 = arith.constant 0 : i32
      %dma_wait3A_145 = tpu.memref_slice %arg2[%dma_wait3A_143, %dma_wait3A_144] : memref<10240x32xf32, #tpu.memory_space<hbm>> -> memref<128x32xf32, #tpu.memory_space<hbm>>
      %dma_wait3A_146 = arith.constant 0 : i32
      %dma_wait3A_147 = arith.constant 0 : i32
      %dma_wait3A_148 = tpu.memref_slice %arg11[%dma_wait3A_137, %dma_wait3A_138, %dma_wait3A_146, %dma_wait3A_147] : memref<2x4x128x32xf32, #tpu.memory_space<vmem>> -> memref<1x1x128x32xf32, #tpu.memory_space<vmem>>
      %dma_wait3A_149 = tpu.memref_squeeze %dma_wait3A_148 : memref<1x1x128x32xf32, #tpu.memory_space<vmem>> -> memref<128x32xf32, #tpu.memory_space<vmem>>
      %dma_wait3A_150 = arith.constant 0 : i32
      %dma_wait3A_151 = arith.constant 0 : i32
      %dma_wait3A_152 = tpu.memref_slice %arg2[%dma_wait3A_150, %dma_wait3A_151] : memref<10240x32xf32, #tpu.memory_space<hbm>> -> memref<128x32xf32, #tpu.memory_space<hbm>>
      tpu.wait_dma2 semaphore(%arg12 : memref<!tpu.dma_semaphore, #tpu.memory_space<semaphore_mem>>) src(%dma_wait3A_152 : memref<128x32xf32, #tpu.memory_space<hbm>>) dst(%dma_wait3A_149 : memref<128x32xf32, #tpu.memory_space<vmem>>)
      %dma_wait3A_153 = arith.constant 0 : i32
      %dma_wait3A_154 = arith.constant 0 : i32
      %dma_wait3A_155 = arith.constant 0 : i32
      %dma_wait3A_156 = arith.constant 0 : i32
      %dma_wait3A_157 = tpu.memref_slice %arg11[%dma_wait3A_153, %dma_wait3A_154, %dma_wait3A_155, %dma_wait3A_156] : memref<2x4x128x32xf32, #tpu.memory_space<vmem>> -> memref<1x1x128x32xf32, #tpu.memory_space<vmem>>
      %dma_wait3A_158 = tpu.memref_squeeze %dma_wait3A_157 : memref<1x1x128x32xf32, #tpu.memory_space<vmem>> -> memref<128x32xf32, #tpu.memory_space<vmem>>
      %dma_wait3A_159 = arith.constant 0 : i32
      %dma_wait3A_160 = arith.constant 0 : i32
      %dma_wait3A_161 = tpu.memref_slice %arg2[%dma_wait3A_159, %dma_wait3A_160] : memref<10240x32xf32, #tpu.memory_space<hbm>> -> memref<128x32xf32, #tpu.memory_space<hbm>>
      %dma_wait3A_162 = arith.constant 0 : i32
      %dma_wait3A_163 = arith.constant 0 : i32
      %dma_wait3A_164 = tpu.memref_slice %arg11[%dma_wait3A_153, %dma_wait3A_154, %dma_wait3A_162, %dma_wait3A_163] : memref<2x4x128x32xf32, #tpu.memory_space<vmem>> -> memref<1x1x128x32xf32, #tpu.memory_space<vmem>>
      %dma_wait3A_165 = tpu.memref_squeeze %dma_wait3A_164 : memref<1x1x128x32xf32, #tpu.memory_space<vmem>> -> memref<128x32xf32, #tpu.memory_space<vmem>>
      %dma_wait3A_166 = arith.constant 0 : i32
      %dma_wait3A_167 = arith.constant 0 : i32
      %dma_wait3A_168 = tpu.memref_slice %arg2[%dma_wait3A_166, %dma_wait3A_167] : memref<10240x32xf32, #tpu.memory_space<hbm>> -> memref<128x32xf32, #tpu.memory_space<hbm>>
      tpu.wait_dma2 semaphore(%arg12 : memref<!tpu.dma_semaphore, #tpu.memory_space<semaphore_mem>>) src(%dma_wait3A_168 : memref<128x32xf32, #tpu.memory_space<hbm>>) dst(%dma_wait3A_165 : memref<128x32xf32, #tpu.memory_space<vmem>>)
      %dma_wait3A_169 = arith.constant 0 : i32
      %dma_wait3A_170 = arith.constant 0 : i32
      %dma_wait3A_171 = arith.constant 0 : i32
      %dma_wait3A_172 = arith.constant 0 : i32
      %dma_wait3A_173 = tpu.memref_slice %arg11[%dma_wait3A_169, %dma_wait3A_170, %dma_wait3A_171, %dma_wait3A_172] : memref<2x4x128x32xf32, #tpu.memory_space<vmem>> -> memref<1x1x128x32xf32, #tpu.memory_space<vmem>>
      %dma_wait3A_174 = tpu.memref_squeeze %dma_wait3A_173 : memref<1x1x128x32xf32, #tpu.memory_space<vmem>> -> memref<128x32xf32, #tpu.memory_space<vmem>>
      %dma_wait3A_175 = arith.constant 0 : i32
      %dma_wait3A_176 = arith.constant 0 : i32
      %dma_wait3A_177 = tpu.memref_slice %arg2[%dma_wait3A_175, %dma_wait3A_176] : memref<10240x32xf32, #tpu.memory_space<hbm>> -> memref<128x32xf32, #tpu.memory_space<hbm>>
      %dma_wait3A_178 = arith.constant 0 : i32
      %dma_wait3A_179 = arith.constant 0 : i32
      %dma_wait3A_180 = tpu.memref_slice %arg11[%dma_wait3A_169, %dma_wait3A_170, %dma_wait3A_178, %dma_wait3A_179] : memref<2x4x128x32xf32, #tpu.memory_space<vmem>> -> memref<1x1x128x32xf32, #tpu.memory_space<vmem>>
      %dma_wait3A_181 = tpu.memref_squeeze %dma_wait3A_180 : memref<1x1x128x32xf32, #tpu.memory_space<vmem>> -> memref<128x32xf32, #tpu.memory_space<vmem>>
      %dma_wait3A_182 = arith.constant 0 : i32
      %dma_wait3A_183 = arith.constant 0 : i32
      %dma_wait3A_184 = tpu.memref_slice %arg2[%dma_wait3A_182, %dma_wait3A_183] : memref<10240x32xf32, #tpu.memory_space<hbm>> -> memref<128x32xf32, #tpu.memory_space<hbm>>
      tpu.wait_dma2 semaphore(%arg12 : memref<!tpu.dma_semaphore, #tpu.memory_space<semaphore_mem>>) src(%dma_wait3A_184 : memref<128x32xf32, #tpu.memory_space<hbm>>) dst(%dma_wait3A_181 : memref<128x32xf32, #tpu.memory_space<vmem>>)
      %mul3A_185 = arith.constant 2 : i32
      %mul3A_186 = arith.muli %mul3A_185, %add3A_120 : i32
      %add3A_187 = arith.constant 1 : i32
      %add3A_188 = arith.addi %mul3A_186, %add3A_187 : i32
      %mul3A_189 = arith.constant 4 : i32
      %mul3A_190 = arith.muli %add3A_188, %mul3A_189 : i32
      %add3A_191 = arith.constant 0 : i32
      %add3A_192 = arith.addi %mul3A_190, %add3A_191 : i32
      %dma_start3A_193 = arith.constant 1 : i32
      %dma_start3A_194 = arith.constant 0 : i32
      %dma_start3A_195 = arith.constant 0 : i32
      %dma_start3A_196 = arith.constant 0 : i32
      %dma_start3A_197 = tpu.memref_slice %arg11[%dma_start3A_193, %dma_start3A_194, %dma_start3A_195, %dma_start3A_196] : memref<2x4x128x32xf32, #tpu.memory_space<vmem>> -> memref<1x1x128x32xf32, #tpu.memory_space<vmem>>
      %dma_start3A_198 = tpu.memref_squeeze %dma_start3A_197 : memref<1x1x128x32xf32, #tpu.memory_space<vmem>> -> memref<128x32xf32, #tpu.memory_space<vmem>>
      %dma_start3A_199 = arith.constant 0 : i32
      %dma_start3A_200 = tpu.memref_slice %arg9[%add3A_192, %dma_start3A_199] : memref<80x128xi32, #tpu.memory_space<vmem>> -> memref<1x128xi32, #tpu.memory_space<vmem>>
      %dma_start3A_201 = tpu.memref_squeeze %dma_start3A_200 : memref<1x128xi32, #tpu.memory_space<vmem>> -> memref<128xi32, #tpu.memory_space<vmem>>
      %dma_start3A_202 = arith.constant 0 : i32
      %dma_start3A_203 = arith.constant 0 : i32
      %dma_start3A_204 = tpu.memref_slice %arg8[%dma_start3A_202, %dma_start3A_203] : memref<10240x32xf32, #tpu.memory_space<vmem_shared>> -> memref<10240x32xf32, #tpu.memory_space<vmem_shared>>
      tpu.enqueue_indirect_dma source(%dma_start3A_204 : memref<10240x32xf32, #tpu.memory_space<vmem_shared>>) target(%dma_start3A_198 : memref<128x32xf32, #tpu.memory_space<vmem>>) offsets(%dma_start3A_201 : memref<128xi32, #tpu.memory_space<vmem>>) semaphore(%arg12 : memref<!tpu.dma_semaphore, #tpu.memory_space<semaphore_mem>>)
      %mul3A_205 = arith.constant 4 : i32
      %mul3A_206 = arith.muli %add3A_188, %mul3A_205 : i32
      %add3A_207 = arith.constant 1 : i32
      %add3A_208 = arith.addi %mul3A_206, %add3A_207 : i32
      %dma_start3A_209 = arith.constant 1 : i32
      %dma_start3A_210 = arith.constant 1 : i32
      %dma_start3A_211 = arith.constant 0 : i32
      %dma_start3A_212 = arith.constant 0 : i32
      %dma_start3A_213 = tpu.memref_slice %arg11[%dma_start3A_209, %dma_start3A_210, %dma_start3A_211, %dma_start3A_212] : memref<2x4x128x32xf32, #tpu.memory_space<vmem>> -> memref<1x1x128x32xf32, #tpu.memory_space<vmem>>
      %dma_start3A_214 = tpu.memref_squeeze %dma_start3A_213 : memref<1x1x128x32xf32, #tpu.memory_space<vmem>> -> memref<128x32xf32, #tpu.memory_space<vmem>>
      %dma_start3A_215 = arith.constant 0 : i32
      %dma_start3A_216 = tpu.memref_slice %arg9[%add3A_208, %dma_start3A_215] : memref<80x128xi32, #tpu.memory_space<vmem>> -> memref<1x128xi32, #tpu.memory_space<vmem>>
      %dma_start3A_217 = tpu.memref_squeeze %dma_start3A_216 : memref<1x128xi32, #tpu.memory_space<vmem>> -> memref<128xi32, #tpu.memory_space<vmem>>
      %dma_start3A_218 = arith.constant 0 : i32
      %dma_start3A_219 = arith.constant 0 : i32
      %dma_start3A_220 = tpu.memref_slice %arg8[%dma_start3A_218, %dma_start3A_219] : memref<10240x32xf32, #tpu.memory_space<vmem_shared>> -> memref<10240x32xf32, #tpu.memory_space<vmem_shared>>
      tpu.enqueue_indirect_dma source(%dma_start3A_220 : memref<10240x32xf32, #tpu.memory_space<vmem_shared>>) target(%dma_start3A_214 : memref<128x32xf32, #tpu.memory_space<vmem>>) offsets(%dma_start3A_217 : memref<128xi32, #tpu.memory_space<vmem>>) semaphore(%arg12 : memref<!tpu.dma_semaphore, #tpu.memory_space<semaphore_mem>>)
      %mul3A_221 = arith.constant 4 : i32
      %mul3A_222 = arith.muli %add3A_188, %mul3A_221 : i32
      %add3A_223 = arith.constant 2 : i32
      %add3A_224 = arith.addi %mul3A_222, %add3A_223 : i32
      %dma_start3A_225 = arith.constant 1 : i32
      %dma_start3A_226 = arith.constant 2 : i32
      %dma_start3A_227 = arith.constant 0 : i32
      %dma_start3A_228 = arith.constant 0 : i32
      %dma_start3A_229 = tpu.memref_slice %arg11[%dma_start3A_225, %dma_start3A_226, %dma_start3A_227, %dma_start3A_228] : memref<2x4x128x32xf32, #tpu.memory_space<vmem>> -> memref<1x1x128x32xf32, #tpu.memory_space<vmem>>
      %dma_start3A_230 = tpu.memref_squeeze %dma_start3A_229 : memref<1x1x128x32xf32, #tpu.memory_space<vmem>> -> memref<128x32xf32, #tpu.memory_space<vmem>>
      %dma_start3A_231 = arith.constant 0 : i32
      %dma_start3A_232 = tpu.memref_slice %arg9[%add3A_224, %dma_start3A_231] : memref<80x128xi32, #tpu.memory_space<vmem>> -> memref<1x128xi32, #tpu.memory_space<vmem>>
      %dma_start3A_233 = tpu.memref_squeeze %dma_start3A_232 : memref<1x128xi32, #tpu.memory_space<vmem>> -> memref<128xi32, #tpu.memory_space<vmem>>
      %dma_start3A_234 = arith.constant 0 : i32
      %dma_start3A_235 = arith.constant 0 : i32
      %dma_start3A_236 = tpu.memref_slice %arg8[%dma_start3A_234, %dma_start3A_235] : memref<10240x32xf32, #tpu.memory_space<vmem_shared>> -> memref<10240x32xf32, #tpu.memory_space<vmem_shared>>
      tpu.enqueue_indirect_dma source(%dma_start3A_236 : memref<10240x32xf32, #tpu.memory_space<vmem_shared>>) target(%dma_start3A_230 : memref<128x32xf32, #tpu.memory_space<vmem>>) offsets(%dma_start3A_233 : memref<128xi32, #tpu.memory_space<vmem>>) semaphore(%arg12 : memref<!tpu.dma_semaphore, #tpu.memory_space<semaphore_mem>>)
      %mul3A_237 = arith.constant 4 : i32
      %mul3A_238 = arith.muli %add3A_188, %mul3A_237 : i32
      %add3A_239 = arith.constant 3 : i32
      %add3A_240 = arith.addi %mul3A_238, %add3A_239 : i32
      %dma_start3A_241 = arith.constant 1 : i32
      %dma_start3A_242 = arith.constant 3 : i32
      %dma_start3A_243 = arith.constant 0 : i32
      %dma_start3A_244 = arith.constant 0 : i32
      %dma_start3A_245 = tpu.memref_slice %arg11[%dma_start3A_241, %dma_start3A_242, %dma_start3A_243, %dma_start3A_244] : memref<2x4x128x32xf32, #tpu.memory_space<vmem>> -> memref<1x1x128x32xf32, #tpu.memory_space<vmem>>
      %dma_start3A_246 = tpu.memref_squeeze %dma_start3A_245 : memref<1x1x128x32xf32, #tpu.memory_space<vmem>> -> memref<128x32xf32, #tpu.memory_space<vmem>>
      %dma_start3A_247 = arith.constant 0 : i32
      %dma_start3A_248 = tpu.memref_slice %arg9[%add3A_240, %dma_start3A_247] : memref<80x128xi32, #tpu.memory_space<vmem>> -> memref<1x128xi32, #tpu.memory_space<vmem>>
      %dma_start3A_249 = tpu.memref_squeeze %dma_start3A_248 : memref<1x128xi32, #tpu.memory_space<vmem>> -> memref<128xi32, #tpu.memory_space<vmem>>
      %dma_start3A_250 = arith.constant 0 : i32
      %dma_start3A_251 = arith.constant 0 : i32
      %dma_start3A_252 = tpu.memref_slice %arg8[%dma_start3A_250, %dma_start3A_251] : memref<10240x32xf32, #tpu.memory_space<vmem_shared>> -> memref<10240x32xf32, #tpu.memory_space<vmem_shared>>
      tpu.enqueue_indirect_dma source(%dma_start3A_252 : memref<10240x32xf32, #tpu.memory_space<vmem_shared>>) target(%dma_start3A_246 : memref<128x32xf32, #tpu.memory_space<vmem>>) offsets(%dma_start3A_249 : memref<128xi32, #tpu.memory_space<vmem>>) semaphore(%arg12 : memref<!tpu.dma_semaphore, #tpu.memory_space<semaphore_mem>>)
      %mul3A_253 = arith.constant 2 : i32
      %mul3A_254 = arith.muli %mul3A_253, %add3A_120 : i32
      %mul3A_255 = arith.constant 4 : i32
      %mul3A_256 = arith.muli %mul3A_254, %mul3A_255 : i32
      %add3A_257 = arith.constant 0 : i32
      %add3A_258 = arith.addi %mul3A_256, %add3A_257 : i32
      %dma_start3A_259 = arith.constant 0 : i32
      %dma_start3A_260 = arith.constant 0 : i32
      %dma_start3A_261 = arith.constant 0 : i32
      %dma_start3A_262 = arith.constant 0 : i32
      %dma_start3A_263 = tpu.memref_slice %arg11[%dma_start3A_259, %dma_start3A_260, %dma_start3A_261, %dma_start3A_262] : memref<2x4x128x32xf32, #tpu.memory_space<vmem>> -> memref<1x1x128x32xf32, #tpu.memory_space<vmem>>
      %dma_start3A_264 = tpu.memref_squeeze %dma_start3A_263 : memref<1x1x128x32xf32, #tpu.memory_space<vmem>> -> memref<128x32xf32, #tpu.memory_space<vmem>>
      %dma_start3A_265 = arith.constant 0 : i32
      %dma_start3A_266 = tpu.memref_slice %arg10[%add3A_258, %dma_start3A_265] : memref<80x128xi32, #tpu.memory_space<vmem>> -> memref<1x128xi32, #tpu.memory_space<vmem>>
      %dma_start3A_267 = tpu.memref_squeeze %dma_start3A_266 : memref<1x128xi32, #tpu.memory_space<vmem>> -> memref<128xi32, #tpu.memory_space<vmem>>
      %dma_start3A_268 = arith.constant 0 : i32
      %dma_start3A_269 = arith.constant 0 : i32
      %dma_start3A_270 = tpu.memref_slice %arg7[%dma_start3A_268, %dma_start3A_269] : memref<10240x32xf32, #tpu.memory_space<vmem_shared>> -> memref<10240x32xf32, #tpu.memory_space<vmem_shared>>
      tpu.enqueue_indirect_dma source(%dma_start3A_264 : memref<128x32xf32, #tpu.memory_space<vmem>>) target(%dma_start3A_270 : memref<10240x32xf32, #tpu.memory_space<vmem_shared>>) offsets(%dma_start3A_267 : memref<128xi32, #tpu.memory_space<vmem>>) semaphore(%arg13 : memref<!tpu.dma_semaphore, #tpu.memory_space<semaphore_mem>>) {add = true}
      %mul3A_271 = arith.constant 4 : i32
      %mul3A_272 = arith.muli %mul3A_254, %mul3A_271 : i32
      %add3A_273 = arith.constant 1 : i32
      %add3A_274 = arith.addi %mul3A_272, %add3A_273 : i32
      %dma_start3A_275 = arith.constant 0 : i32
      %dma_start3A_276 = arith.constant 1 : i32
      %dma_start3A_277 = arith.constant 0 : i32
      %dma_start3A_278 = arith.constant 0 : i32
      %dma_start3A_279 = tpu.memref_slice %arg11[%dma_start3A_275, %dma_start3A_276, %dma_start3A_277, %dma_start3A_278] : memref<2x4x128x32xf32, #tpu.memory_space<vmem>> -> memref<1x1x128x32xf32, #tpu.memory_space<vmem>>
      %dma_start3A_280 = tpu.memref_squeeze %dma_start3A_279 : memref<1x1x128x32xf32, #tpu.memory_space<vmem>> -> memref<128x32xf32, #tpu.memory_space<vmem>>
      %dma_start3A_281 = arith.constant 0 : i32
      %dma_start3A_282 = tpu.memref_slice %arg10[%add3A_274, %dma_start3A_281] : memref<80x128xi32, #tpu.memory_space<vmem>> -> memref<1x128xi32, #tpu.memory_space<vmem>>
      %dma_start3A_283 = tpu.memref_squeeze %dma_start3A_282 : memref<1x128xi32, #tpu.memory_space<vmem>> -> memref<128xi32, #tpu.memory_space<vmem>>
      %dma_start3A_284 = arith.constant 0 : i32
      %dma_start3A_285 = arith.constant 0 : i32
      %dma_start3A_286 = tpu.memref_slice %arg7[%dma_start3A_284, %dma_start3A_285] : memref<10240x32xf32, #tpu.memory_space<vmem_shared>> -> memref<10240x32xf32, #tpu.memory_space<vmem_shared>>
      tpu.enqueue_indirect_dma source(%dma_start3A_280 : memref<128x32xf32, #tpu.memory_space<vmem>>) target(%dma_start3A_286 : memref<10240x32xf32, #tpu.memory_space<vmem_shared>>) offsets(%dma_start3A_283 : memref<128xi32, #tpu.memory_space<vmem>>) semaphore(%arg13 : memref<!tpu.dma_semaphore, #tpu.memory_space<semaphore_mem>>) {add = true}
      %mul3A_287 = arith.constant 4 : i32
      %mul3A_288 = arith.muli %mul3A_254, %mul3A_287 : i32
      %add3A_289 = arith.constant 2 : i32
      %add3A_290 = arith.addi %mul3A_288, %add3A_289 : i32
      %dma_start3A_291 = arith.constant 0 : i32
      %dma_start3A_292 = arith.constant 2 : i32
      %dma_start3A_293 = arith.constant 0 : i32
      %dma_start3A_294 = arith.constant 0 : i32
      %dma_start3A_295 = tpu.memref_slice %arg11[%dma_start3A_291, %dma_start3A_292, %dma_start3A_293, %dma_start3A_294] : memref<2x4x128x32xf32, #tpu.memory_space<vmem>> -> memref<1x1x128x32xf32, #tpu.memory_space<vmem>>
      %dma_start3A_296 = tpu.memref_squeeze %dma_start3A_295 : memref<1x1x128x32xf32, #tpu.memory_space<vmem>> -> memref<128x32xf32, #tpu.memory_space<vmem>>
      %dma_start3A_297 = arith.constant 0 : i32
      %dma_start3A_298 = tpu.memref_slice %arg10[%add3A_290, %dma_start3A_297] : memref<80x128xi32, #tpu.memory_space<vmem>> -> memref<1x128xi32, #tpu.memory_space<vmem>>
      %dma_start3A_299 = tpu.memref_squeeze %dma_start3A_298 : memref<1x128xi32, #tpu.memory_space<vmem>> -> memref<128xi32, #tpu.memory_space<vmem>>
      %dma_start3A_300 = arith.constant 0 : i32
      %dma_start3A_301 = arith.constant 0 : i32
      %dma_start3A_302 = tpu.memref_slice %arg7[%dma_start3A_300, %dma_start3A_301] : memref<10240x32xf32, #tpu.memory_space<vmem_shared>> -> memref<10240x32xf32, #tpu.memory_space<vmem_shared>>
      tpu.enqueue_indirect_dma source(%dma_start3A_296 : memref<128x32xf32, #tpu.memory_space<vmem>>) target(%dma_start3A_302 : memref<10240x32xf32, #tpu.memory_space<vmem_shared>>) offsets(%dma_start3A_299 : memref<128xi32, #tpu.memory_space<vmem>>) semaphore(%arg13 : memref<!tpu.dma_semaphore, #tpu.memory_space<semaphore_mem>>) {add = true}
      %mul3A_303 = arith.constant 4 : i32
      %mul3A_304 = arith.muli %mul3A_254, %mul3A_303 : i32
      %add3A_305 = arith.constant 3 : i32
      %add3A_306 = arith.addi %mul3A_304, %add3A_305 : i32
      %dma_start3A_307 = arith.constant 0 : i32
      %dma_start3A_308 = arith.constant 3 : i32
      %dma_start3A_309 = arith.constant 0 : i32
      %dma_start3A_310 = arith.constant 0 : i32
      %dma_start3A_311 = tpu.memref_slice %arg11[%dma_start3A_307, %dma_start3A_308, %dma_start3A_309, %dma_start3A_310] : memref<2x4x128x32xf32, #tpu.memory_space<vmem>> -> memref<1x1x128x32xf32, #tpu.memory_space<vmem>>
      %dma_start3A_312 = tpu.memref_squeeze %dma_start3A_311 : memref<1x1x128x32xf32, #tpu.memory_space<vmem>> -> memref<128x32xf32, #tpu.memory_space<vmem>>
      %dma_start3A_313 = arith.constant 0 : i32
      %dma_start3A_314 = tpu.memref_slice %arg10[%add3A_306, %dma_start3A_313] : memref<80x128xi32, #tpu.memory_space<vmem>> -> memref<1x128xi32, #tpu.memory_space<vmem>>
      %dma_start3A_315 = tpu.memref_squeeze %dma_start3A_314 : memref<1x128xi32, #tpu.memory_space<vmem>> -> memref<128xi32, #tpu.memory_space<vmem>>
      %dma_start3A_316 = arith.constant 0 : i32
      %dma_start3A_317 = arith.constant 0 : i32
      %dma_start3A_318 = tpu.memref_slice %arg7[%dma_start3A_316, %dma_start3A_317] : memref<10240x32xf32, #tpu.memory_space<vmem_shared>> -> memref<10240x32xf32, #tpu.memory_space<vmem_shared>>
      tpu.enqueue_indirect_dma source(%dma_start3A_312 : memref<128x32xf32, #tpu.memory_space<vmem>>) target(%dma_start3A_318 : memref<10240x32xf32, #tpu.memory_space<vmem_shared>>) offsets(%dma_start3A_315 : memref<128xi32, #tpu.memory_space<vmem>>) semaphore(%arg13 : memref<!tpu.dma_semaphore, #tpu.memory_space<semaphore_mem>>) {add = true}
      %dma_wait3A_319 = arith.constant 0 : i32
      %dma_wait3A_320 = arith.constant 0 : i32
      %dma_wait3A_321 = arith.constant 0 : i32
      %dma_wait3A_322 = arith.constant 0 : i32
      %dma_wait3A_323 = tpu.memref_slice %arg11[%dma_wait3A_319, %dma_wait3A_320, %dma_wait3A_321, %dma_wait3A_322] : memref<2x4x128x32xf32, #tpu.memory_space<vmem>> -> memref<1x1x128x32xf32, #tpu.memory_space<vmem>>
      %dma_wait3A_324 = tpu.memref_squeeze %dma_wait3A_323 : memref<1x1x128x32xf32, #tpu.memory_space<vmem>> -> memref<128x32xf32, #tpu.memory_space<vmem>>
      %dma_wait3A_325 = arith.constant 0 : i32
      %dma_wait3A_326 = arith.constant 0 : i32
      %dma_wait3A_327 = tpu.memref_slice %arg2[%dma_wait3A_325, %dma_wait3A_326] : memref<10240x32xf32, #tpu.memory_space<hbm>> -> memref<128x32xf32, #tpu.memory_space<hbm>>
      %dma_wait3A_328 = arith.constant 0 : i32
      %dma_wait3A_329 = arith.constant 0 : i32
      %dma_wait3A_330 = tpu.memref_slice %arg11[%dma_wait3A_319, %dma_wait3A_320, %dma_wait3A_328, %dma_wait3A_329] : memref<2x4x128x32xf32, #tpu.memory_space<vmem>> -> memref<1x1x128x32xf32, #tpu.memory_space<vmem>>
      %dma_wait3A_331 = tpu.memref_squeeze %dma_wait3A_330 : memref<1x1x128x32xf32, #tpu.memory_space<vmem>> -> memref<128x32xf32, #tpu.memory_space<vmem>>
      %dma_wait3A_332 = arith.constant 0 : i32
      %dma_wait3A_333 = arith.constant 0 : i32
      %dma_wait3A_334 = tpu.memref_slice %arg2[%dma_wait3A_332, %dma_wait3A_333] : memref<10240x32xf32, #tpu.memory_space<hbm>> -> memref<128x32xf32, #tpu.memory_space<hbm>>
      tpu.wait_dma2 semaphore(%arg13 : memref<!tpu.dma_semaphore, #tpu.memory_space<semaphore_mem>>) src(%dma_wait3A_334 : memref<128x32xf32, #tpu.memory_space<hbm>>) dst(%dma_wait3A_331 : memref<128x32xf32, #tpu.memory_space<vmem>>)
      %dma_wait3A_335 = arith.constant 0 : i32
      %dma_wait3A_336 = arith.constant 0 : i32
      %dma_wait3A_337 = arith.constant 0 : i32
      %dma_wait3A_338 = arith.constant 0 : i32
      %dma_wait3A_339 = tpu.memref_slice %arg11[%dma_wait3A_335, %dma_wait3A_336, %dma_wait3A_337, %dma_wait3A_338] : memref<2x4x128x32xf32, #tpu.memory_space<vmem>> -> memref<1x1x128x32xf32, #tpu.memory_space<vmem>>
      %dma_wait3A_340 = tpu.memref_squeeze %dma_wait3A_339 : memref<1x1x128x32xf32, #tpu.memory_space<vmem>> -> memref<128x32xf32, #tpu.memory_space<vmem>>
      %dma_wait3A_341 = arith.constant 0 : i32
      %dma_wait3A_342 = arith.constant 0 : i32
      %dma_wait3A_343 = tpu.memref_slice %arg2[%dma_wait3A_341, %dma_wait3A_342] : memref<10240x32xf32, #tpu.memory_space<hbm>> -> memref<128x32xf32, #tpu.memory_space<hbm>>
      %dma_wait3A_344 = arith.constant 0 : i32
      %dma_wait3A_345 = arith.constant 0 : i32
      %dma_wait3A_346 = tpu.memref_slice %arg11[%dma_wait3A_335, %dma_wait3A_336, %dma_wait3A_344, %dma_wait3A_345] : memref<2x4x128x32xf32, #tpu.memory_space<vmem>> -> memref<1x1x128x32xf32, #tpu.memory_space<vmem>>
      %dma_wait3A_347 = tpu.memref_squeeze %dma_wait3A_346 : memref<1x1x128x32xf32, #tpu.memory_space<vmem>> -> memref<128x32xf32, #tpu.memory_space<vmem>>
      %dma_wait3A_348 = arith.constant 0 : i32
      %dma_wait3A_349 = arith.constant 0 : i32
      %dma_wait3A_350 = tpu.memref_slice %arg2[%dma_wait3A_348, %dma_wait3A_349] : memref<10240x32xf32, #tpu.memory_space<hbm>> -> memref<128x32xf32, #tpu.memory_space<hbm>>
      tpu.wait_dma2 semaphore(%arg13 : memref<!tpu.dma_semaphore, #tpu.memory_space<semaphore_mem>>) src(%dma_wait3A_350 : memref<128x32xf32, #tpu.memory_space<hbm>>) dst(%dma_wait3A_347 : memref<128x32xf32, #tpu.memory_space<vmem>>)
      %dma_wait3A_351 = arith.constant 0 : i32
      %dma_wait3A_352 = arith.constant 0 : i32
      %dma_wait3A_353 = arith.constant 0 : i32
      %dma_wait3A_354 = arith.constant 0 : i32
      %dma_wait3A_355 = tpu.memref_slice %arg11[%dma_wait3A_351, %dma_wait3A_352, %dma_wait3A_353, %dma_wait3A_354] : memref<2x4x128x32xf32, #tpu.memory_space<vmem>> -> memref<1x1x128x32xf32, #tpu.memory_space<vmem>>
      %dma_wait3A_356 = tpu.memref_squeeze %dma_wait3A_355 : memref<1x1x128x32xf32, #tpu.memory_space<vmem>> -> memref<128x32xf32, #tpu.memory_space<vmem>>
      %dma_wait3A_357 = arith.constant 0 : i32
      %dma_wait3A_358 = arith.constant 0 : i32
      %dma_wait3A_359 = tpu.memref_slice %arg2[%dma_wait3A_357, %dma_wait3A_358] : memref<10240x32xf32, #tpu.memory_space<hbm>> -> memref<128x32xf32, #tpu.memory_space<hbm>>
      %dma_wait3A_360 = arith.constant 0 : i32
      %dma_wait3A_361 = arith.constant 0 : i32
      %dma_wait3A_362 = tpu.memref_slice %arg11[%dma_wait3A_351, %dma_wait3A_352, %dma_wait3A_360, %dma_wait3A_361] : memref<2x4x128x32xf32, #tpu.memory_space<vmem>> -> memref<1x1x128x32xf32, #tpu.memory_space<vmem>>
      %dma_wait3A_363 = tpu.memref_squeeze %dma_wait3A_362 : memref<1x1x128x32xf32, #tpu.memory_space<vmem>> -> memref<128x32xf32, #tpu.memory_space<vmem>>
      %dma_wait3A_364 = arith.constant 0 : i32
      %dma_wait3A_365 = arith.constant 0 : i32
      %dma_wait3A_366 = tpu.memref_slice %arg2[%dma_wait3A_364, %dma_wait3A_365] : memref<10240x32xf32, #tpu.memory_space<hbm>> -> memref<128x32xf32, #tpu.memory_space<hbm>>
      tpu.wait_dma2 semaphore(%arg13 : memref<!tpu.dma_semaphore, #tpu.memory_space<semaphore_mem>>) src(%dma_wait3A_366 : memref<128x32xf32, #tpu.memory_space<hbm>>) dst(%dma_wait3A_363 : memref<128x32xf32, #tpu.memory_space<vmem>>)
      %dma_wait3A_367 = arith.constant 0 : i32
      %dma_wait3A_368 = arith.constant 0 : i32
      %dma_wait3A_369 = arith.constant 0 : i32
      %dma_wait3A_370 = arith.constant 0 : i32
      %dma_wait3A_371 = tpu.memref_slice %arg11[%dma_wait3A_367, %dma_wait3A_368, %dma_wait3A_369, %dma_wait3A_370] : memref<2x4x128x32xf32, #tpu.memory_space<vmem>> -> memref<1x1x128x32xf32, #tpu.memory_space<vmem>>
      %dma_wait3A_372 = tpu.memref_squeeze %dma_wait3A_371 : memref<1x1x128x32xf32, #tpu.memory_space<vmem>> -> memref<128x32xf32, #tpu.memory_space<vmem>>
      %dma_wait3A_373 = arith.constant 0 : i32
      %dma_wait3A_374 = arith.constant 0 : i32
      %dma_wait3A_375 = tpu.memref_slice %arg2[%dma_wait3A_373, %dma_wait3A_374] : memref<10240x32xf32, #tpu.memory_space<hbm>> -> memref<128x32xf32, #tpu.memory_space<hbm>>
      %dma_wait3A_376 = arith.constant 0 : i32
      %dma_wait3A_377 = arith.constant 0 : i32
      %dma_wait3A_378 = tpu.memref_slice %arg11[%dma_wait3A_367, %dma_wait3A_368, %dma_wait3A_376, %dma_wait3A_377] : memref<2x4x128x32xf32, #tpu.memory_space<vmem>> -> memref<1x1x128x32xf32, #tpu.memory_space<vmem>>
      %dma_wait3A_379 = tpu.memref_squeeze %dma_wait3A_378 : memref<1x1x128x32xf32, #tpu.memory_space<vmem>> -> memref<128x32xf32, #tpu.memory_space<vmem>>
      %dma_wait3A_380 = arith.constant 0 : i32
      %dma_wait3A_381 = arith.constant 0 : i32
      %dma_wait3A_382 = tpu.memref_slice %arg2[%dma_wait3A_380, %dma_wait3A_381] : memref<10240x32xf32, #tpu.memory_space<hbm>> -> memref<128x32xf32, #tpu.memory_space<hbm>>
      tpu.wait_dma2 semaphore(%arg13 : memref<!tpu.dma_semaphore, #tpu.memory_space<semaphore_mem>>) src(%dma_wait3A_382 : memref<128x32xf32, #tpu.memory_space<hbm>>) dst(%dma_wait3A_379 : memref<128x32xf32, #tpu.memory_space<vmem>>)
      %lt3A = arith.constant 9 : i32
      %lt3A_383 = arith.cmpi slt, %add3A_120, %lt3A : i32
      %convert_element_type3A = arith.extui %lt3A_383 : i1 to i32
      %cond3A = arith.constant 0 : i32
      %cond3A_384 = arith.cmpi ne, %convert_element_type3A, %cond3A : i32
      scf.if %cond3A_384 {
        %mul3A_581 = arith.constant 2 : i32
        %mul3A_582 = arith.muli %mul3A_581, %add3A_120 : i32
        %add3A_583 = arith.constant 2 : i32
        %add3A_584 = arith.addi %mul3A_582, %add3A_583 : i32
        %mul3A_585 = arith.constant 4 : i32
        %mul3A_586 = arith.muli %add3A_584, %mul3A_585 : i32
        %add3A_587 = arith.constant 0 : i32
        %add3A_588 = arith.addi %mul3A_586, %add3A_587 : i32
        %dma_start3A_589 = arith.constant 0 : i32
        %dma_start3A_590 = arith.constant 0 : i32
        %dma_start3A_591 = arith.constant 0 : i32
        %dma_start3A_592 = arith.constant 0 : i32
        %dma_start3A_593 = tpu.memref_slice %arg11[%dma_start3A_589, %dma_start3A_590, %dma_start3A_591, %dma_start3A_592] : memref<2x4x128x32xf32, #tpu.memory_space<vmem>> -> memref<1x1x128x32xf32, #tpu.memory_space<vmem>>
        %dma_start3A_594 = tpu.memref_squeeze %dma_start3A_593 : memref<1x1x128x32xf32, #tpu.memory_space<vmem>> -> memref<128x32xf32, #tpu.memory_space<vmem>>
        %dma_start3A_595 = arith.constant 0 : i32
        %dma_start3A_596 = tpu.memref_slice %arg9[%add3A_588, %dma_start3A_595] : memref<80x128xi32, #tpu.memory_space<vmem>> -> memref<1x128xi32, #tpu.memory_space<vmem>>
        %dma_start3A_597 = tpu.memref_squeeze %dma_start3A_596 : memref<1x128xi32, #tpu.memory_space<vmem>> -> memref<128xi32, #tpu.memory_space<vmem>>
        %dma_start3A_598 = arith.constant 0 : i32
        %dma_start3A_599 = arith.constant 0 : i32
        %dma_start3A_600 = tpu.memref_slice %arg8[%dma_start3A_598, %dma_start3A_599] : memref<10240x32xf32, #tpu.memory_space<vmem_shared>> -> memref<10240x32xf32, #tpu.memory_space<vmem_shared>>
        tpu.enqueue_indirect_dma source(%dma_start3A_600 : memref<10240x32xf32, #tpu.memory_space<vmem_shared>>) target(%dma_start3A_594 : memref<128x32xf32, #tpu.memory_space<vmem>>) offsets(%dma_start3A_597 : memref<128xi32, #tpu.memory_space<vmem>>) semaphore(%arg12 : memref<!tpu.dma_semaphore, #tpu.memory_space<semaphore_mem>>)
        %mul3A_601 = arith.constant 4 : i32
        %mul3A_602 = arith.muli %add3A_584, %mul3A_601 : i32
        %add3A_603 = arith.constant 1 : i32
        %add3A_604 = arith.addi %mul3A_602, %add3A_603 : i32
        %dma_start3A_605 = arith.constant 0 : i32
        %dma_start3A_606 = arith.constant 1 : i32
        %dma_start3A_607 = arith.constant 0 : i32
        %dma_start3A_608 = arith.constant 0 : i32
        %dma_start3A_609 = tpu.memref_slice %arg11[%dma_start3A_605, %dma_start3A_606, %dma_start3A_607, %dma_start3A_608] : memref<2x4x128x32xf32, #tpu.memory_space<vmem>> -> memref<1x1x128x32xf32, #tpu.memory_space<vmem>>
        %dma_start3A_610 = tpu.memref_squeeze %dma_start3A_609 : memref<1x1x128x32xf32, #tpu.memory_space<vmem>> -> memref<128x32xf32, #tpu.memory_space<vmem>>
        %dma_start3A_611 = arith.constant 0 : i32
        %dma_start3A_612 = tpu.memref_slice %arg9[%add3A_604, %dma_start3A_611] : memref<80x128xi32, #tpu.memory_space<vmem>> -> memref<1x128xi32, #tpu.memory_space<vmem>>
        %dma_start3A_613 = tpu.memref_squeeze %dma_start3A_612 : memref<1x128xi32, #tpu.memory_space<vmem>> -> memref<128xi32, #tpu.memory_space<vmem>>
        %dma_start3A_614 = arith.constant 0 : i32
        %dma_start3A_615 = arith.constant 0 : i32
        %dma_start3A_616 = tpu.memref_slice %arg8[%dma_start3A_614, %dma_start3A_615] : memref<10240x32xf32, #tpu.memory_space<vmem_shared>> -> memref<10240x32xf32, #tpu.memory_space<vmem_shared>>
        tpu.enqueue_indirect_dma source(%dma_start3A_616 : memref<10240x32xf32, #tpu.memory_space<vmem_shared>>) target(%dma_start3A_610 : memref<128x32xf32, #tpu.memory_space<vmem>>) offsets(%dma_start3A_613 : memref<128xi32, #tpu.memory_space<vmem>>) semaphore(%arg12 : memref<!tpu.dma_semaphore, #tpu.memory_space<semaphore_mem>>)
        %mul3A_617 = arith.constant 4 : i32
        %mul3A_618 = arith.muli %add3A_584, %mul3A_617 : i32
        %add3A_619 = arith.constant 2 : i32
        %add3A_620 = arith.addi %mul3A_618, %add3A_619 : i32
        %dma_start3A_621 = arith.constant 0 : i32
        %dma_start3A_622 = arith.constant 2 : i32
        %dma_start3A_623 = arith.constant 0 : i32
        %dma_start3A_624 = arith.constant 0 : i32
        %dma_start3A_625 = tpu.memref_slice %arg11[%dma_start3A_621, %dma_start3A_622, %dma_start3A_623, %dma_start3A_624] : memref<2x4x128x32xf32, #tpu.memory_space<vmem>> -> memref<1x1x128x32xf32, #tpu.memory_space<vmem>>
        %dma_start3A_626 = tpu.memref_squeeze %dma_start3A_625 : memref<1x1x128x32xf32, #tpu.memory_space<vmem>> -> memref<128x32xf32, #tpu.memory_space<vmem>>
        %dma_start3A_627 = arith.constant 0 : i32
        %dma_start3A_628 = tpu.memref_slice %arg9[%add3A_620, %dma_start3A_627] : memref<80x128xi32, #tpu.memory_space<vmem>> -> memref<1x128xi32, #tpu.memory_space<vmem>>
        %dma_start3A_629 = tpu.memref_squeeze %dma_start3A_628 : memref<1x128xi32, #tpu.memory_space<vmem>> -> memref<128xi32, #tpu.memory_space<vmem>>
        %dma_start3A_630 = arith.constant 0 : i32
        %dma_start3A_631 = arith.constant 0 : i32
        %dma_start3A_632 = tpu.memref_slice %arg8[%dma_start3A_630, %dma_start3A_631] : memref<10240x32xf32, #tpu.memory_space<vmem_shared>> -> memref<10240x32xf32, #tpu.memory_space<vmem_shared>>
        tpu.enqueue_indirect_dma source(%dma_start3A_632 : memref<10240x32xf32, #tpu.memory_space<vmem_shared>>) target(%dma_start3A_626 : memref<128x32xf32, #tpu.memory_space<vmem>>) offsets(%dma_start3A_629 : memref<128xi32, #tpu.memory_space<vmem>>) semaphore(%arg12 : memref<!tpu.dma_semaphore, #tpu.memory_space<semaphore_mem>>)
        %mul3A_633 = arith.constant 4 : i32
        %mul3A_634 = arith.muli %add3A_584, %mul3A_633 : i32
        %add3A_635 = arith.constant 3 : i32
        %add3A_636 = arith.addi %mul3A_634, %add3A_635 : i32
        %dma_start3A_637 = arith.constant 0 : i32
        %dma_start3A_638 = arith.constant 3 : i32
        %dma_start3A_639 = arith.constant 0 : i32
        %dma_start3A_640 = arith.constant 0 : i32
        %dma_start3A_641 = tpu.memref_slice %arg11[%dma_start3A_637, %dma_start3A_638, %dma_start3A_639, %dma_start3A_640] : memref<2x4x128x32xf32, #tpu.memory_space<vmem>> -> memref<1x1x128x32xf32, #tpu.memory_space<vmem>>
        %dma_start3A_642 = tpu.memref_squeeze %dma_start3A_641 : memref<1x1x128x32xf32, #tpu.memory_space<vmem>> -> memref<128x32xf32, #tpu.memory_space<vmem>>
        %dma_start3A_643 = arith.constant 0 : i32
        %dma_start3A_644 = tpu.memref_slice %arg9[%add3A_636, %dma_start3A_643] : memref<80x128xi32, #tpu.memory_space<vmem>> -> memref<1x128xi32, #tpu.memory_space<vmem>>
        %dma_start3A_645 = tpu.memref_squeeze %dma_start3A_644 : memref<1x128xi32, #tpu.memory_space<vmem>> -> memref<128xi32, #tpu.memory_space<vmem>>
        %dma_start3A_646 = arith.constant 0 : i32
        %dma_start3A_647 = arith.constant 0 : i32
        %dma_start3A_648 = tpu.memref_slice %arg8[%dma_start3A_646, %dma_start3A_647] : memref<10240x32xf32, #tpu.memory_space<vmem_shared>> -> memref<10240x32xf32, #tpu.memory_space<vmem_shared>>
        tpu.enqueue_indirect_dma source(%dma_start3A_648 : memref<10240x32xf32, #tpu.memory_space<vmem_shared>>) target(%dma_start3A_642 : memref<128x32xf32, #tpu.memory_space<vmem>>) offsets(%dma_start3A_645 : memref<128xi32, #tpu.memory_space<vmem>>) semaphore(%arg12 : memref<!tpu.dma_semaphore, #tpu.memory_space<semaphore_mem>>)
      } else {
      }
      %dma_wait3A_385 = arith.constant 0 : i32
      %dma_wait3A_386 = arith.constant 0 : i32
      %dma_wait3A_387 = arith.constant 0 : i32
      %dma_wait3A_388 = arith.constant 0 : i32
      %dma_wait3A_389 = tpu.memref_slice %arg11[%dma_wait3A_385, %dma_wait3A_386, %dma_wait3A_387, %dma_wait3A_388] : memref<2x4x128x32xf32, #tpu.memory_space<vmem>> -> memref<1x1x128x32xf32, #tpu.memory_space<vmem>>
      %dma_wait3A_390 = tpu.memref_squeeze %dma_wait3A_389 : memref<1x1x128x32xf32, #tpu.memory_space<vmem>> -> memref<128x32xf32, #tpu.memory_space<vmem>>
      %dma_wait3A_391 = arith.constant 0 : i32
      %dma_wait3A_392 = arith.constant 0 : i32
      %dma_wait3A_393 = tpu.memref_slice %arg2[%dma_wait3A_391, %dma_wait3A_392] : memref<10240x32xf32, #tpu.memory_space<hbm>> -> memref<128x32xf32, #tpu.memory_space<hbm>>
      %dma_wait3A_394 = arith.constant 0 : i32
      %dma_wait3A_395 = arith.constant 0 : i32
      %dma_wait3A_396 = tpu.memref_slice %arg11[%dma_wait3A_385, %dma_wait3A_386, %dma_wait3A_394, %dma_wait3A_395] : memref<2x4x128x32xf32, #tpu.memory_space<vmem>> -> memref<1x1x128x32xf32, #tpu.memory_space<vmem>>
      %dma_wait3A_397 = tpu.memref_squeeze %dma_wait3A_396 : memref<1x1x128x32xf32, #tpu.memory_space<vmem>> -> memref<128x32xf32, #tpu.memory_space<vmem>>
      %dma_wait3A_398 = arith.constant 0 : i32
      %dma_wait3A_399 = arith.constant 0 : i32
      %dma_wait3A_400 = tpu.memref_slice %arg2[%dma_wait3A_398, %dma_wait3A_399] : memref<10240x32xf32, #tpu.memory_space<hbm>> -> memref<128x32xf32, #tpu.memory_space<hbm>>
      tpu.wait_dma2 semaphore(%arg12 : memref<!tpu.dma_semaphore, #tpu.memory_space<semaphore_mem>>) src(%dma_wait3A_400 : memref<128x32xf32, #tpu.memory_space<hbm>>) dst(%dma_wait3A_397 : memref<128x32xf32, #tpu.memory_space<vmem>>)
      %dma_wait3A_401 = arith.constant 0 : i32
      %dma_wait3A_402 = arith.constant 0 : i32
      %dma_wait3A_403 = arith.constant 0 : i32
      %dma_wait3A_404 = arith.constant 0 : i32
      %dma_wait3A_405 = tpu.memref_slice %arg11[%dma_wait3A_401, %dma_wait3A_402, %dma_wait3A_403, %dma_wait3A_404] : memref<2x4x128x32xf32, #tpu.memory_space<vmem>> -> memref<1x1x128x32xf32, #tpu.memory_space<vmem>>
      %dma_wait3A_406 = tpu.memref_squeeze %dma_wait3A_405 : memref<1x1x128x32xf32, #tpu.memory_space<vmem>> -> memref<128x32xf32, #tpu.memory_space<vmem>>
      %dma_wait3A_407 = arith.constant 0 : i32
      %dma_wait3A_408 = arith.constant 0 : i32
      %dma_wait3A_409 = tpu.memref_slice %arg2[%dma_wait3A_407, %dma_wait3A_408] : memref<10240x32xf32, #tpu.memory_space<hbm>> -> memref<128x32xf32, #tpu.memory_space<hbm>>
      %dma_wait3A_410 = arith.constant 0 : i32
      %dma_wait3A_411 = arith.constant 0 : i32
      %dma_wait3A_412 = tpu.memref_slice %arg11[%dma_wait3A_401, %dma_wait3A_402, %dma_wait3A_410, %dma_wait3A_411] : memref<2x4x128x32xf32, #tpu.memory_space<vmem>> -> memref<1x1x128x32xf32, #tpu.memory_space<vmem>>
      %dma_wait3A_413 = tpu.memref_squeeze %dma_wait3A_412 : memref<1x1x128x32xf32, #tpu.memory_space<vmem>> -> memref<128x32xf32, #tpu.memory_space<vmem>>
      %dma_wait3A_414 = arith.constant 0 : i32
      %dma_wait3A_415 = arith.constant 0 : i32
      %dma_wait3A_416 = tpu.memref_slice %arg2[%dma_wait3A_414, %dma_wait3A_415] : memref<10240x32xf32, #tpu.memory_space<hbm>> -> memref<128x32xf32, #tpu.memory_space<hbm>>
      tpu.wait_dma2 semaphore(%arg12 : memref<!tpu.dma_semaphore, #tpu.memory_space<semaphore_mem>>) src(%dma_wait3A_416 : memref<128x32xf32, #tpu.memory_space<hbm>>) dst(%dma_wait3A_413 : memref<128x32xf32, #tpu.memory_space<vmem>>)
      %dma_wait3A_417 = arith.constant 0 : i32
      %dma_wait3A_418 = arith.constant 0 : i32
      %dma_wait3A_419 = arith.constant 0 : i32
      %dma_wait3A_420 = arith.constant 0 : i32
      %dma_wait3A_421 = tpu.memref_slice %arg11[%dma_wait3A_417, %dma_wait3A_418, %dma_wait3A_419, %dma_wait3A_420] : memref<2x4x128x32xf32, #tpu.memory_space<vmem>> -> memref<1x1x128x32xf32, #tpu.memory_space<vmem>>
      %dma_wait3A_422 = tpu.memref_squeeze %dma_wait3A_421 : memref<1x1x128x32xf32, #tpu.memory_space<vmem>> -> memref<128x32xf32, #tpu.memory_space<vmem>>
      %dma_wait3A_423 = arith.constant 0 : i32
      %dma_wait3A_424 = arith.constant 0 : i32
      %dma_wait3A_425 = tpu.memref_slice %arg2[%dma_wait3A_423, %dma_wait3A_424] : memref<10240x32xf32, #tpu.memory_space<hbm>> -> memref<128x32xf32, #tpu.memory_space<hbm>>
      %dma_wait3A_426 = arith.constant 0 : i32
      %dma_wait3A_427 = arith.constant 0 : i32
      %dma_wait3A_428 = tpu.memref_slice %arg11[%dma_wait3A_417, %dma_wait3A_418, %dma_wait3A_426, %dma_wait3A_427] : memref<2x4x128x32xf32, #tpu.memory_space<vmem>> -> memref<1x1x128x32xf32, #tpu.memory_space<vmem>>
      %dma_wait3A_429 = tpu.memref_squeeze %dma_wait3A_428 : memref<1x1x128x32xf32, #tpu.memory_space<vmem>> -> memref<128x32xf32, #tpu.memory_space<vmem>>
      %dma_wait3A_430 = arith.constant 0 : i32
      %dma_wait3A_431 = arith.constant 0 : i32
      %dma_wait3A_432 = tpu.memref_slice %arg2[%dma_wait3A_430, %dma_wait3A_431] : memref<10240x32xf32, #tpu.memory_space<hbm>> -> memref<128x32xf32, #tpu.memory_space<hbm>>
      tpu.wait_dma2 semaphore(%arg12 : memref<!tpu.dma_semaphore, #tpu.memory_space<semaphore_mem>>) src(%dma_wait3A_432 : memref<128x32xf32, #tpu.memory_space<hbm>>) dst(%dma_wait3A_429 : memref<128x32xf32, #tpu.memory_space<vmem>>)
      %dma_wait3A_433 = arith.constant 0 : i32
      %dma_wait3A_434 = arith.constant 0 : i32
      %dma_wait3A_435 = arith.constant 0 : i32
      %dma_wait3A_436 = arith.constant 0 : i32
      %dma_wait3A_437 = tpu.memref_slice %arg11[%dma_wait3A_433, %dma_wait3A_434, %dma_wait3A_435, %dma_wait3A_436] : memref<2x4x128x32xf32, #tpu.memory_space<vmem>> -> memref<1x1x128x32xf32, #tpu.memory_space<vmem>>
      %dma_wait3A_438 = tpu.memref_squeeze %dma_wait3A_437 : memref<1x1x128x32xf32, #tpu.memory_space<vmem>> -> memref<128x32xf32, #tpu.memory_space<vmem>>
      %dma_wait3A_439 = arith.constant 0 : i32
      %dma_wait3A_440 = arith.constant 0 : i32
      %dma_wait3A_441 = tpu.memref_slice %arg2[%dma_wait3A_439, %dma_wait3A_440] : memref<10240x32xf32, #tpu.memory_space<hbm>> -> memref<128x32xf32, #tpu.memory_space<hbm>>
      %dma_wait3A_442 = arith.constant 0 : i32
      %dma_wait3A_443 = arith.constant 0 : i32
      %dma_wait3A_444 = tpu.memref_slice %arg11[%dma_wait3A_433, %dma_wait3A_434, %dma_wait3A_442, %dma_wait3A_443] : memref<2x4x128x32xf32, #tpu.memory_space<vmem>> -> memref<1x1x128x32xf32, #tpu.memory_space<vmem>>
      %dma_wait3A_445 = tpu.memref_squeeze %dma_wait3A_444 : memref<1x1x128x32xf32, #tpu.memory_space<vmem>> -> memref<128x32xf32, #tpu.memory_space<vmem>>
      %dma_wait3A_446 = arith.constant 0 : i32
      %dma_wait3A_447 = arith.constant 0 : i32
      %dma_wait3A_448 = tpu.memref_slice %arg2[%dma_wait3A_446, %dma_wait3A_447] : memref<10240x32xf32, #tpu.memory_space<hbm>> -> memref<128x32xf32, #tpu.memory_space<hbm>>
      tpu.wait_dma2 semaphore(%arg12 : memref<!tpu.dma_semaphore, #tpu.memory_space<semaphore_mem>>) src(%dma_wait3A_448 : memref<128x32xf32, #tpu.memory_space<hbm>>) dst(%dma_wait3A_445 : memref<128x32xf32, #tpu.memory_space<vmem>>)
      %mul3A_449 = arith.constant 2 : i32
      %mul3A_450 = arith.muli %mul3A_449, %add3A_120 : i32
      %add3A_451 = arith.constant 1 : i32
      %add3A_452 = arith.addi %mul3A_450, %add3A_451 : i32
      %mul3A_453 = arith.constant 4 : i32
      %mul3A_454 = arith.muli %add3A_452, %mul3A_453 : i32
      %add3A_455 = arith.constant 0 : i32
      %add3A_456 = arith.addi %mul3A_454, %add3A_455 : i32
      %dma_start3A_457 = arith.constant 1 : i32
      %dma_start3A_458 = arith.constant 0 : i32
      %dma_start3A_459 = arith.constant 0 : i32
      %dma_start3A_460 = arith.constant 0 : i32
      %dma_start3A_461 = tpu.memref_slice %arg11[%dma_start3A_457, %dma_start3A_458, %dma_start3A_459, %dma_start3A_460] : memref<2x4x128x32xf32, #tpu.memory_space<vmem>> -> memref<1x1x128x32xf32, #tpu.memory_space<vmem>>
      %dma_start3A_462 = tpu.memref_squeeze %dma_start3A_461 : memref<1x1x128x32xf32, #tpu.memory_space<vmem>> -> memref<128x32xf32, #tpu.memory_space<vmem>>
      %dma_start3A_463 = arith.constant 0 : i32
      %dma_start3A_464 = tpu.memref_slice %arg10[%add3A_456, %dma_start3A_463] : memref<80x128xi32, #tpu.memory_space<vmem>> -> memref<1x128xi32, #tpu.memory_space<vmem>>
      %dma_start3A_465 = tpu.memref_squeeze %dma_start3A_464 : memref<1x128xi32, #tpu.memory_space<vmem>> -> memref<128xi32, #tpu.memory_space<vmem>>
      %dma_start3A_466 = arith.constant 0 : i32
      %dma_start3A_467 = arith.constant 0 : i32
      %dma_start3A_468 = tpu.memref_slice %arg7[%dma_start3A_466, %dma_start3A_467] : memref<10240x32xf32, #tpu.memory_space<vmem_shared>> -> memref<10240x32xf32, #tpu.memory_space<vmem_shared>>
      tpu.enqueue_indirect_dma source(%dma_start3A_462 : memref<128x32xf32, #tpu.memory_space<vmem>>) target(%dma_start3A_468 : memref<10240x32xf32, #tpu.memory_space<vmem_shared>>) offsets(%dma_start3A_465 : memref<128xi32, #tpu.memory_space<vmem>>) semaphore(%arg13 : memref<!tpu.dma_semaphore, #tpu.memory_space<semaphore_mem>>) {add = true}
      %mul3A_469 = arith.constant 4 : i32
      %mul3A_470 = arith.muli %add3A_452, %mul3A_469 : i32
      %add3A_471 = arith.constant 1 : i32
      %add3A_472 = arith.addi %mul3A_470, %add3A_471 : i32
      %dma_start3A_473 = arith.constant 1 : i32
      %dma_start3A_474 = arith.constant 1 : i32
      %dma_start3A_475 = arith.constant 0 : i32
      %dma_start3A_476 = arith.constant 0 : i32
      %dma_start3A_477 = tpu.memref_slice %arg11[%dma_start3A_473, %dma_start3A_474, %dma_start3A_475, %dma_start3A_476] : memref<2x4x128x32xf32, #tpu.memory_space<vmem>> -> memref<1x1x128x32xf32, #tpu.memory_space<vmem>>
      %dma_start3A_478 = tpu.memref_squeeze %dma_start3A_477 : memref<1x1x128x32xf32, #tpu.memory_space<vmem>> -> memref<128x32xf32, #tpu.memory_space<vmem>>
      %dma_start3A_479 = arith.constant 0 : i32
      %dma_start3A_480 = tpu.memref_slice %arg10[%add3A_472, %dma_start3A_479] : memref<80x128xi32, #tpu.memory_space<vmem>> -> memref<1x128xi32, #tpu.memory_space<vmem>>
      %dma_start3A_481 = tpu.memref_squeeze %dma_start3A_480 : memref<1x128xi32, #tpu.memory_space<vmem>> -> memref<128xi32, #tpu.memory_space<vmem>>
      %dma_start3A_482 = arith.constant 0 : i32
      %dma_start3A_483 = arith.constant 0 : i32
      %dma_start3A_484 = tpu.memref_slice %arg7[%dma_start3A_482, %dma_start3A_483] : memref<10240x32xf32, #tpu.memory_space<vmem_shared>> -> memref<10240x32xf32, #tpu.memory_space<vmem_shared>>
      tpu.enqueue_indirect_dma source(%dma_start3A_478 : memref<128x32xf32, #tpu.memory_space<vmem>>) target(%dma_start3A_484 : memref<10240x32xf32, #tpu.memory_space<vmem_shared>>) offsets(%dma_start3A_481 : memref<128xi32, #tpu.memory_space<vmem>>) semaphore(%arg13 : memref<!tpu.dma_semaphore, #tpu.memory_space<semaphore_mem>>) {add = true}
      %mul3A_485 = arith.constant 4 : i32
      %mul3A_486 = arith.muli %add3A_452, %mul3A_485 : i32
      %add3A_487 = arith.constant 2 : i32
      %add3A_488 = arith.addi %mul3A_486, %add3A_487 : i32
      %dma_start3A_489 = arith.constant 1 : i32
      %dma_start3A_490 = arith.constant 2 : i32
      %dma_start3A_491 = arith.constant 0 : i32
      %dma_start3A_492 = arith.constant 0 : i32
      %dma_start3A_493 = tpu.memref_slice %arg11[%dma_start3A_489, %dma_start3A_490, %dma_start3A_491, %dma_start3A_492] : memref<2x4x128x32xf32, #tpu.memory_space<vmem>> -> memref<1x1x128x32xf32, #tpu.memory_space<vmem>>
      %dma_start3A_494 = tpu.memref_squeeze %dma_start3A_493 : memref<1x1x128x32xf32, #tpu.memory_space<vmem>> -> memref<128x32xf32, #tpu.memory_space<vmem>>
      %dma_start3A_495 = arith.constant 0 : i32
      %dma_start3A_496 = tpu.memref_slice %arg10[%add3A_488, %dma_start3A_495] : memref<80x128xi32, #tpu.memory_space<vmem>> -> memref<1x128xi32, #tpu.memory_space<vmem>>
      %dma_start3A_497 = tpu.memref_squeeze %dma_start3A_496 : memref<1x128xi32, #tpu.memory_space<vmem>> -> memref<128xi32, #tpu.memory_space<vmem>>
      %dma_start3A_498 = arith.constant 0 : i32
      %dma_start3A_499 = arith.constant 0 : i32
      %dma_start3A_500 = tpu.memref_slice %arg7[%dma_start3A_498, %dma_start3A_499] : memref<10240x32xf32, #tpu.memory_space<vmem_shared>> -> memref<10240x32xf32, #tpu.memory_space<vmem_shared>>
      tpu.enqueue_indirect_dma source(%dma_start3A_494 : memref<128x32xf32, #tpu.memory_space<vmem>>) target(%dma_start3A_500 : memref<10240x32xf32, #tpu.memory_space<vmem_shared>>) offsets(%dma_start3A_497 : memref<128xi32, #tpu.memory_space<vmem>>) semaphore(%arg13 : memref<!tpu.dma_semaphore, #tpu.memory_space<semaphore_mem>>) {add = true}
      %mul3A_501 = arith.constant 4 : i32
      %mul3A_502 = arith.muli %add3A_452, %mul3A_501 : i32
      %add3A_503 = arith.constant 3 : i32
      %add3A_504 = arith.addi %mul3A_502, %add3A_503 : i32
      %dma_start3A_505 = arith.constant 1 : i32
      %dma_start3A_506 = arith.constant 3 : i32
      %dma_start3A_507 = arith.constant 0 : i32
      %dma_start3A_508 = arith.constant 0 : i32
      %dma_start3A_509 = tpu.memref_slice %arg11[%dma_start3A_505, %dma_start3A_506, %dma_start3A_507, %dma_start3A_508] : memref<2x4x128x32xf32, #tpu.memory_space<vmem>> -> memref<1x1x128x32xf32, #tpu.memory_space<vmem>>
      %dma_start3A_510 = tpu.memref_squeeze %dma_start3A_509 : memref<1x1x128x32xf32, #tpu.memory_space<vmem>> -> memref<128x32xf32, #tpu.memory_space<vmem>>
      %dma_start3A_511 = arith.constant 0 : i32
      %dma_start3A_512 = tpu.memref_slice %arg10[%add3A_504, %dma_start3A_511] : memref<80x128xi32, #tpu.memory_space<vmem>> -> memref<1x128xi32, #tpu.memory_space<vmem>>
      %dma_start3A_513 = tpu.memref_squeeze %dma_start3A_512 : memref<1x128xi32, #tpu.memory_space<vmem>> -> memref<128xi32, #tpu.memory_space<vmem>>
      %dma_start3A_514 = arith.constant 0 : i32
      %dma_start3A_515 = arith.constant 0 : i32
      %dma_start3A_516 = tpu.memref_slice %arg7[%dma_start3A_514, %dma_start3A_515] : memref<10240x32xf32, #tpu.memory_space<vmem_shared>> -> memref<10240x32xf32, #tpu.memory_space<vmem_shared>>
      tpu.enqueue_indirect_dma source(%dma_start3A_510 : memref<128x32xf32, #tpu.memory_space<vmem>>) target(%dma_start3A_516 : memref<10240x32xf32, #tpu.memory_space<vmem_shared>>) offsets(%dma_start3A_513 : memref<128xi32, #tpu.memory_space<vmem>>) semaphore(%arg13 : memref<!tpu.dma_semaphore, #tpu.memory_space<semaphore_mem>>) {add = true}
      %dma_wait3A_517 = arith.constant 0 : i32
      %dma_wait3A_518 = arith.constant 0 : i32
      %dma_wait3A_519 = arith.constant 0 : i32
      %dma_wait3A_520 = arith.constant 0 : i32
      %dma_wait3A_521 = tpu.memref_slice %arg11[%dma_wait3A_517, %dma_wait3A_518, %dma_wait3A_519, %dma_wait3A_520] : memref<2x4x128x32xf32, #tpu.memory_space<vmem>> -> memref<1x1x128x32xf32, #tpu.memory_space<vmem>>
      %dma_wait3A_522 = tpu.memref_squeeze %dma_wait3A_521 : memref<1x1x128x32xf32, #tpu.memory_space<vmem>> -> memref<128x32xf32, #tpu.memory_space<vmem>>
      %dma_wait3A_523 = arith.constant 0 : i32
      %dma_wait3A_524 = arith.constant 0 : i32
      %dma_wait3A_525 = tpu.memref_slice %arg2[%dma_wait3A_523, %dma_wait3A_524] : memref<10240x32xf32, #tpu.memory_space<hbm>> -> memref<128x32xf32, #tpu.memory_space<hbm>>
      %dma_wait3A_526 = arith.constant 0 : i32
      %dma_wait3A_527 = arith.constant 0 : i32
      %dma_wait3A_528 = tpu.memref_slice %arg11[%dma_wait3A_517, %dma_wait3A_518, %dma_wait3A_526, %dma_wait3A_527] : memref<2x4x128x32xf32, #tpu.memory_space<vmem>> -> memref<1x1x128x32xf32, #tpu.memory_space<vmem>>
      %dma_wait3A_529 = tpu.memref_squeeze %dma_wait3A_528 : memref<1x1x128x32xf32, #tpu.memory_space<vmem>> -> memref<128x32xf32, #tpu.memory_space<vmem>>
      %dma_wait3A_530 = arith.constant 0 : i32
      %dma_wait3A_531 = arith.constant 0 : i32
      %dma_wait3A_532 = tpu.memref_slice %arg2[%dma_wait3A_530, %dma_wait3A_531] : memref<10240x32xf32, #tpu.memory_space<hbm>> -> memref<128x32xf32, #tpu.memory_space<hbm>>
      tpu.wait_dma2 semaphore(%arg13 : memref<!tpu.dma_semaphore, #tpu.memory_space<semaphore_mem>>) src(%dma_wait3A_532 : memref<128x32xf32, #tpu.memory_space<hbm>>) dst(%dma_wait3A_529 : memref<128x32xf32, #tpu.memory_space<vmem>>)
      %dma_wait3A_533 = arith.constant 0 : i32
      %dma_wait3A_534 = arith.constant 0 : i32
      %dma_wait3A_535 = arith.constant 0 : i32
      %dma_wait3A_536 = arith.constant 0 : i32
      %dma_wait3A_537 = tpu.memref_slice %arg11[%dma_wait3A_533, %dma_wait3A_534, %dma_wait3A_535, %dma_wait3A_536] : memref<2x4x128x32xf32, #tpu.memory_space<vmem>> -> memref<1x1x128x32xf32, #tpu.memory_space<vmem>>
      %dma_wait3A_538 = tpu.memref_squeeze %dma_wait3A_537 : memref<1x1x128x32xf32, #tpu.memory_space<vmem>> -> memref<128x32xf32, #tpu.memory_space<vmem>>
      %dma_wait3A_539 = arith.constant 0 : i32
      %dma_wait3A_540 = arith.constant 0 : i32
      %dma_wait3A_541 = tpu.memref_slice %arg2[%dma_wait3A_539, %dma_wait3A_540] : memref<10240x32xf32, #tpu.memory_space<hbm>> -> memref<128x32xf32, #tpu.memory_space<hbm>>
      %dma_wait3A_542 = arith.constant 0 : i32
      %dma_wait3A_543 = arith.constant 0 : i32
      %dma_wait3A_544 = tpu.memref_slice %arg11[%dma_wait3A_533, %dma_wait3A_534, %dma_wait3A_542, %dma_wait3A_543] : memref<2x4x128x32xf32, #tpu.memory_space<vmem>> -> memref<1x1x128x32xf32, #tpu.memory_space<vmem>>
      %dma_wait3A_545 = tpu.memref_squeeze %dma_wait3A_544 : memref<1x1x128x32xf32, #tpu.memory_space<vmem>> -> memref<128x32xf32, #tpu.memory_space<vmem>>
      %dma_wait3A_546 = arith.constant 0 : i32
      %dma_wait3A_547 = arith.constant 0 : i32
      %dma_wait3A_548 = tpu.memref_slice %arg2[%dma_wait3A_546, %dma_wait3A_547] : memref<10240x32xf32, #tpu.memory_space<hbm>> -> memref<128x32xf32, #tpu.memory_space<hbm>>
      tpu.wait_dma2 semaphore(%arg13 : memref<!tpu.dma_semaphore, #tpu.memory_space<semaphore_mem>>) src(%dma_wait3A_548 : memref<128x32xf32, #tpu.memory_space<hbm>>) dst(%dma_wait3A_545 : memref<128x32xf32, #tpu.memory_space<vmem>>)
      %dma_wait3A_549 = arith.constant 0 : i32
      %dma_wait3A_550 = arith.constant 0 : i32
      %dma_wait3A_551 = arith.constant 0 : i32
      %dma_wait3A_552 = arith.constant 0 : i32
      %dma_wait3A_553 = tpu.memref_slice %arg11[%dma_wait3A_549, %dma_wait3A_550, %dma_wait3A_551, %dma_wait3A_552] : memref<2x4x128x32xf32, #tpu.memory_space<vmem>> -> memref<1x1x128x32xf32, #tpu.memory_space<vmem>>
      %dma_wait3A_554 = tpu.memref_squeeze %dma_wait3A_553 : memref<1x1x128x32xf32, #tpu.memory_space<vmem>> -> memref<128x32xf32, #tpu.memory_space<vmem>>
      %dma_wait3A_555 = arith.constant 0 : i32
      %dma_wait3A_556 = arith.constant 0 : i32
      %dma_wait3A_557 = tpu.memref_slice %arg2[%dma_wait3A_555, %dma_wait3A_556] : memref<10240x32xf32, #tpu.memory_space<hbm>> -> memref<128x32xf32, #tpu.memory_space<hbm>>
      %dma_wait3A_558 = arith.constant 0 : i32
      %dma_wait3A_559 = arith.constant 0 : i32
      %dma_wait3A_560 = tpu.memref_slice %arg11[%dma_wait3A_549, %dma_wait3A_550, %dma_wait3A_558, %dma_wait3A_559] : memref<2x4x128x32xf32, #tpu.memory_space<vmem>> -> memref<1x1x128x32xf32, #tpu.memory_space<vmem>>
      %dma_wait3A_561 = tpu.memref_squeeze %dma_wait3A_560 : memref<1x1x128x32xf32, #tpu.memory_space<vmem>> -> memref<128x32xf32, #tpu.memory_space<vmem>>
      %dma_wait3A_562 = arith.constant 0 : i32
      %dma_wait3A_563 = arith.constant 0 : i32
      %dma_wait3A_564 = tpu.memref_slice %arg2[%dma_wait3A_562, %dma_wait3A_563] : memref<10240x32xf32, #tpu.memory_space<hbm>> -> memref<128x32xf32, #tpu.memory_space<hbm>>
      tpu.wait_dma2 semaphore(%arg13 : memref<!tpu.dma_semaphore, #tpu.memory_space<semaphore_mem>>) src(%dma_wait3A_564 : memref<128x32xf32, #tpu.memory_space<hbm>>) dst(%dma_wait3A_561 : memref<128x32xf32, #tpu.memory_space<vmem>>)
      %dma_wait3A_565 = arith.constant 0 : i32
      %dma_wait3A_566 = arith.constant 0 : i32
      %dma_wait3A_567 = arith.constant 0 : i32
      %dma_wait3A_568 = arith.constant 0 : i32
      %dma_wait3A_569 = tpu.memref_slice %arg11[%dma_wait3A_565, %dma_wait3A_566, %dma_wait3A_567, %dma_wait3A_568] : memref<2x4x128x32xf32, #tpu.memory_space<vmem>> -> memref<1x1x128x32xf32, #tpu.memory_space<vmem>>
      %dma_wait3A_570 = tpu.memref_squeeze %dma_wait3A_569 : memref<1x1x128x32xf32, #tpu.memory_space<vmem>> -> memref<128x32xf32, #tpu.memory_space<vmem>>
      %dma_wait3A_571 = arith.constant 0 : i32
      %dma_wait3A_572 = arith.constant 0 : i32
      %dma_wait3A_573 = tpu.memref_slice %arg2[%dma_wait3A_571, %dma_wait3A_572] : memref<10240x32xf32, #tpu.memory_space<hbm>> -> memref<128x32xf32, #tpu.memory_space<hbm>>
      %dma_wait3A_574 = arith.constant 0 : i32
      %dma_wait3A_575 = arith.constant 0 : i32
      %dma_wait3A_576 = tpu.memref_slice %arg11[%dma_wait3A_565, %dma_wait3A_566, %dma_wait3A_574, %dma_wait3A_575] : memref<2x4x128x32xf32, #tpu.memory_space<vmem>> -> memref<1x1x128x32xf32, #tpu.memory_space<vmem>>
      %dma_wait3A_577 = tpu.memref_squeeze %dma_wait3A_576 : memref<1x1x128x32xf32, #tpu.memory_space<vmem>> -> memref<128x32xf32, #tpu.memory_space<vmem>>
      %dma_wait3A_578 = arith.constant 0 : i32
      %dma_wait3A_579 = arith.constant 0 : i32
      %dma_wait3A_580 = tpu.memref_slice %arg2[%dma_wait3A_578, %dma_wait3A_579] : memref<10240x32xf32, #tpu.memory_space<hbm>> -> memref<128x32xf32, #tpu.memory_space<hbm>>
      tpu.wait_dma2 semaphore(%arg13 : memref<!tpu.dma_semaphore, #tpu.memory_space<semaphore_mem>>) src(%dma_wait3A_580 : memref<128x32xf32, #tpu.memory_space<hbm>>) dst(%dma_wait3A_577 : memref<128x32xf32, #tpu.memory_space<vmem>>)
    }
    %scan3A_110 = arith.constant 10 : i32
    %barrier3A_111 = arith.constant 0 : index
    tpu.barrier barrier_id(%barrier3A_111)
    %mul3A_112 = arith.constant 640 : i32
    %mul3A_113 = arith.muli %arg1, %mul3A_112 : i32
    %mul3A_114 = arith.constant 640 : i32
    %mul3A_115 = arith.muli %arg1, %mul3A_114 : i32
    "tpu.region"() ({
      %run_scoped3A = tpu.sem_alloc : memref<!tpu.dma_semaphore, #tpu.memory_space<semaphore_mem>>
      %dma_start3A_116 = arith.constant 0 : i32
      %dma_start3A_117 = tpu.memref_slice %arg6[%arg0, %mul3A_115, %dma_start3A_116] : memref<2x10240x32xf32, #tpu.memory_space<hbm>> -> memref<1x640x32xf32, #tpu.memory_space<hbm>>
      %dma_start3A_118 = tpu.memref_squeeze %dma_start3A_117 : memref<1x640x32xf32, #tpu.memory_space<hbm>> -> memref<640x32xf32, #tpu.memory_space<hbm>>
      %dma_start3A_119 = arith.constant 0 : i32
      %dma_start3A_120 = tpu.memref_slice %arg7[%mul3A_113, %dma_start3A_119] : memref<10240x32xf32, #tpu.memory_space<vmem_shared>> -> memref<640x32xf32, #tpu.memory_space<vmem_shared>>
      tpu.enqueue_dma source(%dma_start3A_120 : memref<640x32xf32, #tpu.memory_space<vmem_shared>>) target(%dma_start3A_118 : memref<640x32xf32, #tpu.memory_space<hbm>>) target_semaphore(%run_scoped3A : memref<!tpu.dma_semaphore, #tpu.memory_space<semaphore_mem>>)
      %dma_wait3A_121 = arith.constant 0 : i32
      %dma_wait3A_122 = tpu.memref_slice %arg6[%arg0, %mul3A_115, %dma_wait3A_121] : memref<2x10240x32xf32, #tpu.memory_space<hbm>> -> memref<1x640x32xf32, #tpu.memory_space<hbm>>
      %dma_wait3A_123 = tpu.memref_squeeze %dma_wait3A_122 : memref<1x640x32xf32, #tpu.memory_space<hbm>> -> memref<640x32xf32, #tpu.memory_space<hbm>>
      %dma_wait3A_124 = arith.constant 0 : i32
      %dma_wait3A_125 = tpu.memref_slice %arg7[%mul3A_113, %dma_wait3A_124] : memref<10240x32xf32, #tpu.memory_space<vmem_shared>> -> memref<640x32xf32, #tpu.memory_space<vmem_shared>>
      tpu.wait_dma2 semaphore(%run_scoped3A : memref<!tpu.dma_semaphore, #tpu.memory_space<semaphore_mem>>) src(%dma_wait3A_125 : memref<640x32xf32, #tpu.memory_space<vmem_shared>>) dst(%dma_wait3A_123 : memref<640x32xf32, #tpu.memory_space<hbm>>)
      tpu.yield
    }) : () -> ()
    return
  }
}

module attributes {stable_mosaic.version = 14 : i64} {
  func.func @body(%arg0: memref<2x320000xi32, #tpu.memory_space<vmem>>, %arg1: memref<2x327680xi32, #tpu.memory_space<vmem>>) attributes {dimension_semantics = [], scalar_prefetch = 0 : i64, scratch_operands = 0 : i64, tpu.core_type = #tpu.core_type<tc>} {
    %get3A = arith.constant 0 : index
    %get3A_0 = arith.constant 0 : index
    %get3A_1 = vector.load %arg0[%get3A, %get3A_0] : memref<2x320000xi32, #tpu.memory_space<vmem>>, vector<2x320000xi32>
    %swap3A = arith.constant 0 : index
    %swap3A_2 = arith.constant 0 : index
    %swap3A_3 = vector.load %arg1[%swap3A, %swap3A_2] : memref<2x327680xi32, #tpu.memory_space<vmem>>, vector<2x320000xi32>
    tpu.vector_store %arg1[%swap3A, %swap3A_2], %get3A_1 {strides = array<i32>} : memref<2x327680xi32, #tpu.memory_space<vmem>>, vector<2x320000xi32>,
    %broadcast_in_dim3A = arith.constant 10100 : i32
    %broadcast_in_dim3A_4 = vector.broadcast %broadcast_in_dim3A : i32 to vector<2x7680xi32>
    %swap3A_5 = arith.constant 0 : index
    %swap3A_6 = arith.constant 320000 : index
    %swap3A_7 = vector.load %arg1[%swap3A_5, %swap3A_6] : memref<2x327680xi32, #tpu.memory_space<vmem>>, vector<2x7680xi32>
    tpu.vector_store %arg1[%swap3A_5, %swap3A_6], %broadcast_in_dim3A_4 {strides = array<i32>} : memref<2x327680xi32, #tpu.memory_space<vmem>>, vector<2x7680xi32>,
    return
  }
}

module attributes {stable_mosaic.version = 14 : i64} {
  func.func @body(%arg0: i32, %arg1: memref<512x128xf32, #tpu.memory_space<vmem>>, %arg2: memref<128x32xf32, #tpu.memory_space<vmem>>, %arg3: memref<2x512x32xf32, #tpu.memory_space<vmem>>, %arg4: memref<512x32xf32, #tpu.memory_space<vmem>>, %arg5: memref<512x32xf32, #tpu.memory_space<vmem>>, %arg6: memref<512x32xf32, #tpu.memory_space<vmem>>) attributes {dimension_semantics = [#tpu.dimension_semantics<arbitrary>], iteration_bounds = array<i64: 20>, scalar_prefetch = 0 : i64, scratch_operands = 0 : i64, tpu.core_type = #tpu.core_type<tc>, window_params = [{transform_indices = @transform_0, window_bounds = array<i64: 512, 128>}, {pipeline_mode = #tpu.pipeline_mode<synchronous>, transform_indices = @transform_1, window_bounds = array<i64: 128, 32>}, {transform_indices = @transform_2, window_bounds = array<i64: 2, 512, 32>}, {transform_indices = @transform_3, window_bounds = array<i64: 512, 32>}, {transform_indices = @transform_4, window_bounds = array<i64: 512, 32>}, {transform_indices = @transform_5, window_bounds = array<i64: 512, 32>}]} {
    %get3A = arith.constant 0 : index
    %get3A_0 = arith.constant 0 : index
    %get3A_1 = vector.load %arg1[%get3A, %get3A_0] : memref<512x128xf32, #tpu.memory_space<vmem>>, vector<512x128xf32>
    %get3A_2 = arith.constant 0 : index
    %get3A_3 = arith.constant 0 : index
    %get3A_4 = vector.load %arg2[%get3A_2, %get3A_3] : memref<128x32xf32, #tpu.memory_space<vmem>>, vector<128x32xf32>
    %dot_general3A = arith.constant dense<0.000000e+00> : vector<512x32xf32>
    %dot_general3A_5 = tpu.matmul %get3A_1, %get3A_4, %dot_general3A {dimension_numbers = #tpu.dot_dimension_numbers<[1], [0], [0], [1], [0, 0, 1, 1], [], []>, precision = #tpu.contract_precision<fp32>, transpose_lhs_hint = false} : vector<512x128xf32>, vector<128x32xf32>, vector<512x32xf32> -> vector<512x32xf32>
    %get3A_6 = arith.constant 0 : index
    %get3A_7 = arith.constant 0 : index
    %get3A_8 = arith.constant 0 : index
    %get3A_9 = vector.load %arg3[%get3A_6, %get3A_7, %get3A_8] : memref<2x512x32xf32, #tpu.memory_space<vmem>>, vector<1x512x1xf32>
    %get3A_10 = vector.shape_cast %get3A_9 : vector<1x512x1xf32> to vector<512x1xf32>
    %get3A_11 = arith.constant 1 : index
    %get3A_12 = arith.constant 0 : index
    %get3A_13 = arith.constant 0 : index
    %get3A_14 = vector.load %arg3[%get3A_11, %get3A_12, %get3A_13] : memref<2x512x32xf32, #tpu.memory_space<vmem>>, vector<1x512x1xf32>
    %get3A_15 = vector.shape_cast %get3A_14 : vector<1x512x1xf32> to vector<512x1xf32>
    %add3A = arith.addf %get3A_10, %get3A_15 : vector<512x1xf32>
    %mul3A = arith.constant 512 : i32
    %mul3A_16 = arith.muli %arg0, %mul3A : i32
    %iota3A = tpu.iota {dimensions = array<i32: 0>} : vector<512x1xi32>
    %add3A_17 = vector.broadcast %mul3A_16 : i32 to vector<512x1xi32>
    %add3A_18 = arith.addi %add3A_17, %iota3A : vector<512x1xi32>
    %lt3A = arith.constant 10000 : i32
    %lt3A_19 = vector.broadcast %lt3A : i32 to vector<512x1xi32>
    %lt3A_20 = arith.cmpi slt, %add3A_18, %lt3A_19 : vector<512x1xi32>
    %max3A = arith.constant 1.000000e+00 : f32
    %max3A_21 = vector.broadcast %max3A : f32 to vector<512x1xf32>
    %max3A_22 = arith.maximumf %add3A, %max3A_21 : vector<512x1xf32>
    %rsqrt3A = math.rsqrt %max3A_22 : vector<512x1xf32>
    %jit3A = arith.constant 0.000000e+00 : f32
    %broadcast_in_dim3A = vector.broadcast %jit3A : f32 to vector<512x1xf32>
    %select_n3A = arith.select %lt3A_20, %rsqrt3A, %broadcast_in_dim3A : vector<512x1xi1>, vector<512x1xf32>
    %mul3A_23 = vector.broadcast %select_n3A : vector<512x1xf32> to vector<512x32xf32>
    %mul3A_24 = arith.mulf %mul3A_23, %dot_general3A_5 : vector<512x32xf32>
    %swap3A = arith.constant 0 : index
    %swap3A_25 = arith.constant 0 : index
    %swap3A_26 = vector.load %arg4[%swap3A, %swap3A_25] : memref<512x32xf32, #tpu.memory_space<vmem>>, vector<512x32xf32>
    tpu.vector_store %arg4[%swap3A, %swap3A_25], %mul3A_24 {strides = array<i32>} : memref<512x32xf32, #tpu.memory_space<vmem>>, vector<512x32xf32>,
    %broadcast_in_dim3A_27 = vector.shape_cast %select_n3A : vector<512x1xf32> to vector<512x1xf32>
    %broadcast_in_dim3A_28 = vector.broadcast %broadcast_in_dim3A_27 : vector<512x1xf32> to vector<512x32xf32>
    %swap3A_29 = arith.constant 0 : index
    %swap3A_30 = arith.constant 0 : index
    %swap3A_31 = vector.load %arg5[%swap3A_29, %swap3A_30] : memref<512x32xf32, #tpu.memory_space<vmem>>, vector<512x32xf32>
    tpu.vector_store %arg5[%swap3A_29, %swap3A_30], %broadcast_in_dim3A_28 {strides = array<i32>} : memref<512x32xf32, #tpu.memory_space<vmem>>, vector<512x32xf32>,
    %mul3A_32 = arith.mulf %select_n3A, %select_n3A : vector<512x1xf32>
    %broadcast_in_dim3A_33 = vector.shape_cast %mul3A_32 : vector<512x1xf32> to vector<512x1xf32>
    %broadcast_in_dim3A_34 = vector.broadcast %broadcast_in_dim3A_33 : vector<512x1xf32> to vector<512x32xf32>
    %swap3A_35 = arith.constant 0 : index
    %swap3A_36 = arith.constant 0 : index
    %swap3A_37 = vector.load %arg6[%swap3A_35, %swap3A_36] : memref<512x32xf32, #tpu.memory_space<vmem>>, vector<512x32xf32>
    tpu.vector_store %arg6[%swap3A_35, %swap3A_36], %broadcast_in_dim3A_34 {strides = array<i32>} : memref<512x32xf32, #tpu.memory_space<vmem>>, vector<512x32xf32>,
    return
  }
  func.func @transform_0(%arg0: i32) -> (i32, i32) {
    %c0_i32 = arith.constant 0 : i32
    %c0_i32_0 = arith.constant 0 : i32
    return %arg0, %c0_i32 : i32, i32
  }
  func.func @transform_1(%arg0: i32) -> (i32, i32) {
    %c0_i32 = arith.constant 0 : i32
    %c0_i32_0 = arith.constant 0 : i32
    %c0_i32_1 = arith.constant 0 : i32
    return %c0_i32, %c0_i32_0 : i32, i32
  }
  func.func @transform_2(%arg0: i32) -> (i32, i32, i32) {
    %c0_i32 = arith.constant 0 : i32
    %c0_i32_0 = arith.constant 0 : i32
    %c0_i32_1 = arith.constant 0 : i32
    return %c0_i32, %arg0, %c0_i32_0 : i32, i32, i32
  }
  func.func @transform_3(%arg0: i32) -> (i32, i32) {
    %c0_i32 = arith.constant 0 : i32
    %c0_i32_0 = arith.constant 0 : i32
    return %arg0, %c0_i32 : i32, i32
  }
  func.func @transform_4(%arg0: i32) -> (i32, i32) {
    %c0_i32 = arith.constant 0 : i32
    %c0_i32_0 = arith.constant 0 : i32
    return %arg0, %c0_i32 : i32, i32
  }
  func.func @transform_5(%arg0: i32) -> (i32, i32) {
    %c0_i32 = arith.constant 0 : i32
    %c0_i32_0 = arith.constant 0 : i32
    return %arg0, %c0_i32 : i32, i32
  }
}

module attributes {stable_mosaic.version = 14 : i64} {
  func.func @body(%arg0: memref<10240x32xf32, #tpu.memory_space<vmem>>, %arg1: memref<10240x32xf32, #tpu.memory_space<vmem>>, %arg2: memref<10240x32xf32, #tpu.memory_space<vmem>>, %arg3: memref<1x32xf32, #tpu.memory_space<vmem>>, %arg4: memref<10240x32xf32, #tpu.memory_space<vmem>>) attributes {dimension_semantics = [], scalar_prefetch = 0 : i64, scratch_operands = 0 : i64, tpu.core_type = #tpu.core_type<tc>} {
    %get3A = arith.constant 0 : index
    %get3A_0 = arith.constant 0 : index
    %get3A_1 = vector.load %arg0[%get3A, %get3A_0] : memref<10240x32xf32, #tpu.memory_space<vmem>>, vector<10240x32xf32>
    %get3A_2 = arith.constant 0 : index
    %get3A_3 = arith.constant 0 : index
    %get3A_4 = vector.load %arg1[%get3A_2, %get3A_3] : memref<10240x32xf32, #tpu.memory_space<vmem>>, vector<10240x32xf32>
    %get3A_5 = arith.constant 0 : index
    %get3A_6 = arith.constant 0 : index
    %get3A_7 = vector.load %arg2[%get3A_5, %get3A_6] : memref<10240x32xf32, #tpu.memory_space<vmem>>, vector<10240x32xf32>
    %add3A = arith.addf %get3A_4, %get3A_7 : vector<10240x32xf32>
    %mul3A = arith.mulf %get3A_1, %add3A : vector<10240x32xf32>
    %get3A_8 = arith.constant 0 : index
    %get3A_9 = arith.constant 0 : index
    %get3A_10 = vector.load %arg3[%get3A_8, %get3A_9] : memref<1x32xf32, #tpu.memory_space<vmem>>, vector<1x32xf32>
    %add3A_11 = vector.broadcast %get3A_10 : vector<1x32xf32> to vector<10240x32xf32>
    %add3A_12 = arith.addf %mul3A, %add3A_11 : vector<10240x32xf32>
    %swap3A = arith.constant 0 : index
    %swap3A_13 = arith.constant 0 : index
    %swap3A_14 = vector.load %arg4[%swap3A, %swap3A_13] : memref<10240x32xf32, #tpu.memory_space<vmem>>, vector<10240x32xf32>
    tpu.vector_store %arg4[%swap3A, %swap3A_13], %add3A_12 {strides = array<i32>} : memref<10240x32xf32, #tpu.memory_space<vmem>>, vector<10240x32xf32>,
    return
  }
}

</mosaic_0001>

<sc_bundles>
// kernel: kernel.12.cloned.1.call-start
scs
__scs_entry_jumppad:
0x0: {  	(pc) =	sbr.rel $0x88, $3  }
0x1: {  	(tag) =	ssettag $0x0;
	lr =	simm.s32 $0x1  }
0x2: {  	[smem:$0x3F9D] =	sst lr;
	_ =	strace $0xD0000000  }
0x3: {  	_ = 	snop  }
0x4: {  	_ = 	snop  }
0x5: {  	_ = 	snop  }
0x6: {  	_ = 	snop  }
0x7: {  	_ = 	snop  }
__scs_overlays_trampoline_lowered:
0x8: {  	[smem:$0x3FAC] =	sst s0  }
0x9: {  	[smem:$0x3FAD] =	sst s1  }
0xa: {  	[smem:$0x3FAE] =	sst s2  }
0xb: {  	[smem:$0x3FAF] =	sst s3  }
0xc: {  	[smem:$0x3FB0] =	sst s4  }
0xd: {  	[smem:$0x3FB1] =	sst s5  }
0xe: {  	[smem:$0x3FB2] =	sst s6  }
0xf: {  	[smem:$0x3FB3] =	sst s7  }
0x10: {  	[smem:$0x3FB4] =	sst s8  }
0x11: {  	[smem:$0x3FB5] =	sst s9;
	s0 =	simm.s32 @!p0 $0x0  }
0x12: {  	s1 =	sld [smem:$0x3F9B];
	s0 =	simm.s32 @p0 $0x1  }
0x13: {  	[smem:$0x3FB6] =	sst s0;
	s0 =	simm.s32 @!p1 $0x0  }
0x14: {  	s2 =	sld [smem:$0x3F9A];
	s0 =	simm.s32 @p1 $0x1  }
0x15: {  	[smem:$0x3FB7] =	sst s0;
	s0 =	simm.s32 @!p2 $0x0  }
0x16: {  	s3 =	sld [smem:$0x3FDB];
	s0 =	simm.s32 @p2 $0x1  }
0x17: {  	s4 =	simm.s32 $0x1BF5;
	[smem:$0x3FB9] =	sst s0  }
0x18: {  	s0 =	sld [smem:$0x3F9C];
	_ =	swait.ge [sflag:s4], $0x0  }
0x19: {  	s7 =	sld [smem:$0x3F9D]  }
0x1a: {  	s8 =	sadd.s32 $0xFFFFE003, lr  }
0x1b: {  	s9 =	sadd.s32 $0xFFFFFEF7, lr;
	s5 =	simm.s32 $0xFFFFFFFF;
	p2 =	slt.u32 s8, $0xFFFFF086  }
0x1c: {  	p1 =	slt.u32 s9, $0xF7A;
	s5 =	simm.s32 @!p2 $0x0  }
0x1d: {  	s5 =	simm.s32 @p1 $0x1;
	p0 =	seq.s32 s7, s2  }
0x1e: {  	s7 =	smul.u32 @!p0 $0xF7A, s2;
	p2 =	seq.s32 @!p0 s5, $0x0  }
0x1f: {  	s9 =	smul.u32 $0xF7A, s1;
	s8 =	simm.s32 @!p0 $0x1BF5;
	p2 =	por !p2, p0  }
0x20: {  	[sflag:s8] =	ssyncset.s32 @!p0 $0xFFFFF086;
	s6 =	sadd.s32 @!p0 s3, s7;
	s7 =	simm.s32 @!p0 $0x108  }
0x21: {  	s3 =	sadd.s32 s3, s9;
	s6 =	sadd.s32 @!p0 $0x88, s6;
	s7 =	simm.s32 @p2 $0x1082  }
0x22: {  	[simem:s7], [sflag:s8] =	dma.local @!p0 [hbm:s6], $0xF7A  }
0x23: {  	s9 =	sor.u32 $0xD0000000, s2;
	s6 =	simm.s32 $0x108;
	_ =	swait.ge @!p0 [sflag:s8], $0x0  }
0x24: {  	s3 =	sadd.s32 $0x88, s3;
	s6 =	simm.s32 @!p1 $0x1082;
	[sflag:s4] =	ssyncset.s32 $0xFFFFF086  }
0x25: {  	[simem:s6], [sflag:s4] =	dma.local [hbm:s3], $0xF7A  }
0x26: {  	[smem:$0x3F9D] =	sst s1;
	(tag) =	ssettag s2;
	_ =	strace s9  }
0x27: {  	s1 =	sld [smem:$0x3FAD]  }
0x28: {  	s2 =	sld [smem:$0x3FAE]  }
0x29: {  	s4 =	sld [smem:$0x3FB0]  }
0x2a: {  	p0 =	seq.s32 s5, $0x0;
	s5 =	sld [smem:$0x3FB1]  }
0x2b: {  	s6 =	sld [smem:$0x3FB2]  }
0x2c: {  	s7 =	sld [smem:$0x3FB3]  }
0x2d: {  	s3 =	simm.s32 $0x108;
	s8 =	sld [smem:$0x3FB4]  }
0x2e: {  	s3 =	simm.s32 @!p0 $0x1082;
	s9 =	sld [smem:$0x3FB5]  }
0x2f: {  	lr =	sadd.s32 s0, s3;
	s0 =	sld [smem:$0x3FAC]  }
0x30: {  	s3 =	sld [smem:$0x3FAF]  }
0x31: {  	[smem:$0x3FB8] =	sst s10  }
0x32: {  	s10 =	sld [smem:$0x3FB6];
	_ =	sdelay $0x3  }
0x33: {  	p0 =	seq.s32 s10, $0x1;
	s10 =	sld [smem:$0x3FB8];
	_ =	sdelay $0x3  }
0x34: {  	[smem:$0x3FB8] =	sst s10  }
0x35: {  	s10 =	sld [smem:$0x3FB7];
	_ =	sdelay $0x3  }
0x36: {  	p1 =	seq.s32 s10, $0x1;
	s10 =	sld [smem:$0x3FB8];
	_ =	sdelay $0x3  }
0x37: {  	[smem:$0x3FB8] =	sst s10  }
0x38: {  	s10 =	sld [smem:$0x3FB9]  }
0x39: {  	_ = 	snop;
	(pc) =	sbr.ind lr, $3  }
0x3a: {  	_ = 	snop  }
0x3b: {  	_ = 	snop  }
0x3c: {  	p2 =	seq.s32 s10, $0x1;
	s10 =	sld [smem:$0x3FB8]  }
0x3d: {  	_ =	shalt  }
0x3e: {  	_ =	shalt  }
0x3f: {  	_ =	shalt  }
0x40: {  	_ =	shalt  }
0x41: {  	_ =	shalt  }
0x42: {  	_ =	shalt  }
0x43: {  	_ =	shalt  }
0x44: {  	_ =	shalt  }
0x45: {  	_ =	shalt  }
0x46: {  	_ =	shalt  }
0x47: {  	_ =	shalt  }
0x48: {  	_ =	shalt  }
0x49: {  	_ =	shalt  }
0x4a: {  	_ =	shalt  }
0x4b: {  	_ =	shalt  }
0x4c: {  	_ =	shalt  }
0x4d: {  	_ =	shalt  }
0x4e: {  	_ =	shalt  }
0x4f: {  	_ =	shalt  }
0x50: {  	_ =	shalt  }
0x51: {  	_ =	shalt  }
0x52: {  	_ =	shalt  }
0x53: {  	_ =	shalt  }
0x54: {  	_ =	shalt  }
0x55: {  	_ =	shalt  }
0x56: {  	_ =	shalt  }
0x57: {  	_ =	shalt  }
0x58: {  	_ =	shalt  }
0x59: {  	_ =	shalt  }
0x5a: {  	_ =	shalt  }
0x5b: {  	_ =	shalt  }
0x5c: {  	_ =	shalt  }
0x5d: {  	_ =	shalt  }
0x5e: {  	_ =	shalt  }
0x5f: {  	_ =	shalt  }
0x60: {  	_ =	shalt  }
0x61: {  	_ =	shalt  }
0x62: {  	_ =	shalt  }
0x63: {  	_ =	shalt  }
0x64: {  	_ =	shalt  }
0x65: {  	_ =	shalt  }
0x66: {  	_ =	shalt  }
0x67: {  	_ =	shalt  }
0x68: {  	_ =	shalt  }
0x69: {  	_ =	shalt  }
0x6a: {  	_ =	shalt  }
0x6b: {  	_ =	shalt  }
0x6c: {  	_ =	shalt  }
0x6d: {  	_ =	shalt  }
0x6e: {  	_ =	shalt  }
0x6f: {  	_ =	shalt  }
0x70: {  	_ =	shalt  }
0x71: {  	_ =	shalt  }
0x72: {  	_ =	shalt  }
0x73: {  	_ =	shalt  }
0x74: {  	_ =	shalt  }
0x75: {  	_ =	shalt  }
0x76: {  	_ =	shalt  }
0x77: {  	_ =	shalt  }
0x78: {  	_ =	shalt  }
0x79: {  	_ =	shalt  }
0x7a: {  	_ =	shalt  }
0x7b: {  	_ =	shalt  }
0x7c: {  	_ =	shalt  }
0x7d: {  	_ =	shalt  }
0x7e: {  	_ =	shalt  }
0x7f: {  	_ =	shalt  }
0x80: {  	_ =	shalt  }
0x81: {  	_ =	shalt  }
0x82: {  	_ =	shalt  }
0x83: {  	_ =	shalt  }
0x84: {  	_ =	shalt  }
0x85: {  	_ =	shalt  }
0x86: {  	_ =	shalt  }
0x87: {  	_ =	shalt  }
.Lfunc_end0:
.L_simem_size_0:
called_computation.1_lowered:
.L_overlay_start_0:
0x88: {  	s2 =	sld [smem:$0x3FD9]  }
0x89: {  	s3 =	sld [smem:$0x3FFE];
	_ =	sdelay $0x1  }
0x8a: {  	s1 =	srdreg.scid  }
0x8b: {  	s0 =	sand.u32 $0x1, s1  }
0x8c: {  	s16 =	sshll.u32 s0, $0xA;
	s2 =	sadd.s32 s3, s2  }
0x8d: {  	s2 =	sadd.s32 s2, s16  }
0x8e: {  	[smem:$0x3FC4] =	sst s2  }
0x8f: {  	_ = 	snop  }
0x90: {  	(tm) =	ssettm $0x1  }
0x91: {  	s17 =	sld [smem:$0x3FFB];
	_ =	sdelay $0x3  }
0x92: {  	_ =	strace s17  }
0x93: {  	s2 =	sld [smem:$0x3FFC];
	_ =	sdelay $0x3  }
0x94: {  	_ =	strace s2  }
0x95: {  	s2 =	sld [smem:$0x3FFD];
	_ =	sdelay $0x3  }
0x96: {  	_ =	strace s2  }
0x97: {  	_ =	strace $0x8FFFFFFF  }
0x98: {  	s18 =	sld [smem:$0x3FDB];
	_ =	sdelay $0x1  }
0x99: {  	s19 =	simm.s32 $_scs_section_size  }
0x9a: {  	s4 =	simm.s32 $_size__tile_overlayer_lowered;
	s5 =	simm.s32 $_tile_overlayer_lowered  }
0x9b: {  	s22 =	simm.s32 $0x1BFF;
	s21 =	sshll.u32 s5, $0x1;
	s2 =	sadd.s32 s19, s18  }
0x9c: {  	s6 =	simm.s32 $0x0;
	s20 =	sshll.u32 s4, $0x1;
	s4 =	sadd.s32 s21, s2  }
0x9d: {  	[timem:s6], [sflag:s22] =	dma.local [hbm:s4], s20  }
0x9e: {  	_ =	swait.ge [sflag:s22], s20  }
0x9f: {  	s3 =	ssub.s32 $0x0, s20;
	[sflag:s22] =	ssyncset.done $0x0  }
0xa0: {  	[sflag:s22] =	ssyncadd.s32 s3;
	_ =	sdelay $0x1  }
0xa1: {  	s23 =	simm.s32 $0x1B8B  }
0xa2: {  	_ =	swait.ge [sflag:s23], $0x1  }
0xa3: {  	[sflag:s23] =	ssyncset.done $0x0  }
0xa4: {  	s25 =	simm.s32 $0x1B8E;
	s24 =	sld [smem:$0x3FFE];
	[sflag:s23] =	ssyncadd.s32 $0xFFFFFFFF  }
0xa5: {  	s26 =	simm.s32 $execute0_lowered;
	[smem:$0x3FD2] =	sst s25  }
0xa6: {  	s4 =	sshll.u32 s26, $0x1;
	_ =	strace $0x80000049;
	[dreg:$0x1] =	wrdreg $0xFFFFFFFF  }
0xa7: {  	s28 =	simm.s32 $_size_execute0_lowered;
	s2 =	sadd.s32 s2, s4;
	[dreg:$0x0] =	wrdreg $0x0  }
0xa8: {  	s4 =	sshll.u32 s28, $0x1;
	[dreg:$0x2] =	wrdreg s2  }
0xa9: {  	[dreg:$0x3] =	wrdreg s4  }
0xaa: {  	[dreg:$0x4] =	wrdreg $0xC0  }
0xab: {  	_ =	task [dreg:s6], $0x5FFFF  }
0xac: {  	[dreg:$0x1] =	wrdreg $0xFFFFFFFF  }
0xad: {  	[dreg:$0x0] =	wrdreg $0x60  }
0xae: {  	[dreg:$0x2] =	wrdreg s24  }
0xaf: {  	[dreg:$0x3] =	wrdreg $0x0  }
0xb0: {  	[dreg:$0x4] =	wrdreg $0x50000  }
0xb1: {  	[dreg:$0x5] =	wrdreg $0x9  }
0xb2: {  	_ =	task.clear_ibuf [dreg:s6], $0x6FFFF;
	_ =	strace $0x90000049  }
0xb3: {  	s29 =	simm.s32 $0x9;
	_ =	strace $0x8000004B  }
0xb4: {  	_ =	swait.ge [sflag:s29], $0x1  }
0xb5: {  	[sflag:s29] =	ssyncadd.s32 $0xFFFFFFFF  }
0xb6: {  	_ =	strace $0x9000004B  }
0xb7: {  	_ =	sfence  }
0xb8: {  	s30 =	sld [smem:$0x0];
	_ =	sdelay $0x2  }
0xb9: {  	s31 =	sshll.u32 s1, $0xD;
	s1 =	sshrl.u32 s1, $0x2  }
0xba: {  	s3 =	sand.u32 $0x4000, s31;
	s1 =	sadd.s32 s1, s30  }
0xbb: {  	s0 =	sor.u32 s3, s0;
	s1 =	sshll.u32 s1, $0x11  }
0xbc: {  	s0 =	sor.u32 s1, s0  }
0xbd: {  	s0 =	sadd.s32 $0x8F2B, s0  }
0xbe: {  	[sflag:s0] =	ssyncadd.remote.s32 $0x1  }
0xbf: {  	_ =	sfence.sel $0xFFFF  }
0xc0: {  	[dreg:$0x0] =	wrdreg $0xFFFFFFFF;
	(pc) =	sbr.abs _section_cstart, $3  }
0xc1: {  	[dreg:$0x1] =	wrdreg $0xFFFFFFFF  }
0xc2: {  	_ =	task.clear_ibuf [dreg:s6], $0x2FFFF;
	_ =	strace $0x9FFFFFFF  }
0xc3: {  	(tm) =	ssettm $0x7FFFFFFF  }
tec
execute0_lowered:
.L_overlay_start_1:
0x0: {  	(tag) =	ssettag $0x1  }
0x1: {  	s0 =	rddreg [dreg:$0x0]  }
0x2: {  	s2 =	rddreg [dreg:$0x1]  }
0x3: {  	s3 =	rddreg [dreg:$0x2]  }
0x4: {  	s4 =	stileid.u32;
	s1 =	srdreg.scid;
	s5 =	simm.s32 $0x0  }
0x5: {  	s15 =	simm.s32 $0xA000;
	s17 =	simm.s32 $0x1;
	s18 =	simm.s32 $0x80  }
0x6: {  	s19 =	simm.s32 $0xF000;
	s21 =	simm.s32 $0x10000;
	s28 =	simm.s32 $0x14000  }
0x7: {  	s29 =	simm.s32 $0x15000;
	s30 =	simm.s32 $0x16000;
	s31 =	simm.s32 $0x2  }
0x8: {  	s8 =	smul.u32 $0x5000, s4;
	s1 =	sand.u32 $0x1, s1;
	[smem:$0x7FF] =	sst s5  }
0x9: {  	s23 =	sshll.u32 s4, $0x1;
	s6 =	smul.u32 $0x50000, s1;
	_ =	strace $0x8000004A  }
0xa: {  	s5 =	sor.u32 s1, s23;
	s1 =	ssub.s32 $0x2, s1;
	s23 =	simm.s32 $0x11000  }
0xb: {  	s7 =	sshrl.u32 s8, $0x3;
	s5 =	smul.u32 $0x500, s5;
	s24 =	sshrl.u32 s1, $0x1  }
0xc: {  	s13 =	sadd.s32 s8, s2;
	s14 =	sadd.s32 s8, s3;
	s6 =	sadd.s32 s8, s6  }
0xd: {  	s9 =	sadd.s32 s7, s0;
	s1 =	ssub.s32 s1, s24;
	s13 =	sshrl.u32 s13, $0x3  }
0xe: {  	s14 =	sshrl.u32 s14, $0x3;
	s6 =	sshrl.u32 s6, $0x3;
	s10 =	sadd.s32 s5, s0  }
0xf: {  	s25 =	sadd.s32 $0x16200, s9;
	s26 =	sadd.s32 $0x20200, s9;
	s12 =	smax.u32 s1, $0x1  }
0x10: {  	s1 =	simm.s32 $0x0;
	s0 =	sadd.s32 s6, s0;
	[dreg:$0x4] =	wrdreg s25  }
0x11: {  	s6 =	sshll.u32 s4, $0x6;
	[dreg:$0x5] =	wrdreg s26;
	s9 =	sadd.s32 $0x2200, s10  }
0x12: {  	s10 =	sadd.s32 $0xC200, s10;
	s25 =	simm.s32 $0x12000;
	s26 =	simm.s32 $0x13000  }
0x13: {  	s7 =	sor.u32 $0x1C01, s6;
	s11 =	sadd.s32 $0x2A200, s0;
	s0 =	simm.s32 $0x3  }
.LBB2_1:
0x14: {  	s4 =	rddreg [dreg:$0x4]  }
0x15: {  	[spmem:s13], [sflag:s7] =	dma.local [hbm:s4], $0xA00  }
0x16: {  	s16 =	simm.s32 $0x0;
	s4 =	rddreg [dreg:$0x5]  }
0x17: {  	[spmem:s14], [sflag:s7] =	dma.local [hbm:s4], $0xA00  }
0x18: {  	[tilespmem:s15], [sflag:$0x1] =	stream.linear.gather [hbm4b:s9+s16], $0x2800, $0x38;
	[tilespmem:$0x17000] =	vst v63  }
0x19: {  	s5 =	simm.s32 $0xC800  }
0x1a: {  	[tilespmem:s5], [sflag:$0x1] =	stream.linear.gather [hbm4b:s10+s16], $0x2800, $0x38;
	[tilespmem:$0x17000] =	vst v63  }
0x1b: {  	_ =	swait.ge [sflag:s17], $0xA00  }
0x1c: {  	[sflag:s17] =	ssyncset.done $0x0  }
0x1d: {  	[sflag:s17] =	ssyncadd.s32 $0xFFFFF600  }
0x1e: {  	_ =	swait.ge [sflag:s17], $0xA00  }
0x1f: {  	[sflag:s17] =	ssyncset.done $0x0  }
0x20: {  	[sflag:s17] =	ssyncadd.s32 $0xFFFFF600  }
0x21: {  	_ =	swait.ge [sflag:s17], $0x2800  }
0x22: {  	[sflag:s17] =	ssyncset.done $0x0  }
0x23: {  	[sflag:s17] =	ssyncadd.s32 $0xFFFFD800  }
0x24: {  	_ =	swait.ge [sflag:s17], $0x2800  }
0x25: {  	[sflag:s17] =	ssyncset.done $0x0  }
0x26: {  	[sflag:s17] =	ssyncadd.s32 $0xFFFFD800  }
0x27: {  	[bflag:$0x0] =	sbarrier.arrive $0xFFFF  }
0x28: {  	[tilespmem:s19], [sflag:$0x1] =	stream.indirect.gather [spmem:s3], $0x20, s15, s18, $0xb8;
	[tilespmem:$0x17000] =	vst v63  }
0x29: {  	s20 =	simm.s32 $0xA080  }
0x2a: {  	[tilespmem:s21], [sflag:$0x1] =	stream.indirect.gather [spmem:s3], $0x20, s20, s18, $0xb8;
	[tilespmem:$0x17000] =	vst v63  }
0x2b: {  	s22 =	simm.s32 $0xA100  }
0x2c: {  	[tilespmem:s23], [sflag:$0x1] =	stream.indirect.gather [spmem:s3], $0x20, s22, s18, $0xb8;
	[tilespmem:$0x17000] =	vst v63  }
0x2d: {  	s24 =	simm.s32 $0xA180  }
0x2e: {  	[tilespmem:s25], [sflag:$0x1] =	stream.indirect.gather [spmem:s3], $0x20, s24, s18, $0xb8;
	[tilespmem:$0x17000] =	vst v63  }
0x2f: {  	_ =	swait.ge [sflag:s17], $0x1000  }
0x30: {  	[sflag:s17] =	ssyncset.done $0x0  }
0x31: {  	[sflag:s17] =	ssyncadd.s32 $0xFFFFF000  }
0x32: {  	_ =	swait.ge [sflag:s17], $0x1000  }
0x33: {  	[sflag:s17] =	ssyncset.done $0x0  }
0x34: {  	[sflag:s17] =	ssyncadd.s32 $0xFFFFF000  }
0x35: {  	_ =	swait.ge [sflag:s17], $0x1000  }
0x36: {  	[sflag:s17] =	ssyncset.done $0x0  }
0x37: {  	[sflag:s17] =	ssyncadd.s32 $0xFFFFF000  }
0x38: {  	_ =	swait.ge [sflag:s17], $0x1000  }
0x39: {  	[sflag:s17] =	ssyncset.done $0x0  }
0x3a: {  	s16 =	simm.s32 $0xA200;
	[sflag:s17] =	ssyncadd.s32 $0xFFFFF000  }
0x3b: {  	[tilespmem:s26], [sflag:$0x1] =	stream.indirect.gather [spmem:s3], $0x20, s16, s18, $0xb8;
	[tilespmem:$0x17000] =	vst v63  }
0x3c: {  	s5 =	simm.s32 $0xA280  }
0x3d: {  	[tilespmem:s28], [sflag:$0x1] =	stream.indirect.gather [spmem:s3], $0x20, s5, s18, $0xb8;
	[tilespmem:$0x17000] =	vst v63  }
0x3e: {  	s8 =	simm.s32 $0xA300  }
0x3f: {  	[tilespmem:s29], [sflag:$0x1] =	stream.indirect.gather [spmem:s3], $0x20, s8, s18, $0xb8;
	[tilespmem:$0x17000] =	vst v63  }
0x40: {  	s20 =	simm.s32 $0xA380  }
0x41: {  	[tilespmem:s30], [sflag:$0x1] =	stream.indirect.gather [spmem:s3], $0x20, s20, s18, $0xb8;
	[tilespmem:$0x17000] =	vst v63  }
0x42: {  	s22 =	simm.s32 $0xC800  }
0x43: {  	[spmem:s2] =	stream.indirect.scatter.add.f32 [tilespmem:s19], [sflag:$0x2], $0x20, s22, s18, $0xb8;
	[tilespmem:$0x17000] =	vst v63  }
0x44: {  	s24 =	simm.s32 $0xC880  }
0x45: {  	[spmem:s2] =	stream.indirect.scatter.add.f32 [tilespmem:s21], [sflag:$0x2], $0x20, s24, s18, $0xb8;
	[tilespmem:$0x17000] =	vst v63  }
0x46: {  	s4 =	simm.s32 $0xC900  }
0x47: {  	[spmem:s2] =	stream.indirect.scatter.add.f32 [tilespmem:s23], [sflag:$0x2], $0x20, s4, s18, $0xb8;
	[tilespmem:$0x17000] =	vst v63  }
0x48: {  	s5 =	simm.s32 $0xC980  }
0x49: {  	[spmem:s2] =	stream.indirect.scatter.add.f32 [tilespmem:s25], [sflag:$0x2], $0x20, s5, s18, $0xb8;
	[tilespmem:$0x17000] =	vst v63  }
0x4a: {  	_ =	swait.ge [sflag:s31], $0x1000  }
0x4b: {  	[sflag:s31] =	ssyncset.done $0x0  }
0x4c: {  	[sflag:s31] =	ssyncadd.s32 $0xFFFFF000  }
0x4d: {  	_ =	swait.ge [sflag:s31], $0x1000  }
0x4e: {  	[sflag:s31] =	ssyncset.done $0x0  }
0x4f: {  	[sflag:s31] =	ssyncadd.s32 $0xFFFFF000  }
0x50: {  	_ =	swait.ge [sflag:s31], $0x1000  }
0x51: {  	[sflag:s31] =	ssyncset.done $0x0  }
0x52: {  	[sflag:s31] =	ssyncadd.s32 $0xFFFFF000  }
0x53: {  	p0 =	por $0x0, $0x0;
	_ =	swait.ge [sflag:s31], $0x1000  }
0x54: {  	s16 =	simm.s32 @!p0 $0xF000;
	[sflag:s31] =	ssyncset.done $0x0  }
0x55: {  	s20 =	simm.s32 @!p0 $0xA400;
	s22 =	simm.s32 @!p0 $0x80;
	[sflag:s31] =	ssyncadd.s32 $0xFFFFF000  }
0x56: {  	[tilespmem:s16], [sflag:$0x1] =	stream.indirect.gather @!p0 [spmem:s3], $0x20, s20, s22, $0xb8;
	[tilespmem:$0x17000] =	vst v63  }
0x57: {  	s16 =	simm.s32 @!p0 $0xA480;
	s20 =	simm.s32 @!p0 $0x10000  }
0x58: {  	[tilespmem:s20], [sflag:$0x1] =	stream.indirect.gather @!p0 [spmem:s3], $0x20, s16, s22, $0xb8;
	[tilespmem:$0x17000] =	vst v63  }
0x59: {  	s16 =	simm.s32 @!p0 $0xA500;
	s20 =	simm.s32 @!p0 $0x11000  }
0x5a: {  	[tilespmem:s20], [sflag:$0x1] =	stream.indirect.gather @!p0 [spmem:s3], $0x20, s16, s22, $0xb8;
	[tilespmem:$0x17000] =	vst v63  }
0x5b: {  	s16 =	simm.s32 @!p0 $0xA580;
	s20 =	simm.s32 @!p0 $0x12000  }
0x5c: {  	[tilespmem:s20], [sflag:$0x1] =	stream.indirect.gather @!p0 [spmem:s3], $0x20, s16, s22, $0xb8;
	[tilespmem:$0x17000] =	vst v63  }
0x5d: {  	_ =	swait.ge [sflag:s17], $0x1000  }
0x5e: {  	[sflag:s17] =	ssyncset.done $0x0  }
0x5f: {  	[sflag:s17] =	ssyncadd.s32 $0xFFFFF000  }
0x60: {  	_ =	swait.ge [sflag:s17], $0x1000  }
0x61: {  	[sflag:s17] =	ssyncset.done $0x0  }
0x62: {  	[sflag:s17] =	ssyncadd.s32 $0xFFFFF000  }
0x63: {  	_ =	swait.ge [sflag:s17], $0x1000  }
0x64: {  	[sflag:s17] =	ssyncset.done $0x0  }
0x65: {  	[sflag:s17] =	ssyncadd.s32 $0xFFFFF000  }
0x66: {  	_ =	swait.ge [sflag:s17], $0x1000  }
0x67: {  	[sflag:s17] =	ssyncset.done $0x0  }
0x68: {  	s8 =	simm.s32 $0xCA00;
	[sflag:s17] =	ssyncadd.s32 $0xFFFFF000  }
0x69: {  	[spmem:s2] =	stream.indirect.scatter.add.f32 [tilespmem:s26], [sflag:$0x2], $0x20, s8, s18, $0xb8;
	[tilespmem:$0x17000] =	vst v63  }
0x6a: {  	s20 =	simm.s32 $0xCA80  }
0x6b: {  	[spmem:s2] =	stream.indirect.scatter.add.f32 [tilespmem:s28], [sflag:$0x2], $0x20, s20, s18, $0xb8;
	[tilespmem:$0x17000] =	vst v63  }
0x6c: {  	s22 =	simm.s32 $0xCB00  }
0x6d: {  	[spmem:s2] =	stream.indirect.scatter.add.f32 [tilespmem:s29], [sflag:$0x2], $0x20, s22, s18, $0xb8;
	[tilespmem:$0x17000] =	vst v63  }
0x6e: {  	s24 =	simm.s32 $0xCB80  }
0x6f: {  	[spmem:s2] =	stream.indirect.scatter.add.f32 [tilespmem:s30], [sflag:$0x2], $0x20, s24, s18, $0xb8;
	[tilespmem:$0x17000] =	vst v63  }
0x70: {  	_ =	swait.ge [sflag:s31], $0x1000  }
0x71: {  	[sflag:s31] =	ssyncset.done $0x0  }
0x72: {  	[sflag:s31] =	ssyncadd.s32 $0xFFFFF000  }
0x73: {  	_ =	swait.ge [sflag:s31], $0x1000  }
0x74: {  	[sflag:s31] =	ssyncset.done $0x0  }
0x75: {  	[sflag:s31] =	ssyncadd.s32 $0xFFFFF000  }
0x76: {  	_ =	swait.ge [sflag:s31], $0x1000  }
0x77: {  	[sflag:s31] =	ssyncset.done $0x0  }
0x78: {  	[sflag:s31] =	ssyncadd.s32 $0xFFFFF000  }
0x79: {  	_ =	swait.ge [sflag:s31], $0x1000  }
0x7a: {  	s16 =	simm.s32 $0x1000;
	[sflag:s31] =	ssyncset.done $0x0  }
.LBB2_2:
0x7b: {  	[sflag:s31] =	ssyncadd.s32 $0xFFFFF000;
	s22 =	smov.u32 s16;
	s16 =	sadd.s32 $0x1000, s16  }
0x7c: {  	_ =	swait.ge [sflag:s17], $0x1000;
	p0 =	sne.s32 s16, $0xA000  }
0x7d: {  	[sflag:s17] =	ssyncset.done $0x0  }
0x7e: {  	[sflag:s17] =	ssyncadd.s32 $0xFFFFF000  }
0x7f: {  	_ =	swait.ge [sflag:s17], $0x1000  }
0x80: {  	[sflag:s17] =	ssyncset.done $0x0  }
0x81: {  	[sflag:s17] =	ssyncadd.s32 $0xFFFFF000  }
0x82: {  	_ =	swait.ge [sflag:s17], $0x1000  }
0x83: {  	[sflag:s17] =	ssyncset.done $0x0  }
0x84: {  	[sflag:s17] =	ssyncadd.s32 $0xFFFFF000  }
0x85: {  	_ =	swait.ge [sflag:s17], $0x1000  }
0x86: {  	s20 =	sshra.s32 s22, $0x2;
	[sflag:s17] =	ssyncset.done $0x0  }
0x87: {  	s24 =	sadd.s32 $0xA200, s20;
	[sflag:s17] =	ssyncadd.s32 $0xFFFFF000  }
0x88: {  	[tilespmem:s26], [sflag:$0x1] =	stream.indirect.gather [spmem:s3], $0x20, s24, s18, $0xb8;
	[tilespmem:$0x17000] =	vst v63  }
0x89: {  	s24 =	sadd.s32 $0xA280, s20  }
0x8a: {  	[tilespmem:s28], [sflag:$0x1] =	stream.indirect.gather [spmem:s3], $0x20, s24, s18, $0xb8;
	[tilespmem:$0x17000] =	vst v63  }
0x8b: {  	s24 =	sadd.s32 $0xA300, s20  }
0x8c: {  	[tilespmem:s29], [sflag:$0x1] =	stream.indirect.gather [spmem:s3], $0x20, s24, s18, $0xb8;
	[tilespmem:$0x17000] =	vst v63  }
0x8d: {  	s24 =	sadd.s32 $0xA380, s20  }
0x8e: {  	[tilespmem:s30], [sflag:$0x1] =	stream.indirect.gather [spmem:s3], $0x20, s24, s18, $0xb8;
	[tilespmem:$0x17000] =	vst v63  }
0x8f: {  	s24 =	sadd.s32 $0xC800, s20  }
0x90: {  	[spmem:s2] =	stream.indirect.scatter.add.f32 [tilespmem:s19], [sflag:$0x2], $0x20, s24, s18, $0xb8;
	[tilespmem:$0x17000] =	vst v63  }
0x91: {  	s24 =	sadd.s32 $0xC880, s20  }
0x92: {  	[spmem:s2] =	stream.indirect.scatter.add.f32 [tilespmem:s21], [sflag:$0x2], $0x20, s24, s18, $0xb8;
	[tilespmem:$0x17000] =	vst v63  }
0x93: {  	s24 =	sadd.s32 $0xC900, s20  }
0x94: {  	[spmem:s2] =	stream.indirect.scatter.add.f32 [tilespmem:s23], [sflag:$0x2], $0x20, s24, s18, $0xb8;
	[tilespmem:$0x17000] =	vst v63  }
0x95: {  	s24 =	sadd.s32 $0xC980, s20  }
0x96: {  	[spmem:s2] =	stream.indirect.scatter.add.f32 [tilespmem:s25], [sflag:$0x2], $0x20, s24, s18, $0xb8;
	[tilespmem:$0x17000] =	vst v63  }
0x97: {  	_ =	swait.ge [sflag:s31], $0x1000  }
0x98: {  	[sflag:s31] =	ssyncset.done $0x0  }
0x99: {  	[sflag:s31] =	ssyncadd.s32 $0xFFFFF000  }
0x9a: {  	_ =	swait.ge [sflag:s31], $0x1000  }
0x9b: {  	[sflag:s31] =	ssyncset.done $0x0  }
0x9c: {  	[sflag:s31] =	ssyncadd.s32 $0xFFFFF000  }
0x9d: {  	_ =	swait.ge [sflag:s31], $0x1000  }
0x9e: {  	[sflag:s31] =	ssyncset.done $0x0  }
0x9f: {  	[sflag:s31] =	ssyncadd.s32 $0xFFFFF000  }
0xa0: {  	p1 =	seq.s32 s22, $0x9000;
	_ =	swait.ge [sflag:s31], $0x1000  }
0xa1: {  	s22 =	sshra.s32 @!p1 s22, $0x2;
	s24 =	simm.s32 @!p1 $0xF000;
	[sflag:s31] =	ssyncset.done $0x0  }
0xa2: {  	s5 =	simm.s32 @!p1 $0x80;
	s4 =	sadd.s32 @!p1 $0xA400, s22;
	[sflag:s31] =	ssyncadd.s32 $0xFFFFF000  }
0xa3: {  	[tilespmem:s24], [sflag:$0x1] =	stream.indirect.gather @!p1 [spmem:s3], $0x20, s4, s5, $0xb8;
	[tilespmem:$0x17000] =	vst v63  }
0xa4: {  	s8 =	sadd.s32 @!p1 $0xA500, s22;
	s4 =	sadd.s32 @!p1 $0xA480, s22;
	s24 =	simm.s32 @!p1 $0x10000  }
0xa5: {  	[tilespmem:s24], [sflag:$0x1] =	stream.indirect.gather @!p1 [spmem:s3], $0x20, s4, s5, $0xb8;
	[tilespmem:$0x17000] =	vst v63  }
0xa6: {  	s22 =	sadd.s32 @!p1 $0xA580, s22;
	s4 =	simm.s32 @!p1 $0x11000  }
0xa7: {  	[tilespmem:s4], [sflag:$0x1] =	stream.indirect.gather @!p1 [spmem:s3], $0x20, s8, s5, $0xb8;
	[tilespmem:$0x17000] =	vst v63  }
0xa8: {  	s4 =	simm.s32 @!p1 $0x12000  }
0xa9: {  	[tilespmem:s4], [sflag:$0x1] =	stream.indirect.gather @!p1 [spmem:s3], $0x20, s22, s5, $0xb8;
	[tilespmem:$0x17000] =	vst v63  }
0xaa: {  	_ =	swait.ge [sflag:s17], $0x1000  }
0xab: {  	[sflag:s17] =	ssyncset.done $0x0  }
0xac: {  	[sflag:s17] =	ssyncadd.s32 $0xFFFFF000  }
0xad: {  	_ =	swait.ge [sflag:s17], $0x1000  }
0xae: {  	[sflag:s17] =	ssyncset.done $0x0  }
0xaf: {  	[sflag:s17] =	ssyncadd.s32 $0xFFFFF000  }
0xb0: {  	_ =	swait.ge [sflag:s17], $0x1000  }
0xb1: {  	[sflag:s17] =	ssyncset.done $0x0  }
0xb2: {  	[sflag:s17] =	ssyncadd.s32 $0xFFFFF000  }
0xb3: {  	_ =	swait.ge [sflag:s17], $0x1000  }
0xb4: {  	[sflag:s17] =	ssyncset.done $0x0  }
0xb5: {  	s4 =	sadd.s32 $0xCA00, s20;
	[sflag:s17] =	ssyncadd.s32 $0xFFFFF000  }
0xb6: {  	[spmem:s2] =	stream.indirect.scatter.add.f32 [tilespmem:s26], [sflag:$0x2], $0x20, s4, s18, $0xb8;
	[tilespmem:$0x17000] =	vst v63  }
0xb7: {  	s4 =	sadd.s32 $0xCA80, s20  }
0xb8: {  	[spmem:s2] =	stream.indirect.scatter.add.f32 [tilespmem:s28], [sflag:$0x2], $0x20, s4, s18, $0xb8;
	[tilespmem:$0x17000] =	vst v63  }
0xb9: {  	s4 =	sadd.s32 $0xCB00, s20  }
0xba: {  	[spmem:s2] =	stream.indirect.scatter.add.f32 [tilespmem:s29], [sflag:$0x2], $0x20, s4, s18, $0xb8;
	[tilespmem:$0x17000] =	vst v63  }
0xbb: {  	s4 =	sadd.s32 $0xCB80, s20  }
0xbc: {  	[spmem:s2] =	stream.indirect.scatter.add.f32 [tilespmem:s30], [sflag:$0x2], $0x20, s4, s18, $0xb8;
	[tilespmem:$0x17000] =	vst v63  }
0xbd: {  	_ =	swait.ge [sflag:s31], $0x1000  }
0xbe: {  	[sflag:s31] =	ssyncset.done $0x0  }
0xbf: {  	[sflag:s31] =	ssyncadd.s32 $0xFFFFF000  }
0xc0: {  	_ =	swait.ge [sflag:s31], $0x1000  }
0xc1: {  	[sflag:s31] =	ssyncset.done $0x0  }
0xc2: {  	[sflag:s31] =	ssyncadd.s32 $0xFFFFF000  }
.Ltmp0:
0xc3: {  	_ =	swait.ge [sflag:s31], $0x1000;
	(pc) =	sbr.rel @p0 .LBB2_2-.Ltmp0, $4  }
0xc4: {  	[sflag:s31] =	ssyncset.done $0x0  }
0xc5: {  	[sflag:s31] =	ssyncadd.s32 $0xFFFFF000  }
0xc6: {  	_ =	swait.ge [sflag:s31], $0x1000  }
0xc7: {  	[sflag:s31] =	ssyncset.done $0x0  }
0xc8: {  	s1 =	sadd.s32 $0x1, s1  }
0xc9: {  	[sflag:s31] =	ssyncadd.s32 $0xFFFFF000;
	p0 =	sne.s32 s1, s12  }
.Ltmp1:
0xca: {  	s4 =	sor.u32 $0x1C03, s6;
	[bflag:$0x0] =	sbarrier.arrive $0xFFFF;
	(pc) =	sbr.rel @p0 .LBB2_1-.Ltmp1, $4  }
0xcb: {  	[hbm:s11], [sflag:s4] =	dma.local [spmem:s13], $0xA00  }
0xcc: {  	_ =	swait.ge [sflag:s0], $0xA00  }
0xcd: {  	[sflag:s0] =	ssyncset.done $0x0  }
0xce: {  	[sflag:s0] =	ssyncadd.s32 $0xFFFFF600  }
0xcf: {  	_ =	sfence.sel $0x180000  }
0xd0: {  	[bflag:$0x0] =	sbarrier.arrive $0xFFFF  }
0xd1: {  	_ =	strace $0x9000004A  }
0xd2: {  	s0 =	stileid.u32;
	[bflag:$0x2] =	sbarrier.arrive $0xFFFF  }
0xd3: {  	p0 =	sne.s32 s0, $0x0;
	s0 =	rddreg [dreg:$0x3]  }
0xd4: {  	s0 =	sadd.s32 @!p0 $0x100000, s0  }
0xd5: {  	[sflag:s0] =	ssyncadd.tile.s32 @!p0 $0x1;
	_ =	shalt  }
.Lfunc_end2:
_tile_overlayer_lowered:
.L_overlay_start_2:
0xd6: {  	(tag) =	ssettag $0x2  }
0xd7: {  	s0 =	rddreg [dreg:$0x0];
	s2 =	stileid.u32  }
0xd8: {  	s1 =	rddreg [dreg:$0x1];
	p0 =	sne.s32 s2, $0x0  }
0xd9: {  	s3 =	rddreg [dreg:$0x2];
	[bflag:$0x3] =	sbarrier.arrive $0xFFFF;
	s2 =	simm.s32 @!p0 $0x1C03  }
0xda: {  	[timem:s3], [sflag:s2] =	dma.local @!p0 [hbm:s0], s1  }
0xdb: {  	s0 =	simm.s32 @!p0 $0x3  }
0xdc: {  	_ =	swait.ge @!p0 [sflag:s0], s1  }
0xdd: {  	s1 =	ssub.s32 @!p0 $0x0, s1;
	[sflag:s0] =	ssyncset.done @!p0 $0x0  }
0xde: {  	[sflag:s0] =	ssyncadd.s32 @!p0 s1  }
0xdf: {  	[bflag:$0x3] =	sbarrier.arrive $0xFFFF  }
0xe0: {  	_ =	shalt  }

// kernel: kernel.15.cloned.1.call-start
scs
__scs_entry_jumppad:
0x0: {  	(pc) =	sbr.rel $0x88, $3  }
0x1: {  	(tag) =	ssettag $0x0;
	lr =	simm.s32 $0x1  }
0x2: {  	[smem:$0x3F9D] =	sst lr;
	_ =	strace $0xD0000000  }
0x3: {  	_ = 	snop  }
0x4: {  	_ = 	snop  }
0x5: {  	_ = 	snop  }
0x6: {  	_ = 	snop  }
0x7: {  	_ = 	snop  }
__scs_overlays_trampoline_lowered:
0x8: {  	[smem:$0x3FAC] =	sst s0  }
0x9: {  	[smem:$0x3FAD] =	sst s1  }
0xa: {  	[smem:$0x3FAE] =	sst s2  }
0xb: {  	[smem:$0x3FAF] =	sst s3  }
0xc: {  	[smem:$0x3FB0] =	sst s4  }
0xd: {  	[smem:$0x3FB1] =	sst s5  }
0xe: {  	[smem:$0x3FB2] =	sst s6  }
0xf: {  	[smem:$0x3FB3] =	sst s7  }
0x10: {  	[smem:$0x3FB4] =	sst s8  }
0x11: {  	[smem:$0x3FB5] =	sst s9;
	s0 =	simm.s32 @!p0 $0x0  }
0x12: {  	s1 =	sld [smem:$0x3F9B];
	s0 =	simm.s32 @p0 $0x1  }
0x13: {  	[smem:$0x3FB6] =	sst s0;
	s0 =	simm.s32 @!p1 $0x0  }
0x14: {  	s2 =	sld [smem:$0x3F9A];
	s0 =	simm.s32 @p1 $0x1  }
0x15: {  	[smem:$0x3FB7] =	sst s0;
	s0 =	simm.s32 @!p2 $0x0  }
0x16: {  	s3 =	sld [smem:$0x3FDB];
	s0 =	simm.s32 @p2 $0x1  }
0x17: {  	s4 =	simm.s32 $0x1BF5;
	[smem:$0x3FB9] =	sst s0  }
0x18: {  	s0 =	sld [smem:$0x3F9C];
	_ =	swait.ge [sflag:s4], $0x0  }
0x19: {  	s7 =	sld [smem:$0x3F9D]  }
0x1a: {  	s8 =	sadd.s32 $0xFFFFE003, lr  }
0x1b: {  	s9 =	sadd.s32 $0xFFFFFEF7, lr;
	s5 =	simm.s32 $0xFFFFFFFF;
	p2 =	slt.u32 s8, $0xFFFFF086  }
0x1c: {  	p1 =	slt.u32 s9, $0xF7A;
	s5 =	simm.s32 @!p2 $0x0  }
0x1d: {  	s5 =	simm.s32 @p1 $0x1;
	p0 =	seq.s32 s7, s2  }
0x1e: {  	s7 =	smul.u32 @!p0 $0xF7A, s2;
	p2 =	seq.s32 @!p0 s5, $0x0  }
0x1f: {  	s9 =	smul.u32 $0xF7A, s1;
	s8 =	simm.s32 @!p0 $0x1BF5;
	p2 =	por !p2, p0  }
0x20: {  	[sflag:s8] =	ssyncset.s32 @!p0 $0xFFFFF086;
	s6 =	sadd.s32 @!p0 s3, s7;
	s7 =	simm.s32 @!p0 $0x108  }
0x21: {  	s3 =	sadd.s32 s3, s9;
	s6 =	sadd.s32 @!p0 $0x88, s6;
	s7 =	simm.s32 @p2 $0x1082  }
0x22: {  	[simem:s7], [sflag:s8] =	dma.local @!p0 [hbm:s6], $0xF7A  }
0x23: {  	s9 =	sor.u32 $0xD0000000, s2;
	s6 =	simm.s32 $0x108;
	_ =	swait.ge @!p0 [sflag:s8], $0x0  }
0x24: {  	s3 =	sadd.s32 $0x88, s3;
	s6 =	simm.s32 @!p1 $0x1082;
	[sflag:s4] =	ssyncset.s32 $0xFFFFF086  }
0x25: {  	[simem:s6], [sflag:s4] =	dma.local [hbm:s3], $0xF7A  }
0x26: {  	[smem:$0x3F9D] =	sst s1;
	(tag) =	ssettag s2;
	_ =	strace s9  }
0x27: {  	s1 =	sld [smem:$0x3FAD]  }
0x28: {  	s2 =	sld [smem:$0x3FAE]  }
0x29: {  	s4 =	sld [smem:$0x3FB0]  }
0x2a: {  	p0 =	seq.s32 s5, $0x0;
	s5 =	sld [smem:$0x3FB1]  }
0x2b: {  	s6 =	sld [smem:$0x3FB2]  }
0x2c: {  	s7 =	sld [smem:$0x3FB3]  }
0x2d: {  	s3 =	simm.s32 $0x108;
	s8 =	sld [smem:$0x3FB4]  }
0x2e: {  	s3 =	simm.s32 @!p0 $0x1082;
	s9 =	sld [smem:$0x3FB5]  }
0x2f: {  	lr =	sadd.s32 s0, s3;
	s0 =	sld [smem:$0x3FAC]  }
0x30: {  	s3 =	sld [smem:$0x3FAF]  }
0x31: {  	[smem:$0x3FB8] =	sst s10  }
0x32: {  	s10 =	sld [smem:$0x3FB6];
	_ =	sdelay $0x3  }
0x33: {  	p0 =	seq.s32 s10, $0x1;
	s10 =	sld [smem:$0x3FB8];
	_ =	sdelay $0x3  }
0x34: {  	[smem:$0x3FB8] =	sst s10  }
0x35: {  	s10 =	sld [smem:$0x3FB7];
	_ =	sdelay $0x3  }
0x36: {  	p1 =	seq.s32 s10, $0x1;
	s10 =	sld [smem:$0x3FB8];
	_ =	sdelay $0x3  }
0x37: {  	[smem:$0x3FB8] =	sst s10  }
0x38: {  	s10 =	sld [smem:$0x3FB9]  }
0x39: {  	_ = 	snop;
	(pc) =	sbr.ind lr, $3  }
0x3a: {  	_ = 	snop  }
0x3b: {  	_ = 	snop  }
0x3c: {  	p2 =	seq.s32 s10, $0x1;
	s10 =	sld [smem:$0x3FB8]  }
0x3d: {  	_ =	shalt  }
0x3e: {  	_ =	shalt  }
0x3f: {  	_ =	shalt  }
0x40: {  	_ =	shalt  }
0x41: {  	_ =	shalt  }
0x42: {  	_ =	shalt  }
0x43: {  	_ =	shalt  }
0x44: {  	_ =	shalt  }
0x45: {  	_ =	shalt  }
0x46: {  	_ =	shalt  }
0x47: {  	_ =	shalt  }
0x48: {  	_ =	shalt  }
0x49: {  	_ =	shalt  }
0x4a: {  	_ =	shalt  }
0x4b: {  	_ =	shalt  }
0x4c: {  	_ =	shalt  }
0x4d: {  	_ =	shalt  }
0x4e: {  	_ =	shalt  }
0x4f: {  	_ =	shalt  }
0x50: {  	_ =	shalt  }
0x51: {  	_ =	shalt  }
0x52: {  	_ =	shalt  }
0x53: {  	_ =	shalt  }
0x54: {  	_ =	shalt  }
0x55: {  	_ =	shalt  }
0x56: {  	_ =	shalt  }
0x57: {  	_ =	shalt  }
0x58: {  	_ =	shalt  }
0x59: {  	_ =	shalt  }
0x5a: {  	_ =	shalt  }
0x5b: {  	_ =	shalt  }
0x5c: {  	_ =	shalt  }
0x5d: {  	_ =	shalt  }
0x5e: {  	_ =	shalt  }
0x5f: {  	_ =	shalt  }
0x60: {  	_ =	shalt  }
0x61: {  	_ =	shalt  }
0x62: {  	_ =	shalt  }
0x63: {  	_ =	shalt  }
0x64: {  	_ =	shalt  }
0x65: {  	_ =	shalt  }
0x66: {  	_ =	shalt  }
0x67: {  	_ =	shalt  }
0x68: {  	_ =	shalt  }
0x69: {  	_ =	shalt  }
0x6a: {  	_ =	shalt  }
0x6b: {  	_ =	shalt  }
0x6c: {  	_ =	shalt  }
0x6d: {  	_ =	shalt  }
0x6e: {  	_ =	shalt  }
0x6f: {  	_ =	shalt  }
0x70: {  	_ =	shalt  }
0x71: {  	_ =	shalt  }
0x72: {  	_ =	shalt  }
0x73: {  	_ =	shalt  }
0x74: {  	_ =	shalt  }
0x75: {  	_ =	shalt  }
0x76: {  	_ =	shalt  }
0x77: {  	_ =	shalt  }
0x78: {  	_ =	shalt  }
0x79: {  	_ =	shalt  }
0x7a: {  	_ =	shalt  }
0x7b: {  	_ =	shalt  }
0x7c: {  	_ =	shalt  }
0x7d: {  	_ =	shalt  }
0x7e: {  	_ =	shalt  }
0x7f: {  	_ =	shalt  }
0x80: {  	_ =	shalt  }
0x81: {  	_ =	shalt  }
0x82: {  	_ =	shalt  }
0x83: {  	_ =	shalt  }
0x84: {  	_ =	shalt  }
0x85: {  	_ =	shalt  }
0x86: {  	_ =	shalt  }
0x87: {  	_ =	shalt  }
.Lfunc_end0:
.L_simem_size_0:
called_computation.2_lowered:
.L_overlay_start_0:
0x88: {  	s2 =	sld [smem:$0x3FD9]  }
0x89: {  	s3 =	sld [smem:$0x3FFE];
	_ =	sdelay $0x1  }
0x8a: {  	s1 =	srdreg.scid  }
0x8b: {  	s0 =	sand.u32 $0x1, s1  }
0x8c: {  	s16 =	sshll.u32 s0, $0xA;
	s2 =	sadd.s32 s3, s2  }
0x8d: {  	s2 =	sadd.s32 s2, s16  }
0x8e: {  	[smem:$0x3FC4] =	sst s2  }
0x8f: {  	_ = 	snop  }
0x90: {  	(tm) =	ssettm $0x1  }
0x91: {  	s17 =	sld [smem:$0x3FFB];
	_ =	sdelay $0x3  }
0x92: {  	_ =	strace s17  }
0x93: {  	s2 =	sld [smem:$0x3FFC];
	_ =	sdelay $0x3  }
0x94: {  	_ =	strace s2  }
0x95: {  	s2 =	sld [smem:$0x3FFD];
	_ =	sdelay $0x3  }
0x96: {  	_ =	strace s2  }
0x97: {  	_ =	strace $0x8FFFFFFF  }
0x98: {  	s18 =	sld [smem:$0x3FDB];
	_ =	sdelay $0x1  }
0x99: {  	s19 =	simm.s32 $_scs_section_size  }
0x9a: {  	s4 =	simm.s32 $_size__tile_overlayer_lowered;
	s5 =	simm.s32 $_tile_overlayer_lowered  }
0x9b: {  	s22 =	simm.s32 $0x1BFF;
	s21 =	sshll.u32 s5, $0x1;
	s2 =	sadd.s32 s19, s18  }
0x9c: {  	s6 =	simm.s32 $0x0;
	s20 =	sshll.u32 s4, $0x1;
	s4 =	sadd.s32 s21, s2  }
0x9d: {  	[timem:s6], [sflag:s22] =	dma.local [hbm:s4], s20  }
0x9e: {  	_ =	swait.ge [sflag:s22], s20  }
0x9f: {  	s3 =	ssub.s32 $0x0, s20;
	[sflag:s22] =	ssyncset.done $0x0  }
0xa0: {  	[sflag:s22] =	ssyncadd.s32 s3;
	_ =	sdelay $0x1  }
0xa1: {  	s23 =	simm.s32 $0x1B8B  }
0xa2: {  	_ =	swait.ge [sflag:s23], $0x1  }
0xa3: {  	[sflag:s23] =	ssyncset.done $0x0  }
0xa4: {  	s25 =	simm.s32 $0x1B8E;
	s24 =	sld [smem:$0x3FFE];
	[sflag:s23] =	ssyncadd.s32 $0xFFFFFFFF  }
0xa5: {  	s26 =	simm.s32 $execute0_lowered;
	[smem:$0x3FD2] =	sst s25  }
0xa6: {  	s4 =	sshll.u32 s26, $0x1;
	_ =	strace $0x8000004C;
	[dreg:$0x1] =	wrdreg $0xFFFFFFFF  }
0xa7: {  	s28 =	simm.s32 $_size_execute0_lowered;
	s2 =	sadd.s32 s2, s4;
	[dreg:$0x0] =	wrdreg $0x0  }
0xa8: {  	s4 =	sshll.u32 s28, $0x1;
	[dreg:$0x2] =	wrdreg s2  }
0xa9: {  	[dreg:$0x3] =	wrdreg s4  }
0xaa: {  	[dreg:$0x4] =	wrdreg $0xC0  }
0xab: {  	_ =	task [dreg:s6], $0x5FFFF  }
0xac: {  	[dreg:$0x1] =	wrdreg $0xFFFFFFFF  }
0xad: {  	[dreg:$0x0] =	wrdreg $0x60  }
0xae: {  	[dreg:$0x2] =	wrdreg s24  }
0xaf: {  	[dreg:$0x3] =	wrdreg $0x0  }
0xb0: {  	[dreg:$0x4] =	wrdreg $0x50000  }
0xb1: {  	[dreg:$0x5] =	wrdreg $0x9  }
0xb2: {  	_ =	task.clear_ibuf [dreg:s6], $0x6FFFF;
	_ =	strace $0x9000004C  }
0xb3: {  	s29 =	simm.s32 $0x9;
	_ =	strace $0x8000004E  }
0xb4: {  	_ =	swait.ge [sflag:s29], $0x1  }
0xb5: {  	[sflag:s29] =	ssyncadd.s32 $0xFFFFFFFF  }
0xb6: {  	_ =	strace $0x9000004E  }
0xb7: {  	_ =	sfence  }
0xb8: {  	s30 =	sld [smem:$0x0];
	_ =	sdelay $0x2  }
0xb9: {  	s31 =	sshll.u32 s1, $0xD;
	s1 =	sshrl.u32 s1, $0x2  }
0xba: {  	s3 =	sand.u32 $0x4000, s31;
	s1 =	sadd.s32 s1, s30  }
0xbb: {  	s0 =	sor.u32 s3, s0;
	s1 =	sshll.u32 s1, $0x11  }
0xbc: {  	s0 =	sor.u32 s1, s0  }
0xbd: {  	s0 =	sadd.s32 $0x8F2B, s0  }
0xbe: {  	[sflag:s0] =	ssyncadd.remote.s32 $0x1  }
0xbf: {  	_ =	sfence.sel $0xFFFF  }
0xc0: {  	[dreg:$0x0] =	wrdreg $0xFFFFFFFF;
	(pc) =	sbr.abs _section_cstart, $3  }
0xc1: {  	[dreg:$0x1] =	wrdreg $0xFFFFFFFF  }
0xc2: {  	_ =	task.clear_ibuf [dreg:s6], $0x2FFFF;
	_ =	strace $0x9FFFFFFF  }
0xc3: {  	(tm) =	ssettm $0x7FFFFFFF  }
tec
execute0_lowered:
.L_overlay_start_1:
0x0: {  	(tag) =	ssettag $0x1  }
0x1: {  	s0 =	rddreg [dreg:$0x0]  }
0x2: {  	s2 =	rddreg [dreg:$0x1]  }
0x3: {  	s3 =	rddreg [dreg:$0x2]  }
0x4: {  	s4 =	stileid.u32;
	s1 =	srdreg.scid;
	s5 =	simm.s32 $0x0  }
0x5: {  	s15 =	simm.s32 $0xA000;
	s17 =	simm.s32 $0x1;
	s18 =	simm.s32 $0x80  }
0x6: {  	s19 =	simm.s32 $0xF000;
	s21 =	simm.s32 $0x10000;
	s28 =	simm.s32 $0x14000  }
0x7: {  	s29 =	simm.s32 $0x15000;
	s30 =	simm.s32 $0x16000;
	s31 =	simm.s32 $0x2  }
0x8: {  	s8 =	smul.u32 $0x5000, s4;
	s1 =	sand.u32 $0x1, s1;
	[smem:$0x7FF] =	sst s5  }
0x9: {  	s23 =	sshll.u32 s4, $0x1;
	s6 =	smul.u32 $0x50000, s1;
	_ =	strace $0x8000004D  }
0xa: {  	s5 =	sor.u32 s1, s23;
	s1 =	ssub.s32 $0x2, s1;
	s23 =	simm.s32 $0x11000  }
0xb: {  	s7 =	sshrl.u32 s8, $0x3;
	s5 =	smul.u32 $0x500, s5;
	s24 =	sshrl.u32 s1, $0x1  }
0xc: {  	s13 =	sadd.s32 s8, s2;
	s14 =	sadd.s32 s8, s3;
	s6 =	sadd.s32 s8, s6  }
0xd: {  	s9 =	sadd.s32 s7, s0;
	s1 =	ssub.s32 s1, s24;
	s13 =	sshrl.u32 s13, $0x3  }
0xe: {  	s14 =	sshrl.u32 s14, $0x3;
	s6 =	sshrl.u32 s6, $0x3;
	s10 =	sadd.s32 s5, s0  }
0xf: {  	s25 =	sadd.s32 $0x16200, s9;
	s26 =	sadd.s32 $0x20200, s9;
	s12 =	smax.u32 s1, $0x1  }
0x10: {  	s1 =	simm.s32 $0x0;
	s0 =	sadd.s32 s6, s0;
	[dreg:$0x4] =	wrdreg s25  }
0x11: {  	s6 =	sshll.u32 s4, $0x6;
	[dreg:$0x5] =	wrdreg s26;
	s9 =	sadd.s32 $0x2200, s10  }
0x12: {  	s10 =	sadd.s32 $0xC200, s10;
	s25 =	simm.s32 $0x12000;
	s26 =	simm.s32 $0x13000  }
0x13: {  	s7 =	sor.u32 $0x1C01, s6;
	s11 =	sadd.s32 $0x2A200, s0;
	s0 =	simm.s32 $0x3  }
.LBB2_1:
0x14: {  	s4 =	rddreg [dreg:$0x4]  }
0x15: {  	[spmem:s13], [sflag:s7] =	dma.local [hbm:s4], $0xA00  }
0x16: {  	s16 =	simm.s32 $0x0;
	s4 =	rddreg [dreg:$0x5]  }
0x17: {  	[spmem:s14], [sflag:s7] =	dma.local [hbm:s4], $0xA00  }
0x18: {  	[tilespmem:s15], [sflag:$0x1] =	stream.linear.gather [hbm4b:s9+s16], $0x2800, $0x38;
	[tilespmem:$0x17000] =	vst v63  }
0x19: {  	s5 =	simm.s32 $0xC800  }
0x1a: {  	[tilespmem:s5], [sflag:$0x1] =	stream.linear.gather [hbm4b:s10+s16], $0x2800, $0x38;
	[tilespmem:$0x17000] =	vst v63  }
0x1b: {  	_ =	swait.ge [sflag:s17], $0xA00  }
0x1c: {  	[sflag:s17] =	ssyncset.done $0x0  }
0x1d: {  	[sflag:s17] =	ssyncadd.s32 $0xFFFFF600  }
0x1e: {  	_ =	swait.ge [sflag:s17], $0xA00  }
0x1f: {  	[sflag:s17] =	ssyncset.done $0x0  }
0x20: {  	[sflag:s17] =	ssyncadd.s32 $0xFFFFF600  }
0x21: {  	_ =	swait.ge [sflag:s17], $0x2800  }
0x22: {  	[sflag:s17] =	ssyncset.done $0x0  }
0x23: {  	[sflag:s17] =	ssyncadd.s32 $0xFFFFD800  }
0x24: {  	_ =	swait.ge [sflag:s17], $0x2800  }
0x25: {  	[sflag:s17] =	ssyncset.done $0x0  }
0x26: {  	[sflag:s17] =	ssyncadd.s32 $0xFFFFD800  }
0x27: {  	[bflag:$0x0] =	sbarrier.arrive $0xFFFF  }
0x28: {  	[tilespmem:s19], [sflag:$0x1] =	stream.indirect.gather [spmem:s3], $0x20, s15, s18, $0xb8;
	[tilespmem:$0x17000] =	vst v63  }
0x29: {  	s20 =	simm.s32 $0xA080  }
0x2a: {  	[tilespmem:s21], [sflag:$0x1] =	stream.indirect.gather [spmem:s3], $0x20, s20, s18, $0xb8;
	[tilespmem:$0x17000] =	vst v63  }
0x2b: {  	s22 =	simm.s32 $0xA100  }
0x2c: {  	[tilespmem:s23], [sflag:$0x1] =	stream.indirect.gather [spmem:s3], $0x20, s22, s18, $0xb8;
	[tilespmem:$0x17000] =	vst v63  }
0x2d: {  	s24 =	simm.s32 $0xA180  }
0x2e: {  	[tilespmem:s25], [sflag:$0x1] =	stream.indirect.gather [spmem:s3], $0x20, s24, s18, $0xb8;
	[tilespmem:$0x17000] =	vst v63  }
0x2f: {  	_ =	swait.ge [sflag:s17], $0x1000  }
0x30: {  	[sflag:s17] =	ssyncset.done $0x0  }
0x31: {  	[sflag:s17] =	ssyncadd.s32 $0xFFFFF000  }
0x32: {  	_ =	swait.ge [sflag:s17], $0x1000  }
0x33: {  	[sflag:s17] =	ssyncset.done $0x0  }
0x34: {  	[sflag:s17] =	ssyncadd.s32 $0xFFFFF000  }
0x35: {  	_ =	swait.ge [sflag:s17], $0x1000  }
0x36: {  	[sflag:s17] =	ssyncset.done $0x0  }
0x37: {  	[sflag:s17] =	ssyncadd.s32 $0xFFFFF000  }
0x38: {  	_ =	swait.ge [sflag:s17], $0x1000  }
0x39: {  	[sflag:s17] =	ssyncset.done $0x0  }
0x3a: {  	s16 =	simm.s32 $0xA200;
	[sflag:s17] =	ssyncadd.s32 $0xFFFFF000  }
0x3b: {  	[tilespmem:s26], [sflag:$0x1] =	stream.indirect.gather [spmem:s3], $0x20, s16, s18, $0xb8;
	[tilespmem:$0x17000] =	vst v63  }
0x3c: {  	s5 =	simm.s32 $0xA280  }
0x3d: {  	[tilespmem:s28], [sflag:$0x1] =	stream.indirect.gather [spmem:s3], $0x20, s5, s18, $0xb8;
	[tilespmem:$0x17000] =	vst v63  }
0x3e: {  	s8 =	simm.s32 $0xA300  }
0x3f: {  	[tilespmem:s29], [sflag:$0x1] =	stream.indirect.gather [spmem:s3], $0x20, s8, s18, $0xb8;
	[tilespmem:$0x17000] =	vst v63  }
0x40: {  	s20 =	simm.s32 $0xA380  }
0x41: {  	[tilespmem:s30], [sflag:$0x1] =	stream.indirect.gather [spmem:s3], $0x20, s20, s18, $0xb8;
	[tilespmem:$0x17000] =	vst v63  }
0x42: {  	s22 =	simm.s32 $0xC800  }
0x43: {  	[spmem:s2] =	stream.indirect.scatter.add.f32 [tilespmem:s19], [sflag:$0x2], $0x20, s22, s18, $0xb8;
	[tilespmem:$0x17000] =	vst v63  }
0x44: {  	s24 =	simm.s32 $0xC880  }
0x45: {  	[spmem:s2] =	stream.indirect.scatter.add.f32 [tilespmem:s21], [sflag:$0x2], $0x20, s24, s18, $0xb8;
	[tilespmem:$0x17000] =	vst v63  }
0x46: {  	s4 =	simm.s32 $0xC900  }
0x47: {  	[spmem:s2] =	stream.indirect.scatter.add.f32 [tilespmem:s23], [sflag:$0x2], $0x20, s4, s18, $0xb8;
	[tilespmem:$0x17000] =	vst v63  }
0x48: {  	s5 =	simm.s32 $0xC980  }
0x49: {  	[spmem:s2] =	stream.indirect.scatter.add.f32 [tilespmem:s25], [sflag:$0x2], $0x20, s5, s18, $0xb8;
	[tilespmem:$0x17000] =	vst v63  }
0x4a: {  	_ =	swait.ge [sflag:s31], $0x1000  }
0x4b: {  	[sflag:s31] =	ssyncset.done $0x0  }
0x4c: {  	[sflag:s31] =	ssyncadd.s32 $0xFFFFF000  }
0x4d: {  	_ =	swait.ge [sflag:s31], $0x1000  }
0x4e: {  	[sflag:s31] =	ssyncset.done $0x0  }
0x4f: {  	[sflag:s31] =	ssyncadd.s32 $0xFFFFF000  }
0x50: {  	_ =	swait.ge [sflag:s31], $0x1000  }
0x51: {  	[sflag:s31] =	ssyncset.done $0x0  }
0x52: {  	[sflag:s31] =	ssyncadd.s32 $0xFFFFF000  }
0x53: {  	p0 =	por $0x0, $0x0;
	_ =	swait.ge [sflag:s31], $0x1000  }
0x54: {  	s16 =	simm.s32 @!p0 $0xF000;
	[sflag:s31] =	ssyncset.done $0x0  }
0x55: {  	s20 =	simm.s32 @!p0 $0xA400;
	s22 =	simm.s32 @!p0 $0x80;
	[sflag:s31] =	ssyncadd.s32 $0xFFFFF000  }
0x56: {  	[tilespmem:s16], [sflag:$0x1] =	stream.indirect.gather @!p0 [spmem:s3], $0x20, s20, s22, $0xb8;
	[tilespmem:$0x17000] =	vst v63  }
0x57: {  	s16 =	simm.s32 @!p0 $0xA480;
	s20 =	simm.s32 @!p0 $0x10000  }
0x58: {  	[tilespmem:s20], [sflag:$0x1] =	stream.indirect.gather @!p0 [spmem:s3], $0x20, s16, s22, $0xb8;
	[tilespmem:$0x17000] =	vst v63  }
0x59: {  	s16 =	simm.s32 @!p0 $0xA500;
	s20 =	simm.s32 @!p0 $0x11000  }
0x5a: {  	[tilespmem:s20], [sflag:$0x1] =	stream.indirect.gather @!p0 [spmem:s3], $0x20, s16, s22, $0xb8;
	[tilespmem:$0x17000] =	vst v63  }
0x5b: {  	s16 =	simm.s32 @!p0 $0xA580;
	s20 =	simm.s32 @!p0 $0x12000  }
0x5c: {  	[tilespmem:s20], [sflag:$0x1] =	stream.indirect.gather @!p0 [spmem:s3], $0x20, s16, s22, $0xb8;
	[tilespmem:$0x17000] =	vst v63  }
0x5d: {  	_ =	swait.ge [sflag:s17], $0x1000  }
0x5e: {  	[sflag:s17] =	ssyncset.done $0x0  }
0x5f: {  	[sflag:s17] =	ssyncadd.s32 $0xFFFFF000  }
0x60: {  	_ =	swait.ge [sflag:s17], $0x1000  }
0x61: {  	[sflag:s17] =	ssyncset.done $0x0  }
0x62: {  	[sflag:s17] =	ssyncadd.s32 $0xFFFFF000  }
0x63: {  	_ =	swait.ge [sflag:s17], $0x1000  }
0x64: {  	[sflag:s17] =	ssyncset.done $0x0  }
0x65: {  	[sflag:s17] =	ssyncadd.s32 $0xFFFFF000  }
0x66: {  	_ =	swait.ge [sflag:s17], $0x1000  }
0x67: {  	[sflag:s17] =	ssyncset.done $0x0  }
0x68: {  	s8 =	simm.s32 $0xCA00;
	[sflag:s17] =	ssyncadd.s32 $0xFFFFF000  }
0x69: {  	[spmem:s2] =	stream.indirect.scatter.add.f32 [tilespmem:s26], [sflag:$0x2], $0x20, s8, s18, $0xb8;
	[tilespmem:$0x17000] =	vst v63  }
0x6a: {  	s20 =	simm.s32 $0xCA80  }
0x6b: {  	[spmem:s2] =	stream.indirect.scatter.add.f32 [tilespmem:s28], [sflag:$0x2], $0x20, s20, s18, $0xb8;
	[tilespmem:$0x17000] =	vst v63  }
0x6c: {  	s22 =	simm.s32 $0xCB00  }
0x6d: {  	[spmem:s2] =	stream.indirect.scatter.add.f32 [tilespmem:s29], [sflag:$0x2], $0x20, s22, s18, $0xb8;
	[tilespmem:$0x17000] =	vst v63  }
0x6e: {  	s24 =	simm.s32 $0xCB80  }
0x6f: {  	[spmem:s2] =	stream.indirect.scatter.add.f32 [tilespmem:s30], [sflag:$0x2], $0x20, s24, s18, $0xb8;
	[tilespmem:$0x17000] =	vst v63  }
0x70: {  	_ =	swait.ge [sflag:s31], $0x1000  }
0x71: {  	[sflag:s31] =	ssyncset.done $0x0  }
0x72: {  	[sflag:s31] =	ssyncadd.s32 $0xFFFFF000  }
0x73: {  	_ =	swait.ge [sflag:s31], $0x1000  }
0x74: {  	[sflag:s31] =	ssyncset.done $0x0  }
0x75: {  	[sflag:s31] =	ssyncadd.s32 $0xFFFFF000  }
0x76: {  	_ =	swait.ge [sflag:s31], $0x1000  }
0x77: {  	[sflag:s31] =	ssyncset.done $0x0  }
0x78: {  	[sflag:s31] =	ssyncadd.s32 $0xFFFFF000  }
0x79: {  	_ =	swait.ge [sflag:s31], $0x1000  }
0x7a: {  	s16 =	simm.s32 $0x1000;
	[sflag:s31] =	ssyncset.done $0x0  }
.LBB2_2:
0x7b: {  	[sflag:s31] =	ssyncadd.s32 $0xFFFFF000;
	s22 =	smov.u32 s16;
	s16 =	sadd.s32 $0x1000, s16  }
0x7c: {  	_ =	swait.ge [sflag:s17], $0x1000;
	p0 =	sne.s32 s16, $0xA000  }
0x7d: {  	[sflag:s17] =	ssyncset.done $0x0  }
0x7e: {  	[sflag:s17] =	ssyncadd.s32 $0xFFFFF000  }
0x7f: {  	_ =	swait.ge [sflag:s17], $0x1000  }
0x80: {  	[sflag:s17] =	ssyncset.done $0x0  }
0x81: {  	[sflag:s17] =	ssyncadd.s32 $0xFFFFF000  }
0x82: {  	_ =	swait.ge [sflag:s17], $0x1000  }
0x83: {  	[sflag:s17] =	ssyncset.done $0x0  }
0x84: {  	[sflag:s17] =	ssyncadd.s32 $0xFFFFF000  }
0x85: {  	_ =	swait.ge [sflag:s17], $0x1000  }
0x86: {  	s20 =	sshra.s32 s22, $0x2;
	[sflag:s17] =	ssyncset.done $0x0  }
0x87: {  	s24 =	sadd.s32 $0xA200, s20;
	[sflag:s17] =	ssyncadd.s32 $0xFFFFF000  }
0x88: {  	[tilespmem:s26], [sflag:$0x1] =	stream.indirect.gather [spmem:s3], $0x20, s24, s18, $0xb8;
	[tilespmem:$0x17000] =	vst v63  }
0x89: {  	s24 =	sadd.s32 $0xA280, s20  }
0x8a: {  	[tilespmem:s28], [sflag:$0x1] =	stream.indirect.gather [spmem:s3], $0x20, s24, s18, $0xb8;
	[tilespmem:$0x17000] =	vst v63  }
0x8b: {  	s24 =	sadd.s32 $0xA300, s20  }
0x8c: {  	[tilespmem:s29], [sflag:$0x1] =	stream.indirect.gather [spmem:s3], $0x20, s24, s18, $0xb8;
	[tilespmem:$0x17000] =	vst v63  }
0x8d: {  	s24 =	sadd.s32 $0xA380, s20  }
0x8e: {  	[tilespmem:s30], [sflag:$0x1] =	stream.indirect.gather [spmem:s3], $0x20, s24, s18, $0xb8;
	[tilespmem:$0x17000] =	vst v63  }
0x8f: {  	s24 =	sadd.s32 $0xC800, s20  }
0x90: {  	[spmem:s2] =	stream.indirect.scatter.add.f32 [tilespmem:s19], [sflag:$0x2], $0x20, s24, s18, $0xb8;
	[tilespmem:$0x17000] =	vst v63  }
0x91: {  	s24 =	sadd.s32 $0xC880, s20  }
0x92: {  	[spmem:s2] =	stream.indirect.scatter.add.f32 [tilespmem:s21], [sflag:$0x2], $0x20, s24, s18, $0xb8;
	[tilespmem:$0x17000] =	vst v63  }
0x93: {  	s24 =	sadd.s32 $0xC900, s20  }
0x94: {  	[spmem:s2] =	stream.indirect.scatter.add.f32 [tilespmem:s23], [sflag:$0x2], $0x20, s24, s18, $0xb8;
	[tilespmem:$0x17000] =	vst v63  }
0x95: {  	s24 =	sadd.s32 $0xC980, s20  }
0x96: {  	[spmem:s2] =	stream.indirect.scatter.add.f32 [tilespmem:s25], [sflag:$0x2], $0x20, s24, s18, $0xb8;
	[tilespmem:$0x17000] =	vst v63  }
0x97: {  	_ =	swait.ge [sflag:s31], $0x1000  }
0x98: {  	[sflag:s31] =	ssyncset.done $0x0  }
0x99: {  	[sflag:s31] =	ssyncadd.s32 $0xFFFFF000  }
0x9a: {  	_ =	swait.ge [sflag:s31], $0x1000  }
0x9b: {  	[sflag:s31] =	ssyncset.done $0x0  }
0x9c: {  	[sflag:s31] =	ssyncadd.s32 $0xFFFFF000  }
0x9d: {  	_ =	swait.ge [sflag:s31], $0x1000  }
0x9e: {  	[sflag:s31] =	ssyncset.done $0x0  }
0x9f: {  	[sflag:s31] =	ssyncadd.s32 $0xFFFFF000  }
0xa0: {  	p1 =	seq.s32 s22, $0x9000;
	_ =	swait.ge [sflag:s31], $0x1000  }
0xa1: {  	s22 =	sshra.s32 @!p1 s22, $0x2;
	s24 =	simm.s32 @!p1 $0xF000;
	[sflag:s31] =	ssyncset.done $0x0  }
0xa2: {  	s5 =	simm.s32 @!p1 $0x80;
	s4 =	sadd.s32 @!p1 $0xA400, s22;
	[sflag:s31] =	ssyncadd.s32 $0xFFFFF000  }
0xa3: {  	[tilespmem:s24], [sflag:$0x1] =	stream.indirect.gather @!p1 [spmem:s3], $0x20, s4, s5, $0xb8;
	[tilespmem:$0x17000] =	vst v63  }
0xa4: {  	s8 =	sadd.s32 @!p1 $0xA500, s22;
	s4 =	sadd.s32 @!p1 $0xA480, s22;
	s24 =	simm.s32 @!p1 $0x10000  }
0xa5: {  	[tilespmem:s24], [sflag:$0x1] =	stream.indirect.gather @!p1 [spmem:s3], $0x20, s4, s5, $0xb8;
	[tilespmem:$0x17000] =	vst v63  }
0xa6: {  	s22 =	sadd.s32 @!p1 $0xA580, s22;
	s4 =	simm.s32 @!p1 $0x11000  }
0xa7: {  	[tilespmem:s4], [sflag:$0x1] =	stream.indirect.gather @!p1 [spmem:s3], $0x20, s8, s5, $0xb8;
	[tilespmem:$0x17000] =	vst v63  }
0xa8: {  	s4 =	simm.s32 @!p1 $0x12000  }
0xa9: {  	[tilespmem:s4], [sflag:$0x1] =	stream.indirect.gather @!p1 [spmem:s3], $0x20, s22, s5, $0xb8;
	[tilespmem:$0x17000] =	vst v63  }
0xaa: {  	_ =	swait.ge [sflag:s17], $0x1000  }
0xab: {  	[sflag:s17] =	ssyncset.done $0x0  }
0xac: {  	[sflag:s17] =	ssyncadd.s32 $0xFFFFF000  }
0xad: {  	_ =	swait.ge [sflag:s17], $0x1000  }
0xae: {  	[sflag:s17] =	ssyncset.done $0x0  }
0xaf: {  	[sflag:s17] =	ssyncadd.s32 $0xFFFFF000  }
0xb0: {  	_ =	swait.ge [sflag:s17], $0x1000  }
0xb1: {  	[sflag:s17] =	ssyncset.done $0x0  }
0xb2: {  	[sflag:s17] =	ssyncadd.s32 $0xFFFFF000  }
0xb3: {  	_ =	swait.ge [sflag:s17], $0x1000  }
0xb4: {  	[sflag:s17] =	ssyncset.done $0x0  }
0xb5: {  	s4 =	sadd.s32 $0xCA00, s20;
	[sflag:s17] =	ssyncadd.s32 $0xFFFFF000  }
0xb6: {  	[spmem:s2] =	stream.indirect.scatter.add.f32 [tilespmem:s26], [sflag:$0x2], $0x20, s4, s18, $0xb8;
	[tilespmem:$0x17000] =	vst v63  }
0xb7: {  	s4 =	sadd.s32 $0xCA80, s20  }
0xb8: {  	[spmem:s2] =	stream.indirect.scatter.add.f32 [tilespmem:s28], [sflag:$0x2], $0x20, s4, s18, $0xb8;
	[tilespmem:$0x17000] =	vst v63  }
0xb9: {  	s4 =	sadd.s32 $0xCB00, s20  }
0xba: {  	[spmem:s2] =	stream.indirect.scatter.add.f32 [tilespmem:s29], [sflag:$0x2], $0x20, s4, s18, $0xb8;
	[tilespmem:$0x17000] =	vst v63  }
0xbb: {  	s4 =	sadd.s32 $0xCB80, s20  }
0xbc: {  	[spmem:s2] =	stream.indirect.scatter.add.f32 [tilespmem:s30], [sflag:$0x2], $0x20, s4, s18, $0xb8;
	[tilespmem:$0x17000] =	vst v63  }
0xbd: {  	_ =	swait.ge [sflag:s31], $0x1000  }
0xbe: {  	[sflag:s31] =	ssyncset.done $0x0  }
0xbf: {  	[sflag:s31] =	ssyncadd.s32 $0xFFFFF000  }
0xc0: {  	_ =	swait.ge [sflag:s31], $0x1000  }
0xc1: {  	[sflag:s31] =	ssyncset.done $0x0  }
0xc2: {  	[sflag:s31] =	ssyncadd.s32 $0xFFFFF000  }
.Ltmp0:
0xc3: {  	_ =	swait.ge [sflag:s31], $0x1000;
	(pc) =	sbr.rel @p0 .LBB2_2-.Ltmp0, $4  }
0xc4: {  	[sflag:s31] =	ssyncset.done $0x0  }
0xc5: {  	[sflag:s31] =	ssyncadd.s32 $0xFFFFF000  }
0xc6: {  	_ =	swait.ge [sflag:s31], $0x1000  }
0xc7: {  	[sflag:s31] =	ssyncset.done $0x0  }
0xc8: {  	s1 =	sadd.s32 $0x1, s1  }
0xc9: {  	[sflag:s31] =	ssyncadd.s32 $0xFFFFF000;
	p0 =	sne.s32 s1, s12  }
.Ltmp1:
0xca: {  	s4 =	sor.u32 $0x1C03, s6;
	[bflag:$0x0] =	sbarrier.arrive $0xFFFF;
	(pc) =	sbr.rel @p0 .LBB2_1-.Ltmp1, $4  }
0xcb: {  	[hbm:s11], [sflag:s4] =	dma.local [spmem:s13], $0xA00  }
0xcc: {  	_ =	swait.ge [sflag:s0], $0xA00  }
0xcd: {  	[sflag:s0] =	ssyncset.done $0x0  }
0xce: {  	[sflag:s0] =	ssyncadd.s32 $0xFFFFF600  }
0xcf: {  	_ =	sfence.sel $0x180000  }
0xd0: {  	[bflag:$0x0] =	sbarrier.arrive $0xFFFF  }
0xd1: {  	_ =	strace $0x9000004D  }
0xd2: {  	s0 =	stileid.u32;
	[bflag:$0x2] =	sbarrier.arrive $0xFFFF  }
0xd3: {  	p0 =	sne.s32 s0, $0x0;
	s0 =	rddreg [dreg:$0x3]  }
0xd4: {  	s0 =	sadd.s32 @!p0 $0x100000, s0  }
0xd5: {  	[sflag:s0] =	ssyncadd.tile.s32 @!p0 $0x1;
	_ =	shalt  }
.Lfunc_end2:
_tile_overlayer_lowered:
.L_overlay_start_2:
0xd6: {  	(tag) =	ssettag $0x2  }
0xd7: {  	s0 =	rddreg [dreg:$0x0];
	s2 =	stileid.u32  }
0xd8: {  	s1 =	rddreg [dreg:$0x1];
	p0 =	sne.s32 s2, $0x0  }
0xd9: {  	s3 =	rddreg [dreg:$0x2];
	[bflag:$0x3] =	sbarrier.arrive $0xFFFF;
	s2 =	simm.s32 @!p0 $0x1C03  }
0xda: {  	[timem:s3], [sflag:s2] =	dma.local @!p0 [hbm:s0], s1  }
0xdb: {  	s0 =	simm.s32 @!p0 $0x3  }
0xdc: {  	_ =	swait.ge @!p0 [sflag:s0], s1  }
0xdd: {  	s1 =	ssub.s32 @!p0 $0x0, s1;
	[sflag:s0] =	ssyncset.done @!p0 $0x0  }
0xde: {  	[sflag:s0] =	ssyncadd.s32 @!p0 s1  }
0xdf: {  	[bflag:$0x3] =	sbarrier.arrive $0xFFFF  }
0xe0: {  	_ =	shalt  }

// kernel: kernel.9.cloned.1.call-start
scs
__scs_entry_jumppad:
0x0: {  	(pc) =	sbr.rel $0x88, $3  }
0x1: {  	(tag) =	ssettag $0x0;
	lr =	simm.s32 $0x1  }
0x2: {  	[smem:$0x3F9D] =	sst lr;
	_ =	strace $0xD0000000  }
0x3: {  	_ = 	snop  }
0x4: {  	_ = 	snop  }
0x5: {  	_ = 	snop  }
0x6: {  	_ = 	snop  }
0x7: {  	_ = 	snop  }
__scs_overlays_trampoline_lowered:
0x8: {  	[smem:$0x3FAC] =	sst s0  }
0x9: {  	[smem:$0x3FAD] =	sst s1  }
0xa: {  	[smem:$0x3FAE] =	sst s2  }
0xb: {  	[smem:$0x3FAF] =	sst s3  }
0xc: {  	[smem:$0x3FB0] =	sst s4  }
0xd: {  	[smem:$0x3FB1] =	sst s5  }
0xe: {  	[smem:$0x3FB2] =	sst s6  }
0xf: {  	[smem:$0x3FB3] =	sst s7  }
0x10: {  	[smem:$0x3FB4] =	sst s8  }
0x11: {  	[smem:$0x3FB5] =	sst s9;
	s0 =	simm.s32 @!p0 $0x0  }
0x12: {  	s1 =	sld [smem:$0x3F9B];
	s0 =	simm.s32 @p0 $0x1  }
0x13: {  	[smem:$0x3FB6] =	sst s0;
	s0 =	simm.s32 @!p1 $0x0  }
0x14: {  	s2 =	sld [smem:$0x3F9A];
	s0 =	simm.s32 @p1 $0x1  }
0x15: {  	[smem:$0x3FB7] =	sst s0;
	s0 =	simm.s32 @!p2 $0x0  }
0x16: {  	s3 =	sld [smem:$0x3FDB];
	s0 =	simm.s32 @p2 $0x1  }
0x17: {  	s4 =	simm.s32 $0x1BF5;
	[smem:$0x3FB9] =	sst s0  }
0x18: {  	s0 =	sld [smem:$0x3F9C];
	_ =	swait.ge [sflag:s4], $0x0  }
0x19: {  	s7 =	sld [smem:$0x3F9D]  }
0x1a: {  	s8 =	sadd.s32 $0xFFFFE003, lr  }
0x1b: {  	s9 =	sadd.s32 $0xFFFFFEF7, lr;
	s5 =	simm.s32 $0xFFFFFFFF;
	p2 =	slt.u32 s8, $0xFFFFF086  }
0x1c: {  	p1 =	slt.u32 s9, $0xF7A;
	s5 =	simm.s32 @!p2 $0x0  }
0x1d: {  	s5 =	simm.s32 @p1 $0x1;
	p0 =	seq.s32 s7, s2  }
0x1e: {  	s7 =	smul.u32 @!p0 $0xF7A, s2;
	p2 =	seq.s32 @!p0 s5, $0x0  }
0x1f: {  	s9 =	smul.u32 $0xF7A, s1;
	s8 =	simm.s32 @!p0 $0x1BF5;
	p2 =	por !p2, p0  }
0x20: {  	[sflag:s8] =	ssyncset.s32 @!p0 $0xFFFFF086;
	s6 =	sadd.s32 @!p0 s3, s7;
	s7 =	simm.s32 @!p0 $0x108  }
0x21: {  	s3 =	sadd.s32 s3, s9;
	s6 =	sadd.s32 @!p0 $0x88, s6;
	s7 =	simm.s32 @p2 $0x1082  }
0x22: {  	[simem:s7], [sflag:s8] =	dma.local @!p0 [hbm:s6], $0xF7A  }
0x23: {  	s9 =	sor.u32 $0xD0000000, s2;
	s6 =	simm.s32 $0x108;
	_ =	swait.ge @!p0 [sflag:s8], $0x0  }
0x24: {  	s3 =	sadd.s32 $0x88, s3;
	s6 =	simm.s32 @!p1 $0x1082;
	[sflag:s4] =	ssyncset.s32 $0xFFFFF086  }
0x25: {  	[simem:s6], [sflag:s4] =	dma.local [hbm:s3], $0xF7A  }
0x26: {  	[smem:$0x3F9D] =	sst s1;
	(tag) =	ssettag s2;
	_ =	strace s9  }
0x27: {  	s1 =	sld [smem:$0x3FAD]  }
0x28: {  	s2 =	sld [smem:$0x3FAE]  }
0x29: {  	s4 =	sld [smem:$0x3FB0]  }
0x2a: {  	p0 =	seq.s32 s5, $0x0;
	s5 =	sld [smem:$0x3FB1]  }
0x2b: {  	s6 =	sld [smem:$0x3FB2]  }
0x2c: {  	s7 =	sld [smem:$0x3FB3]  }
0x2d: {  	s3 =	simm.s32 $0x108;
	s8 =	sld [smem:$0x3FB4]  }
0x2e: {  	s3 =	simm.s32 @!p0 $0x1082;
	s9 =	sld [smem:$0x3FB5]  }
0x2f: {  	lr =	sadd.s32 s0, s3;
	s0 =	sld [smem:$0x3FAC]  }
0x30: {  	s3 =	sld [smem:$0x3FAF]  }
0x31: {  	[smem:$0x3FB8] =	sst s10  }
0x32: {  	s10 =	sld [smem:$0x3FB6];
	_ =	sdelay $0x3  }
0x33: {  	p0 =	seq.s32 s10, $0x1;
	s10 =	sld [smem:$0x3FB8];
	_ =	sdelay $0x3  }
0x34: {  	[smem:$0x3FB8] =	sst s10  }
0x35: {  	s10 =	sld [smem:$0x3FB7];
	_ =	sdelay $0x3  }
0x36: {  	p1 =	seq.s32 s10, $0x1;
	s10 =	sld [smem:$0x3FB8];
	_ =	sdelay $0x3  }
0x37: {  	[smem:$0x3FB8] =	sst s10  }
0x38: {  	s10 =	sld [smem:$0x3FB9]  }
0x39: {  	_ = 	snop;
	(pc) =	sbr.ind lr, $3  }
0x3a: {  	_ = 	snop  }
0x3b: {  	_ = 	snop  }
0x3c: {  	p2 =	seq.s32 s10, $0x1;
	s10 =	sld [smem:$0x3FB8]  }
0x3d: {  	_ =	shalt  }
0x3e: {  	_ =	shalt  }
0x3f: {  	_ =	shalt  }
0x40: {  	_ =	shalt  }
0x41: {  	_ =	shalt  }
0x42: {  	_ =	shalt  }
0x43: {  	_ =	shalt  }
0x44: {  	_ =	shalt  }
0x45: {  	_ =	shalt  }
0x46: {  	_ =	shalt  }
0x47: {  	_ =	shalt  }
0x48: {  	_ =	shalt  }
0x49: {  	_ =	shalt  }
0x4a: {  	_ =	shalt  }
0x4b: {  	_ =	shalt  }
0x4c: {  	_ =	shalt  }
0x4d: {  	_ =	shalt  }
0x4e: {  	_ =	shalt  }
0x4f: {  	_ =	shalt  }
0x50: {  	_ =	shalt  }
0x51: {  	_ =	shalt  }
0x52: {  	_ =	shalt  }
0x53: {  	_ =	shalt  }
0x54: {  	_ =	shalt  }
0x55: {  	_ =	shalt  }
0x56: {  	_ =	shalt  }
0x57: {  	_ =	shalt  }
0x58: {  	_ =	shalt  }
0x59: {  	_ =	shalt  }
0x5a: {  	_ =	shalt  }
0x5b: {  	_ =	shalt  }
0x5c: {  	_ =	shalt  }
0x5d: {  	_ =	shalt  }
0x5e: {  	_ =	shalt  }
0x5f: {  	_ =	shalt  }
0x60: {  	_ =	shalt  }
0x61: {  	_ =	shalt  }
0x62: {  	_ =	shalt  }
0x63: {  	_ =	shalt  }
0x64: {  	_ =	shalt  }
0x65: {  	_ =	shalt  }
0x66: {  	_ =	shalt  }
0x67: {  	_ =	shalt  }
0x68: {  	_ =	shalt  }
0x69: {  	_ =	shalt  }
0x6a: {  	_ =	shalt  }
0x6b: {  	_ =	shalt  }
0x6c: {  	_ =	shalt  }
0x6d: {  	_ =	shalt  }
0x6e: {  	_ =	shalt  }
0x6f: {  	_ =	shalt  }
0x70: {  	_ =	shalt  }
0x71: {  	_ =	shalt  }
0x72: {  	_ =	shalt  }
0x73: {  	_ =	shalt  }
0x74: {  	_ =	shalt  }
0x75: {  	_ =	shalt  }
0x76: {  	_ =	shalt  }
0x77: {  	_ =	shalt  }
0x78: {  	_ =	shalt  }
0x79: {  	_ =	shalt  }
0x7a: {  	_ =	shalt  }
0x7b: {  	_ =	shalt  }
0x7c: {  	_ =	shalt  }
0x7d: {  	_ =	shalt  }
0x7e: {  	_ =	shalt  }
0x7f: {  	_ =	shalt  }
0x80: {  	_ =	shalt  }
0x81: {  	_ =	shalt  }
0x82: {  	_ =	shalt  }
0x83: {  	_ =	shalt  }
0x84: {  	_ =	shalt  }
0x85: {  	_ =	shalt  }
0x86: {  	_ =	shalt  }
0x87: {  	_ =	shalt  }
.Lfunc_end0:
.L_simem_size_0:
called_computation_lowered:
.L_overlay_start_0:
0x88: {  	s2 =	sld [smem:$0x3FD9]  }
0x89: {  	s3 =	sld [smem:$0x3FFE];
	_ =	sdelay $0x1  }
0x8a: {  	s1 =	srdreg.scid  }
0x8b: {  	s0 =	sand.u32 $0x1, s1  }
0x8c: {  	s17 =	sshll.u32 s0, $0xA;
	s2 =	sadd.s32 s3, s2  }
0x8d: {  	s2 =	sadd.s32 s2, s17  }
0x8e: {  	[smem:$0x3FC4] =	sst s2  }
0x8f: {  	_ = 	snop  }
0x90: {  	s2 =	sld [smem:$0x3FD0];
	(tm) =	ssettm $0x1  }
0x91: {  	s18 =	sld [smem:$0x3FFB];
	_ =	sdelay $0x3  }
0x92: {  	_ =	strace s18  }
0x93: {  	s3 =	sld [smem:$0x3FFC];
	_ =	sdelay $0x3  }
0x94: {  	_ =	strace s3  }
0x95: {  	s3 =	sld [smem:$0x3FFD];
	_ =	sdelay $0x3  }
0x96: {  	_ =	strace s3  }
0x97: {  	_ =	strace $0x8FFFFFFF  }
0x98: {  	s19 =	sld [smem:$0x3FDB];
	_ =	sdelay $0x1  }
0x99: {  	s4 =	simm.s32 $_scs_section_size  }
0x9a: {  	s5 =	simm.s32 $_size__tile_overlayer_lowered;
	s6 =	simm.s32 $_tile_overlayer_lowered  }
0x9b: {  	s22 =	simm.s32 $0x1BFF;
	s21 =	sshll.u32 s6, $0x1;
	s3 =	sadd.s32 s4, s19  }
0x9c: {  	s7 =	simm.s32 $0x0;
	s20 =	sshll.u32 s5, $0x1;
	s5 =	sadd.s32 s21, s3  }
0x9d: {  	[timem:s7], [sflag:s22] =	dma.local [hbm:s5], s20  }
0x9e: {  	_ =	swait.ge [sflag:s22], s20  }
0x9f: {  	s4 =	ssub.s32 $0x0, s20;
	[sflag:s22] =	ssyncset.done $0x0  }
0xa0: {  	[sflag:s22] =	ssyncadd.s32 s4;
	_ =	sdelay $0x1  }
0xa1: {  	s23 =	simm.s32 $0x1B8B  }
0xa2: {  	_ =	swait.ge [sflag:s23], $0x1  }
0xa3: {  	[sflag:s23] =	ssyncset.done $0x0  }
0xa4: {  	s25 =	simm.s32 $0x1B8E;
	s24 =	sld [smem:$0x3FFE];
	[sflag:s23] =	ssyncadd.s32 $0xFFFFFFFF  }
0xa5: {  	s26 =	simm.s32 $execute0_lowered;
	[smem:$0x3FD2] =	sst s25  }
0xa6: {  	s5 =	sshll.u32 s26, $0x1;
	_ =	strace $0x80000046;
	[dreg:$0x1] =	wrdreg $0xFFFFFFFF  }
0xa7: {  	s28 =	simm.s32 $_size_execute0_lowered;
	s3 =	sadd.s32 s3, s5;
	[dreg:$0x0] =	wrdreg $0x0  }
0xa8: {  	s5 =	sshll.u32 s28, $0x1;
	[dreg:$0x2] =	wrdreg s3  }
0xa9: {  	[dreg:$0x3] =	wrdreg s5  }
0xaa: {  	[dreg:$0x4] =	wrdreg $0xC0  }
0xab: {  	_ =	task [dreg:s7], $0x5FFFF  }
0xac: {  	[dreg:$0x1] =	wrdreg $0xFFFFFFFF  }
0xad: {  	[dreg:$0x0] =	wrdreg $0x60  }
0xae: {  	[dreg:$0x2] =	wrdreg s24  }
0xaf: {  	[dreg:$0x3] =	wrdreg s2  }
0xb0: {  	[dreg:$0x4] =	wrdreg $0x0  }
0xb1: {  	[dreg:$0x5] =	wrdreg $0x9  }
0xb2: {  	_ =	task.clear_ibuf [dreg:s7], $0x6FFFF;
	_ =	strace $0x90000046  }
0xb3: {  	s29 =	simm.s32 $0x9;
	_ =	strace $0x80000048  }
0xb4: {  	_ =	swait.ge [sflag:s29], $0x1  }
0xb5: {  	[sflag:s29] =	ssyncadd.s32 $0xFFFFFFFF  }
0xb6: {  	_ =	strace $0x90000048  }
0xb7: {  	_ =	sfence  }
0xb8: {  	s30 =	sld [smem:$0x0];
	_ =	sdelay $0x2  }
0xb9: {  	s31 =	sshll.u32 s1, $0xD;
	s1 =	sshrl.u32 s1, $0x2  }
0xba: {  	s3 =	sand.u32 $0x4000, s31;
	s1 =	sadd.s32 s1, s30  }
0xbb: {  	s0 =	sor.u32 s3, s0;
	s1 =	sshll.u32 s1, $0x11  }
0xbc: {  	s0 =	sor.u32 s1, s0  }
0xbd: {  	s0 =	sadd.s32 $0x8F2B, s0  }
0xbe: {  	[sflag:s0] =	ssyncadd.remote.s32 $0x1  }
0xbf: {  	_ =	sfence.sel $0xFFFF  }
0xc0: {  	[dreg:$0x0] =	wrdreg $0xFFFFFFFF;
	(pc) =	sbr.abs _section_cstart, $3  }
0xc1: {  	[dreg:$0x1] =	wrdreg $0xFFFFFFFF  }
0xc2: {  	_ =	task.clear_ibuf [dreg:s7], $0x2FFFF;
	_ =	strace $0x9FFFFFFF  }
0xc3: {  	(tm) =	ssettm $0x7FFFFFFF  }
tec
execute0_lowered:
.L_overlay_start_1:
0x0: {  	(tag) =	ssettag $0x1  }
0x1: {  	s1 =	srdreg.scid;
	s5 =	rddreg [dreg:$0x0]  }
0x2: {  	s0 =	stileid.u32;
	s2 =	rddreg [dreg:$0x1]  }
0x3: {  	s3 =	rddreg [dreg:$0x2];
	s4 =	simm.s32 $0x0;
	s13 =	simm.s32 $0x1  }
0x4: {  	s14 =	simm.s32 $0x80;
	s15 =	simm.s32 $0x5080;
	s16 =	simm.s32 $0x5100  }
0x5: {  	s17 =	simm.s32 $0x5180;
	s18 =	simm.s32 $0x5200;
	s19 =	simm.s32 $0x5280  }
0x6: {  	s20 =	simm.s32 $0x5300;
	s21 =	simm.s32 $0x5380;
	s23 =	simm.s32 $0x2  }
0x7: {  	s24 =	simm.s32 $0x0;
	s6 =	sand.u32 $0x1, s1;
	s31 =	sshll.u32 s0, $0x1  }
0x8: {  	s8 =	smul.u32 $0x5000, s0;
	[smem:$0x7FF] =	sst s4;
	s22 =	sshll.u32 s0, $0x6  }
0x9: {  	s1 =	sor.u32 s6, s31;
	s9 =	smul.u32 $0x50000, s6;
	s6 =	ssub.s32 $0x2, s6  }
0xa: {  	s7 =	smul.u32 $0x500, s1;
	s1 =	rddreg [dreg:$0x3];
	_ =	strace $0x80000047  }
0xb: {  	s10 =	sshrl.u32 s8, $0x3;
	s11 =	sshrl.u32 s6, $0x1;
	s12 =	sadd.s32 s8, s3  }
0xc: {  	s9 =	sadd.s32 s8, s9;
	s10 =	sadd.s32 s10, s5;
	s11 =	ssub.s32 s6, s11  }
0xd: {  	s6 =	sor.u32 $0x1C01, s22;
	s22 =	sor.u32 $0x1C02, s22;
	s9 =	sshrl.u32 s9, $0x3  }
0xe: {  	s7 =	sadd.s32 s7, s5;
	s9 =	sadd.s32 s9, s5;
	s5 =	sadd.s32 $0x16200, s10  }
0xf: {  	s7 =	sadd.s32 $0xC200, s7;
	s10 =	sshrl.u32 s12, $0x3;
	s12 =	simm.s32 $0x5000  }
0x10: {  	s8 =	sadd.s32 $0x20200, s9;
	s9 =	smax.u32 s11, $0x1;
	s11 =	simm.s32 $0x7800  }
.LBB2_1:
0x11: {  	[spmem:s10], [sflag:s6] =	dma.local [hbm:s5], $0xA00  }
0x12: {  	[tilespmem:s11], [sflag:$0x1] =	stream.linear.gather [hbm4b:s2+s4], $0x1000, $0x38;
	[tilespmem:$0x8800] =	vst v63  }
0x13: {  	_ = 	snop  }
0x14: {  	[tilespmem:s12], [sflag:$0x1] =	stream.linear.gather [hbm4b:s7+s4], $0x2800, $0x38;
	[tilespmem:$0x8800] =	vst v63  }
0x15: {  	_ =	swait.ge [sflag:s13], $0xA00  }
0x16: {  	[sflag:s13] =	ssyncset.done $0x0  }
0x17: {  	[sflag:s13] =	ssyncadd.s32 $0xFFFFF600  }
0x18: {  	_ =	swait.ge [sflag:s13], $0x1000  }
0x19: {  	[sflag:s13] =	ssyncset.done $0x0  }
0x1a: {  	[sflag:s13] =	ssyncadd.s32 $0xFFFFF000  }
0x1b: {  	_ =	swait.ge [sflag:s13], $0x2800  }
0x1c: {  	[sflag:s13] =	ssyncset.done $0x0  }
0x1d: {  	[sflag:s13] =	ssyncadd.s32 $0xFFFFD800  }
0x1e: {  	[bflag:$0x0] =	sbarrier.arrive $0xFFFF  }
0x1f: {  	[spmem:s3] =	stream.indirect.scatter.add.f32 [tilespmem:s11], [sflag:$0x1], $0x20, s12, s14, $0xb8;
	[tilespmem:$0x8800] =	vst v63  }
0x20: {  	_ = 	snop  }
0x21: {  	[spmem:s3] =	stream.indirect.scatter.add.f32 [tilespmem:s11], [sflag:$0x1], $0x20, s15, s14, $0xb8;
	[tilespmem:$0x8800] =	vst v63  }
0x22: {  	_ = 	snop  }
0x23: {  	[spmem:s3] =	stream.indirect.scatter.add.f32 [tilespmem:s11], [sflag:$0x1], $0x20, s16, s14, $0xb8;
	[tilespmem:$0x8800] =	vst v63  }
0x24: {  	_ = 	snop  }
0x25: {  	[spmem:s3] =	stream.indirect.scatter.add.f32 [tilespmem:s11], [sflag:$0x1], $0x20, s17, s14, $0xb8;
	[tilespmem:$0x8800] =	vst v63  }
0x26: {  	_ = 	snop  }
0x27: {  	[spmem:s3] =	stream.indirect.scatter.add.f32 [tilespmem:s11], [sflag:$0x1], $0x20, s18, s14, $0xb8;
	[tilespmem:$0x8800] =	vst v63  }
0x28: {  	_ = 	snop  }
0x29: {  	[spmem:s3] =	stream.indirect.scatter.add.f32 [tilespmem:s11], [sflag:$0x1], $0x20, s19, s14, $0xb8;
	[tilespmem:$0x8800] =	vst v63  }
0x2a: {  	_ = 	snop  }
0x2b: {  	[spmem:s3] =	stream.indirect.scatter.add.f32 [tilespmem:s11], [sflag:$0x1], $0x20, s20, s14, $0xb8;
	[tilespmem:$0x8800] =	vst v63  }
0x2c: {  	_ = 	snop  }
0x2d: {  	[spmem:s3] =	stream.indirect.scatter.add.f32 [tilespmem:s11], [sflag:$0x1], $0x20, s21, s14, $0xb8;
	[tilespmem:$0x8800] =	vst v63  }
0x2e: {  	s25 =	simm.s32 $0x5400  }
0x2f: {  	[spmem:s3] =	stream.indirect.scatter.add.f32 [tilespmem:s11], [sflag:$0x1], $0x20, s25, s14, $0xb8;
	[tilespmem:$0x8800] =	vst v63  }
0x30: {  	s31 =	simm.s32 $0x5480  }
0x31: {  	[spmem:s3] =	stream.indirect.scatter.add.f32 [tilespmem:s11], [sflag:$0x1], $0x20, s31, s14, $0xb8;
	[tilespmem:$0x8800] =	vst v63  }
0x32: {  	s26 =	simm.s32 $0x5500  }
0x33: {  	[spmem:s3] =	stream.indirect.scatter.add.f32 [tilespmem:s11], [sflag:$0x1], $0x20, s26, s14, $0xb8;
	[tilespmem:$0x8800] =	vst v63  }
0x34: {  	s30 =	simm.s32 $0x5580  }
0x35: {  	[spmem:s3] =	stream.indirect.scatter.add.f32 [tilespmem:s11], [sflag:$0x1], $0x20, s30, s14, $0xb8;
	[tilespmem:$0x8800] =	vst v63  }
0x36: {  	s31 =	simm.s32 $0x5600  }
0x37: {  	[spmem:s3] =	stream.indirect.scatter.add.f32 [tilespmem:s11], [sflag:$0x1], $0x20, s31, s14, $0xb8;
	[tilespmem:$0x8800] =	vst v63  }
0x38: {  	s26 =	simm.s32 $0x5680  }
0x39: {  	[spmem:s3] =	stream.indirect.scatter.add.f32 [tilespmem:s11], [sflag:$0x1], $0x20, s26, s14, $0xb8;
	[tilespmem:$0x8800] =	vst v63  }
0x3a: {  	s30 =	simm.s32 $0x5700  }
0x3b: {  	[spmem:s3] =	stream.indirect.scatter.add.f32 [tilespmem:s11], [sflag:$0x1], $0x20, s30, s14, $0xb8;
	[tilespmem:$0x8800] =	vst v63  }
0x3c: {  	s31 =	simm.s32 $0x5780  }
0x3d: {  	[spmem:s3] =	stream.indirect.scatter.add.f32 [tilespmem:s11], [sflag:$0x1], $0x20, s31, s14, $0xb8;
	[tilespmem:$0x8800] =	vst v63  }
0x3e: {  	_ =	swait.ge [sflag:s13], $0x1000  }
0x3f: {  	[sflag:s13] =	ssyncset.done $0x0  }
0x40: {  	[sflag:s13] =	ssyncadd.s32 $0xFFFFF000  }
0x41: {  	_ =	swait.ge [sflag:s13], $0x1000  }
0x42: {  	[sflag:s13] =	ssyncset.done $0x0  }
0x43: {  	[sflag:s13] =	ssyncadd.s32 $0xFFFFF000  }
0x44: {  	_ =	swait.ge [sflag:s13], $0x1000  }
0x45: {  	[sflag:s13] =	ssyncset.done $0x0  }
0x46: {  	[sflag:s13] =	ssyncadd.s32 $0xFFFFF000  }
0x47: {  	_ =	swait.ge [sflag:s13], $0x1000  }
0x48: {  	[sflag:s13] =	ssyncset.done $0x0  }
0x49: {  	[sflag:s13] =	ssyncadd.s32 $0xFFFFF000  }
0x4a: {  	_ =	swait.ge [sflag:s13], $0x1000  }
0x4b: {  	[sflag:s13] =	ssyncset.done $0x0  }
0x4c: {  	[sflag:s13] =	ssyncadd.s32 $0xFFFFF000  }
0x4d: {  	_ =	swait.ge [sflag:s13], $0x1000  }
0x4e: {  	[sflag:s13] =	ssyncset.done $0x0  }
0x4f: {  	[sflag:s13] =	ssyncadd.s32 $0xFFFFF000  }
0x50: {  	_ =	swait.ge [sflag:s13], $0x1000  }
0x51: {  	[sflag:s13] =	ssyncset.done $0x0  }
0x52: {  	[sflag:s13] =	ssyncadd.s32 $0xFFFFF000  }
0x53: {  	_ =	swait.ge [sflag:s13], $0x1000  }
0x54: {  	s29 =	simm.s32 $0x2000;
	s28 =	simm.s32 $0x400;
	[sflag:s13] =	ssyncset.done $0x0  }
.LBB2_2:
0x55: {  	s30 =	sadd.s32 $0x5400, s28  }
0x56: {  	[sflag:s13] =	ssyncadd.s32 $0xFFFFF000;
	s26 =	smov.u32 s29;
	s25 =	sadd.s32 $0x1000, s29  }
0x57: {  	[spmem:s3] =	stream.indirect.scatter.add.f32 [tilespmem:s11], [sflag:$0x1], $0x20, s30, s14, $0xb8;
	[tilespmem:$0x8800] =	vst v63  }
0x58: {  	p0 =	sne.s32 s29, $0x8000;
	s29 =	sadd.s32 $0x5480, s28  }
0x59: {  	[spmem:s3] =	stream.indirect.scatter.add.f32 [tilespmem:s11], [sflag:$0x1], $0x20, s29, s14, $0xb8;
	[tilespmem:$0x8800] =	vst v63  }
0x5a: {  	s29 =	sadd.s32 $0x5500, s28  }
0x5b: {  	[spmem:s3] =	stream.indirect.scatter.add.f32 [tilespmem:s11], [sflag:$0x1], $0x20, s29, s14, $0xb8;
	[tilespmem:$0x8800] =	vst v63  }
0x5c: {  	s29 =	sadd.s32 $0x5580, s28  }
0x5d: {  	[spmem:s3] =	stream.indirect.scatter.add.f32 [tilespmem:s11], [sflag:$0x1], $0x20, s29, s14, $0xb8;
	[tilespmem:$0x8800] =	vst v63  }
0x5e: {  	s29 =	sadd.s32 $0x5600, s28  }
0x5f: {  	[spmem:s3] =	stream.indirect.scatter.add.f32 [tilespmem:s11], [sflag:$0x1], $0x20, s29, s14, $0xb8;
	[tilespmem:$0x8800] =	vst v63  }
0x60: {  	s29 =	sadd.s32 $0x5680, s28  }
0x61: {  	[spmem:s3] =	stream.indirect.scatter.add.f32 [tilespmem:s11], [sflag:$0x1], $0x20, s29, s14, $0xb8;
	[tilespmem:$0x8800] =	vst v63  }
0x62: {  	s29 =	sadd.s32 $0x5700, s28  }
0x63: {  	[spmem:s3] =	stream.indirect.scatter.add.f32 [tilespmem:s11], [sflag:$0x1], $0x20, s29, s14, $0xb8;
	[tilespmem:$0x8800] =	vst v63  }
0x64: {  	s28 =	sadd.s32 $0x5780, s28  }
0x65: {  	[spmem:s3] =	stream.indirect.scatter.add.f32 [tilespmem:s11], [sflag:$0x1], $0x20, s28, s14, $0xb8;
	[tilespmem:$0x8800] =	vst v63  }
0x66: {  	_ =	swait.ge [sflag:s13], $0x1000  }
0x67: {  	[sflag:s13] =	ssyncset.done $0x0  }
0x68: {  	[sflag:s13] =	ssyncadd.s32 $0xFFFFF000  }
0x69: {  	_ =	swait.ge [sflag:s13], $0x1000  }
0x6a: {  	[sflag:s13] =	ssyncset.done $0x0  }
0x6b: {  	[sflag:s13] =	ssyncadd.s32 $0xFFFFF000  }
0x6c: {  	_ =	swait.ge [sflag:s13], $0x1000  }
0x6d: {  	[sflag:s13] =	ssyncset.done $0x0  }
0x6e: {  	[sflag:s13] =	ssyncadd.s32 $0xFFFFF000  }
0x6f: {  	_ =	swait.ge [sflag:s13], $0x1000  }
0x70: {  	[sflag:s13] =	ssyncset.done $0x0  }
0x71: {  	[sflag:s13] =	ssyncadd.s32 $0xFFFFF000  }
0x72: {  	_ =	swait.ge [sflag:s13], $0x1000  }
0x73: {  	[sflag:s13] =	ssyncset.done $0x0  }
0x74: {  	[sflag:s13] =	ssyncadd.s32 $0xFFFFF000  }
0x75: {  	_ =	swait.ge [sflag:s13], $0x1000  }
0x76: {  	[sflag:s13] =	ssyncset.done $0x0  }
0x77: {  	[sflag:s13] =	ssyncadd.s32 $0xFFFFF000  }
.Ltmp0:
0x78: {  	_ =	swait.ge [sflag:s13], $0x1000;
	(pc) =	sbr.rel @p0 .LBB2_2-.Ltmp0, $4  }
0x79: {  	[sflag:s13] =	ssyncset.done $0x0  }
0x7a: {  	[sflag:s13] =	ssyncadd.s32 $0xFFFFF000  }
0x7b: {  	_ =	swait.ge [sflag:s13], $0x1000  }
0x7c: {  	s29 =	smov.u32 s25;
	s28 =	sshra.s32 s26, $0x2;
	[sflag:s13] =	ssyncset.done $0x0  }
0x7d: {  	s25 =	sadd.s32 $0x5400, s28;
	[sflag:s13] =	ssyncadd.s32 $0xFFFFF000  }
0x7e: {  	[spmem:s3] =	stream.indirect.scatter.add.f32 [tilespmem:s11], [sflag:$0x1], $0x20, s25, s14, $0xb8;
	[tilespmem:$0x8800] =	vst v63  }
0x7f: {  	s29 =	sadd.s32 $0x5480, s28  }
0x80: {  	[spmem:s3] =	stream.indirect.scatter.add.f32 [tilespmem:s11], [sflag:$0x1], $0x20, s29, s14, $0xb8;
	[tilespmem:$0x8800] =	vst v63  }
0x81: {  	s30 =	sadd.s32 $0x5500, s28  }
0x82: {  	[spmem:s3] =	stream.indirect.scatter.add.f32 [tilespmem:s11], [sflag:$0x1], $0x20, s30, s14, $0xb8;
	[tilespmem:$0x8800] =	vst v63  }
0x83: {  	s31 =	sadd.s32 $0x5580, s28  }
0x84: {  	[spmem:s3] =	stream.indirect.scatter.add.f32 [tilespmem:s11], [sflag:$0x1], $0x20, s31, s14, $0xb8;
	[tilespmem:$0x8800] =	vst v63  }
0x85: {  	s26 =	sadd.s32 $0x5600, s28  }
0x86: {  	[spmem:s3] =	stream.indirect.scatter.add.f32 [tilespmem:s11], [sflag:$0x1], $0x20, s26, s14, $0xb8;
	[tilespmem:$0x8800] =	vst v63  }
0x87: {  	s29 =	sadd.s32 $0x5680, s28  }
0x88: {  	[spmem:s3] =	stream.indirect.scatter.add.f32 [tilespmem:s11], [sflag:$0x1], $0x20, s29, s14, $0xb8;
	[tilespmem:$0x8800] =	vst v63  }
0x89: {  	s30 =	sadd.s32 $0x5700, s28  }
0x8a: {  	[spmem:s3] =	stream.indirect.scatter.add.f32 [tilespmem:s11], [sflag:$0x1], $0x20, s30, s14, $0xb8;
	[tilespmem:$0x8800] =	vst v63  }
0x8b: {  	s31 =	sadd.s32 $0x5780, s28  }
0x8c: {  	[spmem:s3] =	stream.indirect.scatter.add.f32 [tilespmem:s11], [sflag:$0x1], $0x20, s31, s14, $0xb8;
	[tilespmem:$0x8800] =	vst v63  }
0x8d: {  	_ =	swait.ge [sflag:s13], $0x1000  }
0x8e: {  	[sflag:s13] =	ssyncset.done $0x0  }
0x8f: {  	[sflag:s13] =	ssyncadd.s32 $0xFFFFF000  }
0x90: {  	_ =	swait.ge [sflag:s13], $0x1000  }
0x91: {  	[sflag:s13] =	ssyncset.done $0x0  }
0x92: {  	[sflag:s13] =	ssyncadd.s32 $0xFFFFF000  }
0x93: {  	_ =	swait.ge [sflag:s13], $0x1000  }
0x94: {  	[sflag:s13] =	ssyncset.done $0x0  }
0x95: {  	[sflag:s13] =	ssyncadd.s32 $0xFFFFF000  }
0x96: {  	_ =	swait.ge [sflag:s13], $0x1000  }
0x97: {  	[sflag:s13] =	ssyncset.done $0x0  }
0x98: {  	[sflag:s13] =	ssyncadd.s32 $0xFFFFF000  }
0x99: {  	_ =	swait.ge [sflag:s13], $0x1000  }
0x9a: {  	[sflag:s13] =	ssyncset.done $0x0  }
0x9b: {  	[sflag:s13] =	ssyncadd.s32 $0xFFFFF000  }
0x9c: {  	_ =	swait.ge [sflag:s13], $0x1000  }
0x9d: {  	[sflag:s13] =	ssyncset.done $0x0  }
0x9e: {  	[sflag:s13] =	ssyncadd.s32 $0xFFFFF000  }
0x9f: {  	_ =	swait.ge [sflag:s13], $0x1000  }
0xa0: {  	[sflag:s13] =	ssyncset.done $0x0  }
0xa1: {  	[sflag:s13] =	ssyncadd.s32 $0xFFFFF000  }
0xa2: {  	_ =	swait.ge [sflag:s13], $0x1000  }
0xa3: {  	[sflag:s13] =	ssyncset.done $0x0  }
0xa4: {  	[sflag:s13] =	ssyncadd.s32 $0xFFFFF000  }
0xa5: {  	_ =	swait.ge [sflag:s13], $0x1000  }
0xa6: {  	[sflag:s13] =	ssyncset.done $0x0  }
0xa7: {  	[sflag:s13] =	ssyncadd.s32 $0xFFFFF000  }
0xa8: {  	_ =	swait.ge [sflag:s13], $0x1000  }
0xa9: {  	[sflag:s13] =	ssyncset.done $0x0  }
0xaa: {  	[sflag:s13] =	ssyncadd.s32 $0xFFFFF000  }
0xab: {  	_ =	swait.ge [sflag:s13], $0x1000  }
0xac: {  	[sflag:s13] =	ssyncset.done $0x0  }
0xad: {  	[sflag:s13] =	ssyncadd.s32 $0xFFFFF000  }
0xae: {  	_ =	swait.ge [sflag:s13], $0x1000  }
0xaf: {  	[sflag:s13] =	ssyncset.done $0x0  }
0xb0: {  	[sflag:s13] =	ssyncadd.s32 $0xFFFFF000  }
0xb1: {  	_ =	swait.ge [sflag:s13], $0x1000  }
0xb2: {  	[sflag:s13] =	ssyncset.done $0x0  }
0xb3: {  	[sflag:s13] =	ssyncadd.s32 $0xFFFFF000  }
0xb4: {  	_ =	swait.ge [sflag:s13], $0x1000  }
0xb5: {  	[sflag:s13] =	ssyncset.done $0x0  }
0xb6: {  	[sflag:s13] =	ssyncadd.s32 $0xFFFFF000  }
0xb7: {  	_ =	swait.ge [sflag:s13], $0x1000  }
0xb8: {  	[sflag:s13] =	ssyncset.done $0x0  }
0xb9: {  	[sflag:s13] =	ssyncadd.s32 $0xFFFFF000  }
0xba: {  	_ =	swait.ge [sflag:s13], $0x1000  }
0xbb: {  	s24 =	sadd.s32 $0x1, s24;
	[sflag:s13] =	ssyncset.done $0x0  }
0xbc: {  	p0 =	sne.s32 s24, s9;
	[sflag:s13] =	ssyncadd.s32 $0xFFFFF000  }
.Ltmp1:
0xbd: {  	[bflag:$0x0] =	sbarrier.arrive $0xFFFF;
	(pc) =	sbr.rel @p0 .LBB2_1-.Ltmp1, $4  }
0xbe: {  	[hbm:s8], [sflag:s22] =	dma.local [spmem:s10], $0xA00  }
0xbf: {  	_ =	swait.ge [sflag:s23], $0xA00  }
0xc0: {  	[sflag:s23] =	ssyncset.done $0x0  }
0xc1: {  	[sflag:s23] =	ssyncadd.s32 $0xFFFFF600  }
0xc2: {  	_ =	sfence.sel $0x180000  }
0xc3: {  	[bflag:$0x0] =	sbarrier.arrive $0xFFFF  }
0xc4: {  	p0 =	sne.s32 s0, $0x0;
	_ =	strace $0x90000047  }
0xc5: {  	s0 =	sadd.s32 @!p0 $0x100000, s1;
	[bflag:$0x2] =	sbarrier.arrive $0xFFFF  }
0xc6: {  	[sflag:s0] =	ssyncadd.tile.s32 @!p0 $0x1;
	_ =	shalt  }
.Lfunc_end2:
_tile_overlayer_lowered:
.L_overlay_start_2:
0xc7: {  	(tag) =	ssettag $0x2  }
0xc8: {  	s0 =	rddreg [dreg:$0x0];
	s2 =	stileid.u32  }
0xc9: {  	s1 =	rddreg [dreg:$0x1];
	p0 =	sne.s32 s2, $0x0  }
0xca: {  	s3 =	rddreg [dreg:$0x2];
	[bflag:$0x3] =	sbarrier.arrive $0xFFFF;
	s2 =	simm.s32 @!p0 $0x1C02  }
0xcb: {  	[timem:s3], [sflag:s2] =	dma.local @!p0 [hbm:s0], s1  }
0xcc: {  	s0 =	simm.s32 @!p0 $0x2  }
0xcd: {  	_ =	swait.ge @!p0 [sflag:s0], s1  }
0xce: {  	s1 =	ssub.s32 @!p0 $0x0, s1;
	[sflag:s0] =	ssyncset.done @!p0 $0x0  }
0xcf: {  	[sflag:s0] =	ssyncadd.s32 @!p0 s1  }
0xd0: {  	[bflag:$0x3] =	sbarrier.arrive $0xFFFF  }
0xd1: {  	_ =	shalt  }

</sc_bundles>
